<compile_context>
chip_gen: v7x
topology: tpu7x:2x2x1
jax: 0.10.2.dev20260603
libtpu: 0.0.44.dev20260713+nightly
codegen_flags: <defaults>
</compile_context>

<pallas_src>
import functools

import jax
import jax.numpy as jnp
from jax import lax
from jax.experimental import pallas as pl
from jax.experimental.pallas import tpu as pltpu
from jax.experimental.pallas import tpu_sc as plsc

_T = 128
_B = 128
_D = 128
_S = 2048
_TD = _T * _D
_NW = 32
_BPW = _B // _NW
_JB = 32
_NBLK = _S // _JB


def _sc_body(t_hbm, xt_hbm, out_hbm, t_v, sl_v, ob_v, sem):
    wid = lax.axis_index("s") * 2 + lax.axis_index("c")
    b0 = wid * _BPW
    pltpu.sync_copy(t_hbm, t_v.at[pl.ds(0, _S)])
    pltpu.sync_copy(xt_hbm.at[pl.ds(b0 * _TD, _BPW * _TD)], sl_v)

    def _drain(buf):
        for bloc in range(_BPW):
            pltpu.make_async_copy(
                ob_v.at[buf, bloc], out_hbm.at[0, pl.ds(0, _JB), :], sem
            ).wait()

    @pl.loop(0, _NBLK)
    def _block(blk):
        buf = lax.rem(blk, 2)

        @plsc.parallel_loop(0, _JB, unroll=4)
        def _query(jj):
            j = blk * _JB + jj
            tj = t_v[pl.ds(j, 16)][0]
            ij0 = tj.astype(jnp.int32)
            ij0 = ij0 - jnp.where(ij0.astype(jnp.float32) > tj, 1, 0)
            ij = jnp.clip(ij0, 0, _T - 2)
            wv = jnp.full((16,), tj - ij.astype(jnp.float32), jnp.float32)
            for bloc in range(_BPW):
                off = bloc * _TD + ij * _D
                for k in range(_D // 16):
                    a = sl_v[pl.ds(off + k * 16, 16)]
                    bb = sl_v[pl.ds(off + _D + k * 16, 16)]
                    ob_v[buf, bloc, jj, pl.ds(k * 16, 16)] = a + wv * (bb - a)

        @pl.when(blk >= 1)
        def _():
            _drain(buf)

        for bloc in range(_BPW):
            pltpu.async_copy(
                ob_v.at[buf, bloc],
                out_hbm.at[b0 + bloc, pl.ds(blk * _JB, _JB), :],
                sem,
            )

    _drain(0)


def kernel(t, t_knots, x0, knots, x1):
    del t_knots
    xt = jnp.concatenate([x0, knots, x1], axis=0)
    xt_bt = jnp.transpose(xt, (1, 0, 2)).reshape(_B * _TD)
    mesh = plsc.VectorSubcoreMesh(
        core_axis_name="c", subcore_axis_name="s", num_cores=2, num_subcores=16
    )
    run = functools.partial(
        pl.kernel,
        out_type=jax.ShapeDtypeStruct((_B, _S, _D), jnp.float32),
        mesh=mesh,
        scratch_types=[
            pltpu.VMEM((_S + 16,), jnp.float32),
            pltpu.VMEM((_BPW * _TD,), jnp.float32),
            pltpu.VMEM((2, _BPW, _JB, _D), jnp.float32),
            pltpu.SemaphoreType.DMA,
        ],
    )(_sc_body)
    return run(t, xt_bt)

# --- scband reference (transcript-rebuilt; emitter-appended) ---
"""Pipeline reference for scband-end-point-spline-13855564497524 (READ-ONLY COPY).

The authoritative reference and input builder live on the scoring server;
editing this copy changes nothing except your own understanding.
"""

import jax, jax.numpy as jnp
import numpy as np

T = 128
B = 128
D = 128
S = 2048


def linear_interp1d(tk, x, mask, query):
    # tk: (T, B), x: (T, B, D), query: (S, B) -> (S, B, D)
    Tn = tk.shape[0]

    def per_b(tb, xb, qb):
        idx = jnp.clip(jnp.searchsorted(tb, qb), 1, Tn - 1)
        t0 = tb[idx - 1]
        t1 = tb[idx]
        p0 = xb[idx - 1]
        p1 = xb[idx]
        w = ((qb - t0) / (t1 - t0))[:, None]
        return p0 + w * (p1 - p0)

    return jax.vmap(per_b, in_axes=(1, 1, 1), out_axes=1)(tk, x, query)


def setup_inputs(seed: int = 0):
    key = jax.random.key(seed)
    k1, k2, k3, k4 = jax.random.split(key, 4)
    # query times in [0, T-1)
    t = jax.random.uniform(k1, (S,), dtype=jnp.float32) * (T - 1)
    # sorted knot times (module's registered buffer `t`)
    t_knots = jnp.arange(T, dtype=jnp.float32)
    # endpoint buffers and learned interior knots, stored time-major (T, B, D)
    x0 = jax.random.normal(k2, (1, B, D), dtype=jnp.float32)
    knots = jax.random.normal(k3, (T - 2, B, D), dtype=jnp.float32)
    x1 = jax.random.normal(k4, (1, B, D), dtype=jnp.float32)
    return {"t": t, "t_knots": t_knots, "x0": x0, "knots": knots, "x1": x1}


def reference(t, t_knots, x0, knots, x1):
    Bn = x0.shape[1]
    Dn = x0.shape[2]
    Sn = t.shape[0]
    # xt = cat([x0, knots, x1], dim=0)  (T, B, D)
    xt = jnp.concatenate([x0, knots, x1], axis=0)
    Tn = xt.shape[0]
    # t_epd = t.reshape(-1,1).expand(-1, B)
    t_epd = jnp.broadcast_to(t_knots[:, None], (Tn, Bn))
    # query_t = t.reshape(-1,1).expand(-1, B)
    q = jnp.broadcast_to(t[:, None], (Sn, Bn))
    yt = linear_interp1d(t_epd, xt, None, q)  # (S, B, D)
    yt = jnp.transpose(yt, (1, 0, 2))  # (B, S, D)
    return yt

if __name__ == "__main__":
    import jax
    _d = setup_inputs()
    print(jax.jit(kernel)(*tuple(_d.values())))

</pallas_src>

<mosaic_0001>
#map = affine_map<(d0, d1) -> (0)>
#map1 = affine_map<(d0, d1) -> (0, 0, 0)>
module attributes {stable_mosaic.version = 14 : i64} {
  func.func @_sc_body(%arg0: i32, %arg1: i32, %arg2: memref<2048xf32, #tpu.memory_space<hbm>>, %arg3: memref<2097152xf32, #tpu.memory_space<hbm>>, %arg4: memref<128x2048x128xf32, #tpu.memory_space<hbm>>, %arg5: memref<2064xf32, #tpu.memory_space<vmem>>, %arg6: memref<65536xf32, #tpu.memory_space<vmem>>, %arg7: memref<2x4x32x128xf32, #tpu.memory_space<vmem>>, %arg8: memref<!tpu.dma_semaphore, #tpu.memory_space<semaphore_mem>>) attributes {dimension_semantics = [#tpu.dimension_semantics<core_parallel>, #tpu.dimension_semantics<subcore_parallel>], iteration_bounds = array<i64: 2, 16>, scalar_prefetch = 0 : i64, scratch_operands = 4 : i64, tpu.core_type = #tpu.core_type<sc_vector_subcore>, window_params = [{transform_indices = #map}, {transform_indices = #map}, {transform_indices = #map1}]} {
    %mul3A = arith.constant 2 : i32
    %mul3A_0 = arith.muli %arg1, %mul3A : i32
    %add3A = arith.addi %mul3A_0, %arg0 : i32
    %mul3A_1 = arith.constant 4 : i32
    %mul3A_2 = arith.muli %add3A, %mul3A_1 : i32
    "tpu.region"() ({
      %run_scoped3A = tpu.sem_alloc : memref<!tpu.dma_semaphore, #tpu.memory_space<semaphore_mem>>
      %dma_start3A = arith.constant 0 : i32
      %dma_start3A_84 = tpu.memref_slice %arg5[%dma_start3A] : memref<2064xf32, #tpu.memory_space<vmem>> -> memref<2048xf32, #tpu.memory_space<vmem>>
      %dma_start3A_85 = arith.constant 0 : i32
      %dma_start3A_86 = tpu.memref_slice %arg5[%dma_start3A_85] : memref<2064xf32, #tpu.memory_space<vmem>> -> memref<2048xf32, #tpu.memory_space<vmem>>
      tpu.enqueue_dma source(%arg2 : memref<2048xf32, #tpu.memory_space<hbm>>) target(%dma_start3A_86 : memref<2048xf32, #tpu.memory_space<vmem>>) target_semaphore(%run_scoped3A : memref<!tpu.dma_semaphore, #tpu.memory_space<semaphore_mem>>)
      %dma_wait3A_87 = arith.constant 0 : i32
      %dma_wait3A_88 = tpu.memref_slice %arg5[%dma_wait3A_87] : memref<2064xf32, #tpu.memory_space<vmem>> -> memref<2048xf32, #tpu.memory_space<vmem>>
      %dma_wait3A_89 = arith.constant 0 : i32
      %dma_wait3A_90 = tpu.memref_slice %arg5[%dma_wait3A_89] : memref<2064xf32, #tpu.memory_space<vmem>> -> memref<2048xf32, #tpu.memory_space<vmem>>
      tpu.wait_dma2 semaphore(%run_scoped3A : memref<!tpu.dma_semaphore, #tpu.memory_space<semaphore_mem>>) src(%arg2 : memref<2048xf32, #tpu.memory_space<hbm>>) dst(%dma_wait3A_90 : memref<2048xf32, #tpu.memory_space<vmem>>)
      tpu.yield
    }) : () -> ()
    %mul3A_3 = arith.constant 16384 : i32
    %mul3A_4 = arith.muli %mul3A_2, %mul3A_3 : i32
    "tpu.region"() ({
      %run_scoped3A = tpu.sem_alloc : memref<!tpu.dma_semaphore, #tpu.memory_space<semaphore_mem>>
      %dma_start3A = tpu.memref_slice %arg3[%mul3A_4] : memref<2097152xf32, #tpu.memory_space<hbm>> -> memref<65536xf32, #tpu.memory_space<hbm>>
      %dma_start3A_84 = tpu.memref_slice %arg3[%mul3A_4] : memref<2097152xf32, #tpu.memory_space<hbm>> -> memref<65536xf32, #tpu.memory_space<hbm>>
      tpu.enqueue_dma source(%dma_start3A_84 : memref<65536xf32, #tpu.memory_space<hbm>>) target(%arg6 : memref<65536xf32, #tpu.memory_space<vmem>>) target_semaphore(%run_scoped3A : memref<!tpu.dma_semaphore, #tpu.memory_space<semaphore_mem>>)
      %dma_wait3A_85 = tpu.memref_slice %arg3[%mul3A_4] : memref<2097152xf32, #tpu.memory_space<hbm>> -> memref<65536xf32, #tpu.memory_space<hbm>>
      %dma_wait3A_86 = tpu.memref_slice %arg3[%mul3A_4] : memref<2097152xf32, #tpu.memory_space<hbm>> -> memref<65536xf32, #tpu.memory_space<hbm>>
      tpu.wait_dma2 semaphore(%run_scoped3A : memref<!tpu.dma_semaphore, #tpu.memory_space<semaphore_mem>>) src(%dma_wait3A_86 : memref<65536xf32, #tpu.memory_space<hbm>>) dst(%arg6 : memref<65536xf32, #tpu.memory_space<vmem>>)
      tpu.yield
    }) : () -> ()
    %scan3A = arith.constant 0 : i32
    %scan3A_5 = arith.constant 64 : i32
    %scan3A_6 = arith.addi %scan3A, %scan3A_5 : i32
    %scan3A_7 = arith.constant 1 : i32
    scf.for %scan3A_84 = %scan3A to %scan3A_6 step %scan3A_7  : i32 {
      %mul3A_85 = arith.constant 1 : i32
      %mul3A_86 = arith.muli %scan3A_84, %mul3A_85 : i32
      %add3A_87 = arith.constant 0 : i32
      %add3A_88 = arith.addi %add3A_87, %mul3A_86 : i32
      %rem3A = arith.constant 2 : i32
      %rem3A_89 = arith.remsi %add3A_88, %rem3A : i32
      %parallel_loop3A = arith.constant 0 : i32
      %parallel_loop3A_90 = arith.constant 32 : i32
      %parallel_loop3A_91 = arith.constant 1 : i32
      scf.for %parallel_loop3A_169 = %parallel_loop3A to %parallel_loop3A_90 step %parallel_loop3A_91  : i32 {
        %parallel_loop3A_170 = arith.constant 32 : i32
        %parallel_loop3A_171 = arith.muli %add3A_88, %parallel_loop3A_170 : i32
        %parallel_loop3A_172 = arith.addi %parallel_loop3A_171, %parallel_loop3A_169 : i32
        %parallel_loop3A_173 = arith.index_cast %parallel_loop3A_172 : i32 to index
        %parallel_loop3A_174 = tpu.vector_load %arg5[%parallel_loop3A_173] {strides = array<i32>} : memref<2064xf32, #tpu.memory_space<vmem>>, vector<16xf32>,
        %parallel_loop3A_175 = vector.shape_cast %parallel_loop3A_174 : vector<16xf32> to vector<16xf32>
        %parallel_loop3A_176 = vector.extract_strided_slice %parallel_loop3A_175 {offsets = [0], sizes = [1], strides = [1]} : vector<16xf32> to vector<1xf32>
        %parallel_loop3A_177 = vector.extract %parallel_loop3A_176[0] : f32 from vector<1xf32>
        %parallel_loop3A_178 = arith.fptosi %parallel_loop3A_177 : f32 to i32
        %parallel_loop3A_179 = arith.sitofp %parallel_loop3A_178 : i32 to f32
        %parallel_loop3A_180 = arith.cmpf ogt, %parallel_loop3A_179, %parallel_loop3A_177 : f32
        %parallel_loop3A_181 = arith.constant 1 : i32
        %parallel_loop3A_182 = arith.constant 0 : i32
        %parallel_loop3A_183 = arith.select %parallel_loop3A_180, %parallel_loop3A_181, %parallel_loop3A_182 : i32
        %parallel_loop3A_184 = arith.subi %parallel_loop3A_178, %parallel_loop3A_183 : i32
        %parallel_loop3A_185 = arith.constant 0 : i32
        %parallel_loop3A_186 = arith.constant 126 : i32
        %parallel_loop3A_187 = arith.maxsi %parallel_loop3A_185, %parallel_loop3A_184 : i32
        %parallel_loop3A_188 = arith.minsi %parallel_loop3A_186, %parallel_loop3A_187 : i32
        %parallel_loop3A_189 = arith.sitofp %parallel_loop3A_188 : i32 to f32
        %parallel_loop3A_190 = arith.subf %parallel_loop3A_177, %parallel_loop3A_189 : f32
        %parallel_loop3A_191 = vector.broadcast %parallel_loop3A_190 : f32 to vector<16xf32>
        %parallel_loop3A_192 = arith.constant 128 : i32
        %parallel_loop3A_193 = arith.muli %parallel_loop3A_188, %parallel_loop3A_192 : i32
        %parallel_loop3A_194 = arith.constant 0 : i32
        %parallel_loop3A_195 = arith.addi %parallel_loop3A_194, %parallel_loop3A_193 : i32
        %parallel_loop3A_196 = arith.constant 0 : i32
        %parallel_loop3A_197 = arith.addi %parallel_loop3A_195, %parallel_loop3A_196 : i32
        %parallel_loop3A_198 = arith.index_cast %parallel_loop3A_197 : i32 to index
        %parallel_loop3A_199 = tpu.vector_load %arg6[%parallel_loop3A_198] {strides = array<i32>} : memref<65536xf32, #tpu.memory_space<vmem>>, vector<16xf32>,
        %parallel_loop3A_200 = vector.shape_cast %parallel_loop3A_199 : vector<16xf32> to vector<16xf32>
        %parallel_loop3A_201 = arith.constant 128 : i32
        %parallel_loop3A_202 = arith.addi %parallel_loop3A_195, %parallel_loop3A_201 : i32
        %parallel_loop3A_203 = arith.constant 0 : i32
        %parallel_loop3A_204 = arith.addi %parallel_loop3A_202, %parallel_loop3A_203 : i32
        %parallel_loop3A_205 = arith.index_cast %parallel_loop3A_204 : i32 to index
        %parallel_loop3A_206 = tpu.vector_load %arg6[%parallel_loop3A_205] {strides = array<i32>} : memref<65536xf32, #tpu.memory_space<vmem>>, vector<16xf32>,
        %parallel_loop3A_207 = vector.shape_cast %parallel_loop3A_206 : vector<16xf32> to vector<16xf32>
        %parallel_loop3A_208 = arith.subf %parallel_loop3A_207, %parallel_loop3A_200 : vector<16xf32>
        %parallel_loop3A_209 = arith.mulf %parallel_loop3A_191, %parallel_loop3A_208 : vector<16xf32>
        %parallel_loop3A_210 = arith.addf %parallel_loop3A_200, %parallel_loop3A_209 : vector<16xf32>
        %parallel_loop3A_211 = arith.constant 0 : i32
        %parallel_loop3A_212 = arith.index_cast %rem3A_89 : i32 to index
        %parallel_loop3A_213 = arith.index_cast %parallel_loop3A_211 : i32 to index
        %parallel_loop3A_214 = arith.index_cast %parallel_loop3A_169 : i32 to index
        %parallel_loop3A_215 = arith.constant 0 : index
        %parallel_loop3A_216 = tpu.vector_load %arg7[%parallel_loop3A_212, %parallel_loop3A_213, %parallel_loop3A_214, %parallel_loop3A_215] {strides = array<i32>} : memref<2x4x32x128xf32, #tpu.memory_space<vmem>>, vector<1x1x1x16xf32>,
        %parallel_loop3A_217 = vector.shape_cast %parallel_loop3A_216 : vector<1x1x1x16xf32> to vector<16xf32>
        %parallel_loop3A_218 = vector.shape_cast %parallel_loop3A_210 : vector<16xf32> to vector<1x1x1x16xf32>
        tpu.vector_store %arg7[%parallel_loop3A_212, %parallel_loop3A_213, %parallel_loop3A_214, %parallel_loop3A_215], %parallel_loop3A_218 {strides = array<i32>} : memref<2x4x32x128xf32, #tpu.memory_space<vmem>>, vector<1x1x1x16xf32>,
        %parallel_loop3A_219 = arith.constant 16 : i32
        %parallel_loop3A_220 = arith.addi %parallel_loop3A_195, %parallel_loop3A_219 : i32
        %parallel_loop3A_221 = arith.index_cast %parallel_loop3A_220 : i32 to index
        %parallel_loop3A_222 = tpu.vector_load %arg6[%parallel_loop3A_221] {strides = array<i32>} : memref<65536xf32, #tpu.memory_space<vmem>>, vector<16xf32>,
        %parallel_loop3A_223 = vector.shape_cast %parallel_loop3A_222 : vector<16xf32> to vector<16xf32>
        %parallel_loop3A_224 = arith.constant 128 : i32
        %parallel_loop3A_225 = arith.addi %parallel_loop3A_195, %parallel_loop3A_224 : i32
        %parallel_loop3A_226 = arith.constant 16 : i32
        %parallel_loop3A_227 = arith.addi %parallel_loop3A_225, %parallel_loop3A_226 : i32
        %parallel_loop3A_228 = arith.index_cast %parallel_loop3A_227 : i32 to index
        %parallel_loop3A_229 = tpu.vector_load %arg6[%parallel_loop3A_228] {strides = array<i32>} : memref<65536xf32, #tpu.memory_space<vmem>>, vector<16xf32>,
        %parallel_loop3A_230 = vector.shape_cast %parallel_loop3A_229 : vector<16xf32> to vector<16xf32>
        %parallel_loop3A_231 = arith.subf %parallel_loop3A_230, %parallel_loop3A_223 : vector<16xf32>
        %parallel_loop3A_232 = arith.mulf %parallel_loop3A_191, %parallel_loop3A_231 : vector<16xf32>
        %parallel_loop3A_233 = arith.addf %parallel_loop3A_223, %parallel_loop3A_232 : vector<16xf32>
        %parallel_loop3A_234 = arith.constant 0 : i32
        %parallel_loop3A_235 = arith.index_cast %rem3A_89 : i32 to index
        %parallel_loop3A_236 = arith.index_cast %parallel_loop3A_234 : i32 to index
        %parallel_loop3A_237 = arith.index_cast %parallel_loop3A_169 : i32 to index
        %parallel_loop3A_238 = arith.constant 16 : index
        %parallel_loop3A_239 = tpu.vector_load %arg7[%parallel_loop3A_235, %parallel_loop3A_236, %parallel_loop3A_237, %parallel_loop3A_238] {strides = array<i32>} : memref<2x4x32x128xf32, #tpu.memory_space<vmem>>, vector<1x1x1x16xf32>,
        %parallel_loop3A_240 = vector.shape_cast %parallel_loop3A_239 : vector<1x1x1x16xf32> to vector<16xf32>
        %parallel_loop3A_241 = vector.shape_cast %parallel_loop3A_233 : vector<16xf32> to vector<1x1x1x16xf32>
        tpu.vector_store %arg7[%parallel_loop3A_235, %parallel_loop3A_236, %parallel_loop3A_237, %parallel_loop3A_238], %parallel_loop3A_241 {strides = array<i32>} : memref<2x4x32x128xf32, #tpu.memory_space<vmem>>, vector<1x1x1x16xf32>,
        %parallel_loop3A_242 = arith.constant 32 : i32
        %parallel_loop3A_243 = arith.addi %parallel_loop3A_195, %parallel_loop3A_242 : i32
        %parallel_loop3A_244 = arith.index_cast %parallel_loop3A_243 : i32 to index
        %parallel_loop3A_245 = tpu.vector_load %arg6[%parallel_loop3A_244] {strides = array<i32>} : memref<65536xf32, #tpu.memory_space<vmem>>, vector<16xf32>,
        %parallel_loop3A_246 = vector.shape_cast %parallel_loop3A_245 : vector<16xf32> to vector<16xf32>
        %parallel_loop3A_247 = arith.constant 128 : i32
        %parallel_loop3A_248 = arith.addi %parallel_loop3A_195, %parallel_loop3A_247 : i32
        %parallel_loop3A_249 = arith.constant 32 : i32
        %parallel_loop3A_250 = arith.addi %parallel_loop3A_248, %parallel_loop3A_249 : i32
        %parallel_loop3A_251 = arith.index_cast %parallel_loop3A_250 : i32 to index
        %parallel_loop3A_252 = tpu.vector_load %arg6[%parallel_loop3A_251] {strides = array<i32>} : memref<65536xf32, #tpu.memory_space<vmem>>, vector<16xf32>,
        %parallel_loop3A_253 = vector.shape_cast %parallel_loop3A_252 : vector<16xf32> to vector<16xf32>
        %parallel_loop3A_254 = arith.subf %parallel_loop3A_253, %parallel_loop3A_246 : vector<16xf32>
        %parallel_loop3A_255 = arith.mulf %parallel_loop3A_191, %parallel_loop3A_254 : vector<16xf32>
        %parallel_loop3A_256 = arith.addf %parallel_loop3A_246, %parallel_loop3A_255 : vector<16xf32>
        %parallel_loop3A_257 = arith.constant 0 : i32
        %parallel_loop3A_258 = arith.index_cast %rem3A_89 : i32 to index
        %parallel_loop3A_259 = arith.index_cast %parallel_loop3A_257 : i32 to index
        %parallel_loop3A_260 = arith.index_cast %parallel_loop3A_169 : i32 to index
        %parallel_loop3A_261 = arith.constant 32 : index
        %parallel_loop3A_262 = tpu.vector_load %arg7[%parallel_loop3A_258, %parallel_loop3A_259, %parallel_loop3A_260, %parallel_loop3A_261] {strides = array<i32>} : memref<2x4x32x128xf32, #tpu.memory_space<vmem>>, vector<1x1x1x16xf32>,
        %parallel_loop3A_263 = vector.shape_cast %parallel_loop3A_262 : vector<1x1x1x16xf32> to vector<16xf32>
        %parallel_loop3A_264 = vector.shape_cast %parallel_loop3A_256 : vector<16xf32> to vector<1x1x1x16xf32>
        tpu.vector_store %arg7[%parallel_loop3A_258, %parallel_loop3A_259, %parallel_loop3A_260, %parallel_loop3A_261], %parallel_loop3A_264 {strides = array<i32>} : memref<2x4x32x128xf32, #tpu.memory_space<vmem>>, vector<1x1x1x16xf32>,
        %parallel_loop3A_265 = arith.constant 48 : i32
        %parallel_loop3A_266 = arith.addi %parallel_loop3A_195, %parallel_loop3A_265 : i32
        %parallel_loop3A_267 = arith.index_cast %parallel_loop3A_266 : i32 to index
        %parallel_loop3A_268 = tpu.vector_load %arg6[%parallel_loop3A_267] {strides = array<i32>} : memref<65536xf32, #tpu.memory_space<vmem>>, vector<16xf32>,
        %parallel_loop3A_269 = vector.shape_cast %parallel_loop3A_268 : vector<16xf32> to vector<16xf32>
        %parallel_loop3A_270 = arith.constant 128 : i32
        %parallel_loop3A_271 = arith.addi %parallel_loop3A_195, %parallel_loop3A_270 : i32
        %parallel_loop3A_272 = arith.constant 48 : i32
        %parallel_loop3A_273 = arith.addi %parallel_loop3A_271, %parallel_loop3A_272 : i32
        %parallel_loop3A_274 = arith.index_cast %parallel_loop3A_273 : i32 to index
        %parallel_loop3A_275 = tpu.vector_load %arg6[%parallel_loop3A_274] {strides = array<i32>} : memref<65536xf32, #tpu.memory_space<vmem>>, vector<16xf32>,
        %parallel_loop3A_276 = vector.shape_cast %parallel_loop3A_275 : vector<16xf32> to vector<16xf32>
        %parallel_loop3A_277 = arith.subf %parallel_loop3A_276, %parallel_loop3A_269 : vector<16xf32>
        %parallel_loop3A_278 = arith.mulf %parallel_loop3A_191, %parallel_loop3A_277 : vector<16xf32>
        %parallel_loop3A_279 = arith.addf %parallel_loop3A_269, %parallel_loop3A_278 : vector<16xf32>
        %parallel_loop3A_280 = arith.constant 0 : i32
        %parallel_loop3A_281 = arith.index_cast %rem3A_89 : i32 to index
        %parallel_loop3A_282 = arith.index_cast %parallel_loop3A_280 : i32 to index
        %parallel_loop3A_283 = arith.index_cast %parallel_loop3A_169 : i32 to index
        %parallel_loop3A_284 = arith.constant 48 : index
        %parallel_loop3A_285 = tpu.vector_load %arg7[%parallel_loop3A_281, %parallel_loop3A_282, %parallel_loop3A_283, %parallel_loop3A_284] {strides = array<i32>} : memref<2x4x32x128xf32, #tpu.memory_space<vmem>>, vector<1x1x1x16xf32>,
        %parallel_loop3A_286 = vector.shape_cast %parallel_loop3A_285 : vector<1x1x1x16xf32> to vector<16xf32>
        %parallel_loop3A_287 = vector.shape_cast %parallel_loop3A_279 : vector<16xf32> to vector<1x1x1x16xf32>
        tpu.vector_store %arg7[%parallel_loop3A_281, %parallel_loop3A_282, %parallel_loop3A_283, %parallel_loop3A_284], %parallel_loop3A_287 {strides = array<i32>} : memref<2x4x32x128xf32, #tpu.memory_space<vmem>>, vector<1x1x1x16xf32>,
        %parallel_loop3A_288 = arith.constant 64 : i32
        %parallel_loop3A_289 = arith.addi %parallel_loop3A_195, %parallel_loop3A_288 : i32
        %parallel_loop3A_290 = arith.index_cast %parallel_loop3A_289 : i32 to index
        %parallel_loop3A_291 = tpu.vector_load %arg6[%parallel_loop3A_290] {strides = array<i32>} : memref<65536xf32, #tpu.memory_space<vmem>>, vector<16xf32>,
        %parallel_loop3A_292 = vector.shape_cast %parallel_loop3A_291 : vector<16xf32> to vector<16xf32>
        %parallel_loop3A_293 = arith.constant 128 : i32
        %parallel_loop3A_294 = arith.addi %parallel_loop3A_195, %parallel_loop3A_293 : i32
        %parallel_loop3A_295 = arith.constant 64 : i32
        %parallel_loop3A_296 = arith.addi %parallel_loop3A_294, %parallel_loop3A_295 : i32
        %parallel_loop3A_297 = arith.index_cast %parallel_loop3A_296 : i32 to index
        %parallel_loop3A_298 = tpu.vector_load %arg6[%parallel_loop3A_297] {strides = array<i32>} : memref<65536xf32, #tpu.memory_space<vmem>>, vector<16xf32>,
        %parallel_loop3A_299 = vector.shape_cast %parallel_loop3A_298 : vector<16xf32> to vector<16xf32>
        %parallel_loop3A_300 = arith.subf %parallel_loop3A_299, %parallel_loop3A_292 : vector<16xf32>
        %parallel_loop3A_301 = arith.mulf %parallel_loop3A_191, %parallel_loop3A_300 : vector<16xf32>
        %parallel_loop3A_302 = arith.addf %parallel_loop3A_292, %parallel_loop3A_301 : vector<16xf32>
        %parallel_loop3A_303 = arith.constant 0 : i32
        %parallel_loop3A_304 = arith.index_cast %rem3A_89 : i32 to index
        %parallel_loop3A_305 = arith.index_cast %parallel_loop3A_303 : i32 to index
        %parallel_loop3A_306 = arith.index_cast %parallel_loop3A_169 : i32 to index
        %parallel_loop3A_307 = arith.constant 64 : index
        %parallel_loop3A_308 = tpu.vector_load %arg7[%parallel_loop3A_304, %parallel_loop3A_305, %parallel_loop3A_306, %parallel_loop3A_307] {strides = array<i32>} : memref<2x4x32x128xf32, #tpu.memory_space<vmem>>, vector<1x1x1x16xf32>,
        %parallel_loop3A_309 = vector.shape_cast %parallel_loop3A_308 : vector<1x1x1x16xf32> to vector<16xf32>
        %parallel_loop3A_310 = vector.shape_cast %parallel_loop3A_302 : vector<16xf32> to vector<1x1x1x16xf32>
        tpu.vector_store %arg7[%parallel_loop3A_304, %parallel_loop3A_305, %parallel_loop3A_306, %parallel_loop3A_307], %parallel_loop3A_310 {strides = array<i32>} : memref<2x4x32x128xf32, #tpu.memory_space<vmem>>, vector<1x1x1x16xf32>,
        %parallel_loop3A_311 = arith.constant 80 : i32
        %parallel_loop3A_312 = arith.addi %parallel_loop3A_195, %parallel_loop3A_311 : i32
        %parallel_loop3A_313 = arith.index_cast %parallel_loop3A_312 : i32 to index
        %parallel_loop3A_314 = tpu.vector_load %arg6[%parallel_loop3A_313] {strides = array<i32>} : memref<65536xf32, #tpu.memory_space<vmem>>, vector<16xf32>,
        %parallel_loop3A_315 = vector.shape_cast %parallel_loop3A_314 : vector<16xf32> to vector<16xf32>
        %parallel_loop3A_316 = arith.constant 128 : i32
        %parallel_loop3A_317 = arith.addi %parallel_loop3A_195, %parallel_loop3A_316 : i32
        %parallel_loop3A_318 = arith.constant 80 : i32
        %parallel_loop3A_319 = arith.addi %parallel_loop3A_317, %parallel_loop3A_318 : i32
        %parallel_loop3A_320 = arith.index_cast %parallel_loop3A_319 : i32 to index
        %parallel_loop3A_321 = tpu.vector_load %arg6[%parallel_loop3A_320] {strides = array<i32>} : memref<65536xf32, #tpu.memory_space<vmem>>, vector<16xf32>,
        %parallel_loop3A_322 = vector.shape_cast %parallel_loop3A_321 : vector<16xf32> to vector<16xf32>
        %parallel_loop3A_323 = arith.subf %parallel_loop3A_322, %parallel_loop3A_315 : vector<16xf32>
        %parallel_loop3A_324 = arith.mulf %parallel_loop3A_191, %parallel_loop3A_323 : vector<16xf32>
        %parallel_loop3A_325 = arith.addf %parallel_loop3A_315, %parallel_loop3A_324 : vector<16xf32>
        %parallel_loop3A_326 = arith.constant 0 : i32
        %parallel_loop3A_327 = arith.index_cast %rem3A_89 : i32 to index
        %parallel_loop3A_328 = arith.index_cast %parallel_loop3A_326 : i32 to index
        %parallel_loop3A_329 = arith.index_cast %parallel_loop3A_169 : i32 to index
        %parallel_loop3A_330 = arith.constant 80 : index
        %parallel_loop3A_331 = tpu.vector_load %arg7[%parallel_loop3A_327, %parallel_loop3A_328, %parallel_loop3A_329, %parallel_loop3A_330] {strides = array<i32>} : memref<2x4x32x128xf32, #tpu.memory_space<vmem>>, vector<1x1x1x16xf32>,
        %parallel_loop3A_332 = vector.shape_cast %parallel_loop3A_331 : vector<1x1x1x16xf32> to vector<16xf32>
        %parallel_loop3A_333 = vector.shape_cast %parallel_loop3A_325 : vector<16xf32> to vector<1x1x1x16xf32>
        tpu.vector_store %arg7[%parallel_loop3A_327, %parallel_loop3A_328, %parallel_loop3A_329, %parallel_loop3A_330], %parallel_loop3A_333 {strides = array<i32>} : memref<2x4x32x128xf32, #tpu.memory_space<vmem>>, vector<1x1x1x16xf32>,
        %parallel_loop3A_334 = arith.constant 96 : i32
        %parallel_loop3A_335 = arith.addi %parallel_loop3A_195, %parallel_loop3A_334 : i32
        %parallel_loop3A_336 = arith.index_cast %parallel_loop3A_335 : i32 to index
        %parallel_loop3A_337 = tpu.vector_load %arg6[%parallel_loop3A_336] {strides = array<i32>} : memref<65536xf32, #tpu.memory_space<vmem>>, vector<16xf32>,
        %parallel_loop3A_338 = vector.shape_cast %parallel_loop3A_337 : vector<16xf32> to vector<16xf32>
        %parallel_loop3A_339 = arith.constant 128 : i32
        %parallel_loop3A_340 = arith.addi %parallel_loop3A_195, %parallel_loop3A_339 : i32
        %parallel_loop3A_341 = arith.constant 96 : i32
        %parallel_loop3A_342 = arith.addi %parallel_loop3A_340, %parallel_loop3A_341 : i32
        %parallel_loop3A_343 = arith.index_cast %parallel_loop3A_342 : i32 to index
        %parallel_loop3A_344 = tpu.vector_load %arg6[%parallel_loop3A_343] {strides = array<i32>} : memref<65536xf32, #tpu.memory_space<vmem>>, vector<16xf32>,
        %parallel_loop3A_345 = vector.shape_cast %parallel_loop3A_344 : vector<16xf32> to vector<16xf32>
        %parallel_loop3A_346 = arith.subf %parallel_loop3A_345, %parallel_loop3A_338 : vector<16xf32>
        %parallel_loop3A_347 = arith.mulf %parallel_loop3A_191, %parallel_loop3A_346 : vector<16xf32>
        %parallel_loop3A_348 = arith.addf %parallel_loop3A_338, %parallel_loop3A_347 : vector<16xf32>
        %parallel_loop3A_349 = arith.constant 0 : i32
        %parallel_loop3A_350 = arith.index_cast %rem3A_89 : i32 to index
        %parallel_loop3A_351 = arith.index_cast %parallel_loop3A_349 : i32 to index
        %parallel_loop3A_352 = arith.index_cast %parallel_loop3A_169 : i32 to index
        %parallel_loop3A_353 = arith.constant 96 : index
        %parallel_loop3A_354 = tpu.vector_load %arg7[%parallel_loop3A_350, %parallel_loop3A_351, %parallel_loop3A_352, %parallel_loop3A_353] {strides = array<i32>} : memref<2x4x32x128xf32, #tpu.memory_space<vmem>>, vector<1x1x1x16xf32>,
        %parallel_loop3A_355 = vector.shape_cast %parallel_loop3A_354 : vector<1x1x1x16xf32> to vector<16xf32>
        %parallel_loop3A_356 = vector.shape_cast %parallel_loop3A_348 : vector<16xf32> to vector<1x1x1x16xf32>
        tpu.vector_store %arg7[%parallel_loop3A_350, %parallel_loop3A_351, %parallel_loop3A_352, %parallel_loop3A_353], %parallel_loop3A_356 {strides = array<i32>} : memref<2x4x32x128xf32, #tpu.memory_space<vmem>>, vector<1x1x1x16xf32>,
        %parallel_loop3A_357 = arith.constant 112 : i32
        %parallel_loop3A_358 = arith.addi %parallel_loop3A_195, %parallel_loop3A_357 : i32
        %parallel_loop3A_359 = arith.index_cast %parallel_loop3A_358 : i32 to index
        %parallel_loop3A_360 = tpu.vector_load %arg6[%parallel_loop3A_359] {strides = array<i32>} : memref<65536xf32, #tpu.memory_space<vmem>>, vector<16xf32>,
        %parallel_loop3A_361 = vector.shape_cast %parallel_loop3A_360 : vector<16xf32> to vector<16xf32>
        %parallel_loop3A_362 = arith.constant 128 : i32
        %parallel_loop3A_363 = arith.addi %parallel_loop3A_195, %parallel_loop3A_362 : i32
        %parallel_loop3A_364 = arith.constant 112 : i32
        %parallel_loop3A_365 = arith.addi %parallel_loop3A_363, %parallel_loop3A_364 : i32
        %parallel_loop3A_366 = arith.index_cast %parallel_loop3A_365 : i32 to index
        %parallel_loop3A_367 = tpu.vector_load %arg6[%parallel_loop3A_366] {strides = array<i32>} : memref<65536xf32, #tpu.memory_space<vmem>>, vector<16xf32>,
        %parallel_loop3A_368 = vector.shape_cast %parallel_loop3A_367 : vector<16xf32> to vector<16xf32>
        %parallel_loop3A_369 = arith.subf %parallel_loop3A_368, %parallel_loop3A_361 : vector<16xf32>
        %parallel_loop3A_370 = arith.mulf %parallel_loop3A_191, %parallel_loop3A_369 : vector<16xf32>
        %parallel_loop3A_371 = arith.addf %parallel_loop3A_361, %parallel_loop3A_370 : vector<16xf32>
        %parallel_loop3A_372 = arith.constant 0 : i32
        %parallel_loop3A_373 = arith.index_cast %rem3A_89 : i32 to index
        %parallel_loop3A_374 = arith.index_cast %parallel_loop3A_372 : i32 to index
        %parallel_loop3A_375 = arith.index_cast %parallel_loop3A_169 : i32 to index
        %parallel_loop3A_376 = arith.constant 112 : index
        %parallel_loop3A_377 = tpu.vector_load %arg7[%parallel_loop3A_373, %parallel_loop3A_374, %parallel_loop3A_375, %parallel_loop3A_376] {strides = array<i32>} : memref<2x4x32x128xf32, #tpu.memory_space<vmem>>, vector<1x1x1x16xf32>,
        %parallel_loop3A_378 = vector.shape_cast %parallel_loop3A_377 : vector<1x1x1x16xf32> to vector<16xf32>
        %parallel_loop3A_379 = vector.shape_cast %parallel_loop3A_371 : vector<16xf32> to vector<1x1x1x16xf32>
        tpu.vector_store %arg7[%parallel_loop3A_373, %parallel_loop3A_374, %parallel_loop3A_375, %parallel_loop3A_376], %parallel_loop3A_379 {strides = array<i32>} : memref<2x4x32x128xf32, #tpu.memory_space<vmem>>, vector<1x1x1x16xf32>,
        %parallel_loop3A_380 = arith.constant 128 : i32
        %parallel_loop3A_381 = arith.muli %parallel_loop3A_188, %parallel_loop3A_380 : i32
        %parallel_loop3A_382 = arith.constant 16384 : i32
        %parallel_loop3A_383 = arith.addi %parallel_loop3A_382, %parallel_loop3A_381 : i32
        %parallel_loop3A_384 = arith.constant 0 : i32
        %parallel_loop3A_385 = arith.addi %parallel_loop3A_383, %parallel_loop3A_384 : i32
        %parallel_loop3A_386 = arith.index_cast %parallel_loop3A_385 : i32 to index
        %parallel_loop3A_387 = tpu.vector_load %arg6[%parallel_loop3A_386] {strides = array<i32>} : memref<65536xf32, #tpu.memory_space<vmem>>, vector<16xf32>,
        %parallel_loop3A_388 = vector.shape_cast %parallel_loop3A_387 : vector<16xf32> to vector<16xf32>
        %parallel_loop3A_389 = arith.constant 128 : i32
        %parallel_loop3A_390 = arith.addi %parallel_loop3A_383, %parallel_loop3A_389 : i32
        %parallel_loop3A_391 = arith.constant 0 : i32
        %parallel_loop3A_392 = arith.addi %parallel_loop3A_390, %parallel_loop3A_391 : i32
        %parallel_loop3A_393 = arith.index_cast %parallel_loop3A_392 : i32 to index
        %parallel_loop3A_394 = tpu.vector_load %arg6[%parallel_loop3A_393] {strides = array<i32>} : memref<65536xf32, #tpu.memory_space<vmem>>, vector<16xf32>,
        %parallel_loop3A_395 = vector.shape_cast %parallel_loop3A_394 : vector<16xf32> to vector<16xf32>
        %parallel_loop3A_396 = arith.subf %parallel_loop3A_395, %parallel_loop3A_388 : vector<16xf32>
        %parallel_loop3A_397 = arith.mulf %parallel_loop3A_191, %parallel_loop3A_396 : vector<16xf32>
        %parallel_loop3A_398 = arith.addf %parallel_loop3A_388, %parallel_loop3A_397 : vector<16xf32>
        %parallel_loop3A_399 = arith.constant 1 : i32
        %parallel_loop3A_400 = arith.index_cast %rem3A_89 : i32 to index
        %parallel_loop3A_401 = arith.index_cast %parallel_loop3A_399 : i32 to index
        %parallel_loop3A_402 = arith.index_cast %parallel_loop3A_169 : i32 to index
        %parallel_loop3A_403 = arith.constant 0 : index
        %parallel_loop3A_404 = tpu.vector_load %arg7[%parallel_loop3A_400, %parallel_loop3A_401, %parallel_loop3A_402, %parallel_loop3A_403] {strides = array<i32>} : memref<2x4x32x128xf32, #tpu.memory_space<vmem>>, vector<1x1x1x16xf32>,
        %parallel_loop3A_405 = vector.shape_cast %parallel_loop3A_404 : vector<1x1x1x16xf32> to vector<16xf32>
        %parallel_loop3A_406 = vector.shape_cast %parallel_loop3A_398 : vector<16xf32> to vector<1x1x1x16xf32>
        tpu.vector_store %arg7[%parallel_loop3A_400, %parallel_loop3A_401, %parallel_loop3A_402, %parallel_loop3A_403], %parallel_loop3A_406 {strides = array<i32>} : memref<2x4x32x128xf32, #tpu.memory_space<vmem>>, vector<1x1x1x16xf32>,
        %parallel_loop3A_407 = arith.constant 16 : i32
        %parallel_loop3A_408 = arith.addi %parallel_loop3A_383, %parallel_loop3A_407 : i32
        %parallel_loop3A_409 = arith.index_cast %parallel_loop3A_408 : i32 to index
        %parallel_loop3A_410 = tpu.vector_load %arg6[%parallel_loop3A_409] {strides = array<i32>} : memref<65536xf32, #tpu.memory_space<vmem>>, vector<16xf32>,
        %parallel_loop3A_411 = vector.shape_cast %parallel_loop3A_410 : vector<16xf32> to vector<16xf32>
        %parallel_loop3A_412 = arith.constant 128 : i32
        %parallel_loop3A_413 = arith.addi %parallel_loop3A_383, %parallel_loop3A_412 : i32
        %parallel_loop3A_414 = arith.constant 16 : i32
        %parallel_loop3A_415 = arith.addi %parallel_loop3A_413, %parallel_loop3A_414 : i32
        %parallel_loop3A_416 = arith.index_cast %parallel_loop3A_415 : i32 to index
        %parallel_loop3A_417 = tpu.vector_load %arg6[%parallel_loop3A_416] {strides = array<i32>} : memref<65536xf32, #tpu.memory_space<vmem>>, vector<16xf32>,
        %parallel_loop3A_418 = vector.shape_cast %parallel_loop3A_417 : vector<16xf32> to vector<16xf32>
        %parallel_loop3A_419 = arith.subf %parallel_loop3A_418, %parallel_loop3A_411 : vector<16xf32>
        %parallel_loop3A_420 = arith.mulf %parallel_loop3A_191, %parallel_loop3A_419 : vector<16xf32>
        %parallel_loop3A_421 = arith.addf %parallel_loop3A_411, %parallel_loop3A_420 : vector<16xf32>
        %parallel_loop3A_422 = arith.constant 1 : i32
        %parallel_loop3A_423 = arith.index_cast %rem3A_89 : i32 to index
        %parallel_loop3A_424 = arith.index_cast %parallel_loop3A_422 : i32 to index
        %parallel_loop3A_425 = arith.index_cast %parallel_loop3A_169 : i32 to index
        %parallel_loop3A_426 = arith.constant 16 : index
        %parallel_loop3A_427 = tpu.vector_load %arg7[%parallel_loop3A_423, %parallel_loop3A_424, %parallel_loop3A_425, %parallel_loop3A_426] {strides = array<i32>} : memref<2x4x32x128xf32, #tpu.memory_space<vmem>>, vector<1x1x1x16xf32>,
        %parallel_loop3A_428 = vector.shape_cast %parallel_loop3A_427 : vector<1x1x1x16xf32> to vector<16xf32>
        %parallel_loop3A_429 = vector.shape_cast %parallel_loop3A_421 : vector<16xf32> to vector<1x1x1x16xf32>
        tpu.vector_store %arg7[%parallel_loop3A_423, %parallel_loop3A_424, %parallel_loop3A_425, %parallel_loop3A_426], %parallel_loop3A_429 {strides = array<i32>} : memref<2x4x32x128xf32, #tpu.memory_space<vmem>>, vector<1x1x1x16xf32>,
        %parallel_loop3A_430 = arith.constant 32 : i32
        %parallel_loop3A_431 = arith.addi %parallel_loop3A_383, %parallel_loop3A_430 : i32
        %parallel_loop3A_432 = arith.index_cast %parallel_loop3A_431 : i32 to index
        %parallel_loop3A_433 = tpu.vector_load %arg6[%parallel_loop3A_432] {strides = array<i32>} : memref<65536xf32, #tpu.memory_space<vmem>>, vector<16xf32>,
        %parallel_loop3A_434 = vector.shape_cast %parallel_loop3A_433 : vector<16xf32> to vector<16xf32>
        %parallel_loop3A_435 = arith.constant 128 : i32
        %parallel_loop3A_436 = arith.addi %parallel_loop3A_383, %parallel_loop3A_435 : i32
        %parallel_loop3A_437 = arith.constant 32 : i32
        %parallel_loop3A_438 = arith.addi %parallel_loop3A_436, %parallel_loop3A_437 : i32
        %parallel_loop3A_439 = arith.index_cast %parallel_loop3A_438 : i32 to index
        %parallel_loop3A_440 = tpu.vector_load %arg6[%parallel_loop3A_439] {strides = array<i32>} : memref<65536xf32, #tpu.memory_space<vmem>>, vector<16xf32>,
        %parallel_loop3A_441 = vector.shape_cast %parallel_loop3A_440 : vector<16xf32> to vector<16xf32>
        %parallel_loop3A_442 = arith.subf %parallel_loop3A_441, %parallel_loop3A_434 : vector<16xf32>
        %parallel_loop3A_443 = arith.mulf %parallel_loop3A_191, %parallel_loop3A_442 : vector<16xf32>
        %parallel_loop3A_444 = arith.addf %parallel_loop3A_434, %parallel_loop3A_443 : vector<16xf32>
        %parallel_loop3A_445 = arith.constant 1 : i32
        %parallel_loop3A_446 = arith.index_cast %rem3A_89 : i32 to index
        %parallel_loop3A_447 = arith.index_cast %parallel_loop3A_445 : i32 to index
        %parallel_loop3A_448 = arith.index_cast %parallel_loop3A_169 : i32 to index
        %parallel_loop3A_449 = arith.constant 32 : index
        %parallel_loop3A_450 = tpu.vector_load %arg7[%parallel_loop3A_446, %parallel_loop3A_447, %parallel_loop3A_448, %parallel_loop3A_449] {strides = array<i32>} : memref<2x4x32x128xf32, #tpu.memory_space<vmem>>, vector<1x1x1x16xf32>,
        %parallel_loop3A_451 = vector.shape_cast %parallel_loop3A_450 : vector<1x1x1x16xf32> to vector<16xf32>
        %parallel_loop3A_452 = vector.shape_cast %parallel_loop3A_444 : vector<16xf32> to vector<1x1x1x16xf32>
        tpu.vector_store %arg7[%parallel_loop3A_446, %parallel_loop3A_447, %parallel_loop3A_448, %parallel_loop3A_449], %parallel_loop3A_452 {strides = array<i32>} : memref<2x4x32x128xf32, #tpu.memory_space<vmem>>, vector<1x1x1x16xf32>,
        %parallel_loop3A_453 = arith.constant 48 : i32
        %parallel_loop3A_454 = arith.addi %parallel_loop3A_383, %parallel_loop3A_453 : i32
        %parallel_loop3A_455 = arith.index_cast %parallel_loop3A_454 : i32 to index
        %parallel_loop3A_456 = tpu.vector_load %arg6[%parallel_loop3A_455] {strides = array<i32>} : memref<65536xf32, #tpu.memory_space<vmem>>, vector<16xf32>,
        %parallel_loop3A_457 = vector.shape_cast %parallel_loop3A_456 : vector<16xf32> to vector<16xf32>
        %parallel_loop3A_458 = arith.constant 128 : i32
        %parallel_loop3A_459 = arith.addi %parallel_loop3A_383, %parallel_loop3A_458 : i32
        %parallel_loop3A_460 = arith.constant 48 : i32
        %parallel_loop3A_461 = arith.addi %parallel_loop3A_459, %parallel_loop3A_460 : i32
        %parallel_loop3A_462 = arith.index_cast %parallel_loop3A_461 : i32 to index
        %parallel_loop3A_463 = tpu.vector_load %arg6[%parallel_loop3A_462] {strides = array<i32>} : memref<65536xf32, #tpu.memory_space<vmem>>, vector<16xf32>,
        %parallel_loop3A_464 = vector.shape_cast %parallel_loop3A_463 : vector<16xf32> to vector<16xf32>
        %parallel_loop3A_465 = arith.subf %parallel_loop3A_464, %parallel_loop3A_457 : vector<16xf32>
        %parallel_loop3A_466 = arith.mulf %parallel_loop3A_191, %parallel_loop3A_465 : vector<16xf32>
        %parallel_loop3A_467 = arith.addf %parallel_loop3A_457, %parallel_loop3A_466 : vector<16xf32>
        %parallel_loop3A_468 = arith.constant 1 : i32
        %parallel_loop3A_469 = arith.index_cast %rem3A_89 : i32 to index
        %parallel_loop3A_470 = arith.index_cast %parallel_loop3A_468 : i32 to index
        %parallel_loop3A_471 = arith.index_cast %parallel_loop3A_169 : i32 to index
        %parallel_loop3A_472 = arith.constant 48 : index
        %parallel_loop3A_473 = tpu.vector_load %arg7[%parallel_loop3A_469, %parallel_loop3A_470, %parallel_loop3A_471, %parallel_loop3A_472] {strides = array<i32>} : memref<2x4x32x128xf32, #tpu.memory_space<vmem>>, vector<1x1x1x16xf32>,
        %parallel_loop3A_474 = vector.shape_cast %parallel_loop3A_473 : vector<1x1x1x16xf32> to vector<16xf32>
        %parallel_loop3A_475 = vector.shape_cast %parallel_loop3A_467 : vector<16xf32> to vector<1x1x1x16xf32>
        tpu.vector_store %arg7[%parallel_loop3A_469, %parallel_loop3A_470, %parallel_loop3A_471, %parallel_loop3A_472], %parallel_loop3A_475 {strides = array<i32>} : memref<2x4x32x128xf32, #tpu.memory_space<vmem>>, vector<1x1x1x16xf32>,
        %parallel_loop3A_476 = arith.constant 64 : i32
        %parallel_loop3A_477 = arith.addi %parallel_loop3A_383, %parallel_loop3A_476 : i32
        %parallel_loop3A_478 = arith.index_cast %parallel_loop3A_477 : i32 to index
        %parallel_loop3A_479 = tpu.vector_load %arg6[%parallel_loop3A_478] {strides = array<i32>} : memref<65536xf32, #tpu.memory_space<vmem>>, vector<16xf32>,
        %parallel_loop3A_480 = vector.shape_cast %parallel_loop3A_479 : vector<16xf32> to vector<16xf32>
        %parallel_loop3A_481 = arith.constant 128 : i32
        %parallel_loop3A_482 = arith.addi %parallel_loop3A_383, %parallel_loop3A_481 : i32
        %parallel_loop3A_483 = arith.constant 64 : i32
        %parallel_loop3A_484 = arith.addi %parallel_loop3A_482, %parallel_loop3A_483 : i32
        %parallel_loop3A_485 = arith.index_cast %parallel_loop3A_484 : i32 to index
        %parallel_loop3A_486 = tpu.vector_load %arg6[%parallel_loop3A_485] {strides = array<i32>} : memref<65536xf32, #tpu.memory_space<vmem>>, vector<16xf32>,
        %parallel_loop3A_487 = vector.shape_cast %parallel_loop3A_486 : vector<16xf32> to vector<16xf32>
        %parallel_loop3A_488 = arith.subf %parallel_loop3A_487, %parallel_loop3A_480 : vector<16xf32>
        %parallel_loop3A_489 = arith.mulf %parallel_loop3A_191, %parallel_loop3A_488 : vector<16xf32>
        %parallel_loop3A_490 = arith.addf %parallel_loop3A_480, %parallel_loop3A_489 : vector<16xf32>
        %parallel_loop3A_491 = arith.constant 1 : i32
        %parallel_loop3A_492 = arith.index_cast %rem3A_89 : i32 to index
        %parallel_loop3A_493 = arith.index_cast %parallel_loop3A_491 : i32 to index
        %parallel_loop3A_494 = arith.index_cast %parallel_loop3A_169 : i32 to index
        %parallel_loop3A_495 = arith.constant 64 : index
        %parallel_loop3A_496 = tpu.vector_load %arg7[%parallel_loop3A_492, %parallel_loop3A_493, %parallel_loop3A_494, %parallel_loop3A_495] {strides = array<i32>} : memref<2x4x32x128xf32, #tpu.memory_space<vmem>>, vector<1x1x1x16xf32>,
        %parallel_loop3A_497 = vector.shape_cast %parallel_loop3A_496 : vector<1x1x1x16xf32> to vector<16xf32>
        %parallel_loop3A_498 = vector.shape_cast %parallel_loop3A_490 : vector<16xf32> to vector<1x1x1x16xf32>
        tpu.vector_store %arg7[%parallel_loop3A_492, %parallel_loop3A_493, %parallel_loop3A_494, %parallel_loop3A_495], %parallel_loop3A_498 {strides = array<i32>} : memref<2x4x32x128xf32, #tpu.memory_space<vmem>>, vector<1x1x1x16xf32>,
        %parallel_loop3A_499 = arith.constant 80 : i32
        %parallel_loop3A_500 = arith.addi %parallel_loop3A_383, %parallel_loop3A_499 : i32
        %parallel_loop3A_501 = arith.index_cast %parallel_loop3A_500 : i32 to index
        %parallel_loop3A_502 = tpu.vector_load %arg6[%parallel_loop3A_501] {strides = array<i32>} : memref<65536xf32, #tpu.memory_space<vmem>>, vector<16xf32>,
        %parallel_loop3A_503 = vector.shape_cast %parallel_loop3A_502 : vector<16xf32> to vector<16xf32>
        %parallel_loop3A_504 = arith.constant 128 : i32
        %parallel_loop3A_505 = arith.addi %parallel_loop3A_383, %parallel_loop3A_504 : i32
        %parallel_loop3A_506 = arith.constant 80 : i32
        %parallel_loop3A_507 = arith.addi %parallel_loop3A_505, %parallel_loop3A_506 : i32
        %parallel_loop3A_508 = arith.index_cast %parallel_loop3A_507 : i32 to index
        %parallel_loop3A_509 = tpu.vector_load %arg6[%parallel_loop3A_508] {strides = array<i32>} : memref<65536xf32, #tpu.memory_space<vmem>>, vector<16xf32>,
        %parallel_loop3A_510 = vector.shape_cast %parallel_loop3A_509 : vector<16xf32> to vector<16xf32>
        %parallel_loop3A_511 = arith.subf %parallel_loop3A_510, %parallel_loop3A_503 : vector<16xf32>
        %parallel_loop3A_512 = arith.mulf %parallel_loop3A_191, %parallel_loop3A_511 : vector<16xf32>
        %parallel_loop3A_513 = arith.addf %parallel_loop3A_503, %parallel_loop3A_512 : vector<16xf32>
        %parallel_loop3A_514 = arith.constant 1 : i32
        %parallel_loop3A_515 = arith.index_cast %rem3A_89 : i32 to index
        %parallel_loop3A_516 = arith.index_cast %parallel_loop3A_514 : i32 to index
        %parallel_loop3A_517 = arith.index_cast %parallel_loop3A_169 : i32 to index
        %parallel_loop3A_518 = arith.constant 80 : index
        %parallel_loop3A_519 = tpu.vector_load %arg7[%parallel_loop3A_515, %parallel_loop3A_516, %parallel_loop3A_517, %parallel_loop3A_518] {strides = array<i32>} : memref<2x4x32x128xf32, #tpu.memory_space<vmem>>, vector<1x1x1x16xf32>,
        %parallel_loop3A_520 = vector.shape_cast %parallel_loop3A_519 : vector<1x1x1x16xf32> to vector<16xf32>
        %parallel_loop3A_521 = vector.shape_cast %parallel_loop3A_513 : vector<16xf32> to vector<1x1x1x16xf32>
        tpu.vector_store %arg7[%parallel_loop3A_515, %parallel_loop3A_516, %parallel_loop3A_517, %parallel_loop3A_518], %parallel_loop3A_521 {strides = array<i32>} : memref<2x4x32x128xf32, #tpu.memory_space<vmem>>, vector<1x1x1x16xf32>,
        %parallel_loop3A_522 = arith.constant 96 : i32
        %parallel_loop3A_523 = arith.addi %parallel_loop3A_383, %parallel_loop3A_522 : i32
        %parallel_loop3A_524 = arith.index_cast %parallel_loop3A_523 : i32 to index
        %parallel_loop3A_525 = tpu.vector_load %arg6[%parallel_loop3A_524] {strides = array<i32>} : memref<65536xf32, #tpu.memory_space<vmem>>, vector<16xf32>,
        %parallel_loop3A_526 = vector.shape_cast %parallel_loop3A_525 : vector<16xf32> to vector<16xf32>
        %parallel_loop3A_527 = arith.constant 128 : i32
        %parallel_loop3A_528 = arith.addi %parallel_loop3A_383, %parallel_loop3A_527 : i32
        %parallel_loop3A_529 = arith.constant 96 : i32
        %parallel_loop3A_530 = arith.addi %parallel_loop3A_528, %parallel_loop3A_529 : i32
        %parallel_loop3A_531 = arith.index_cast %parallel_loop3A_530 : i32 to index
        %parallel_loop3A_532 = tpu.vector_load %arg6[%parallel_loop3A_531] {strides = array<i32>} : memref<65536xf32, #tpu.memory_space<vmem>>, vector<16xf32>,
        %parallel_loop3A_533 = vector.shape_cast %parallel_loop3A_532 : vector<16xf32> to vector<16xf32>
        %parallel_loop3A_534 = arith.subf %parallel_loop3A_533, %parallel_loop3A_526 : vector<16xf32>
        %parallel_loop3A_535 = arith.mulf %parallel_loop3A_191, %parallel_loop3A_534 : vector<16xf32>
        %parallel_loop3A_536 = arith.addf %parallel_loop3A_526, %parallel_loop3A_535 : vector<16xf32>
        %parallel_loop3A_537 = arith.constant 1 : i32
        %parallel_loop3A_538 = arith.index_cast %rem3A_89 : i32 to index
        %parallel_loop3A_539 = arith.index_cast %parallel_loop3A_537 : i32 to index
        %parallel_loop3A_540 = arith.index_cast %parallel_loop3A_169 : i32 to index
        %parallel_loop3A_541 = arith.constant 96 : index
        %parallel_loop3A_542 = tpu.vector_load %arg7[%parallel_loop3A_538, %parallel_loop3A_539, %parallel_loop3A_540, %parallel_loop3A_541] {strides = array<i32>} : memref<2x4x32x128xf32, #tpu.memory_space<vmem>>, vector<1x1x1x16xf32>,
        %parallel_loop3A_543 = vector.shape_cast %parallel_loop3A_542 : vector<1x1x1x16xf32> to vector<16xf32>
        %parallel_loop3A_544 = vector.shape_cast %parallel_loop3A_536 : vector<16xf32> to vector<1x1x1x16xf32>
        tpu.vector_store %arg7[%parallel_loop3A_538, %parallel_loop3A_539, %parallel_loop3A_540, %parallel_loop3A_541], %parallel_loop3A_544 {strides = array<i32>} : memref<2x4x32x128xf32, #tpu.memory_space<vmem>>, vector<1x1x1x16xf32>,
        %parallel_loop3A_545 = arith.constant 112 : i32
        %parallel_loop3A_546 = arith.addi %parallel_loop3A_383, %parallel_loop3A_545 : i32
        %parallel_loop3A_547 = arith.index_cast %parallel_loop3A_546 : i32 to index
        %parallel_loop3A_548 = tpu.vector_load %arg6[%parallel_loop3A_547] {strides = array<i32>} : memref<65536xf32, #tpu.memory_space<vmem>>, vector<16xf32>,
        %parallel_loop3A_549 = vector.shape_cast %parallel_loop3A_548 : vector<16xf32> to vector<16xf32>
        %parallel_loop3A_550 = arith.constant 128 : i32
        %parallel_loop3A_551 = arith.addi %parallel_loop3A_383, %parallel_loop3A_550 : i32
        %parallel_loop3A_552 = arith.constant 112 : i32
        %parallel_loop3A_553 = arith.addi %parallel_loop3A_551, %parallel_loop3A_552 : i32
        %parallel_loop3A_554 = arith.index_cast %parallel_loop3A_553 : i32 to index
        %parallel_loop3A_555 = tpu.vector_load %arg6[%parallel_loop3A_554] {strides = array<i32>} : memref<65536xf32, #tpu.memory_space<vmem>>, vector<16xf32>,
        %parallel_loop3A_556 = vector.shape_cast %parallel_loop3A_555 : vector<16xf32> to vector<16xf32>
        %parallel_loop3A_557 = arith.subf %parallel_loop3A_556, %parallel_loop3A_549 : vector<16xf32>
        %parallel_loop3A_558 = arith.mulf %parallel_loop3A_191, %parallel_loop3A_557 : vector<16xf32>
        %parallel_loop3A_559 = arith.addf %parallel_loop3A_549, %parallel_loop3A_558 : vector<16xf32>
        %parallel_loop3A_560 = arith.constant 1 : i32
        %parallel_loop3A_561 = arith.index_cast %rem3A_89 : i32 to index
        %parallel_loop3A_562 = arith.index_cast %parallel_loop3A_560 : i32 to index
        %parallel_loop3A_563 = arith.index_cast %parallel_loop3A_169 : i32 to index
        %parallel_loop3A_564 = arith.constant 112 : index
        %parallel_loop3A_565 = tpu.vector_load %arg7[%parallel_loop3A_561, %parallel_loop3A_562, %parallel_loop3A_563, %parallel_loop3A_564] {strides = array<i32>} : memref<2x4x32x128xf32, #tpu.memory_space<vmem>>, vector<1x1x1x16xf32>,
        %parallel_loop3A_566 = vector.shape_cast %parallel_loop3A_565 : vector<1x1x1x16xf32> to vector<16xf32>
        %parallel_loop3A_567 = vector.shape_cast %parallel_loop3A_559 : vector<16xf32> to vector<1x1x1x16xf32>
        tpu.vector_store %arg7[%parallel_loop3A_561, %parallel_loop3A_562, %parallel_loop3A_563, %parallel_loop3A_564], %parallel_loop3A_567 {strides = array<i32>} : memref<2x4x32x128xf32, #tpu.memory_space<vmem>>, vector<1x1x1x16xf32>,
        %parallel_loop3A_568 = arith.constant 128 : i32
        %parallel_loop3A_569 = arith.muli %parallel_loop3A_188, %parallel_loop3A_568 : i32
        %parallel_loop3A_570 = arith.constant 32768 : i32
        %parallel_loop3A_571 = arith.addi %parallel_loop3A_570, %parallel_loop3A_569 : i32
        %parallel_loop3A_572 = arith.constant 0 : i32
        %parallel_loop3A_573 = arith.addi %parallel_loop3A_571, %parallel_loop3A_572 : i32
        %parallel_loop3A_574 = arith.index_cast %parallel_loop3A_573 : i32 to index
        %parallel_loop3A_575 = tpu.vector_load %arg6[%parallel_loop3A_574] {strides = array<i32>} : memref<65536xf32, #tpu.memory_space<vmem>>, vector<16xf32>,
        %parallel_loop3A_576 = vector.shape_cast %parallel_loop3A_575 : vector<16xf32> to vector<16xf32>
        %parallel_loop3A_577 = arith.constant 128 : i32
        %parallel_loop3A_578 = arith.addi %parallel_loop3A_571, %parallel_loop3A_577 : i32
        %parallel_loop3A_579 = arith.constant 0 : i32
        %parallel_loop3A_580 = arith.addi %parallel_loop3A_578, %parallel_loop3A_579 : i32
        %parallel_loop3A_581 = arith.index_cast %parallel_loop3A_580 : i32 to index
        %parallel_loop3A_582 = tpu.vector_load %arg6[%parallel_loop3A_581] {strides = array<i32>} : memref<65536xf32, #tpu.memory_space<vmem>>, vector<16xf32>,
        %parallel_loop3A_583 = vector.shape_cast %parallel_loop3A_582 : vector<16xf32> to vector<16xf32>
        %parallel_loop3A_584 = arith.subf %parallel_loop3A_583, %parallel_loop3A_576 : vector<16xf32>
        %parallel_loop3A_585 = arith.mulf %parallel_loop3A_191, %parallel_loop3A_584 : vector<16xf32>
        %parallel_loop3A_586 = arith.addf %parallel_loop3A_576, %parallel_loop3A_585 : vector<16xf32>
        %parallel_loop3A_587 = arith.constant 2 : i32
        %parallel_loop3A_588 = arith.index_cast %rem3A_89 : i32 to index
        %parallel_loop3A_589 = arith.index_cast %parallel_loop3A_587 : i32 to index
        %parallel_loop3A_590 = arith.index_cast %parallel_loop3A_169 : i32 to index
        %parallel_loop3A_591 = arith.constant 0 : index
        %parallel_loop3A_592 = tpu.vector_load %arg7[%parallel_loop3A_588, %parallel_loop3A_589, %parallel_loop3A_590, %parallel_loop3A_591] {strides = array<i32>} : memref<2x4x32x128xf32, #tpu.memory_space<vmem>>, vector<1x1x1x16xf32>,
        %parallel_loop3A_593 = vector.shape_cast %parallel_loop3A_592 : vector<1x1x1x16xf32> to vector<16xf32>
        %parallel_loop3A_594 = vector.shape_cast %parallel_loop3A_586 : vector<16xf32> to vector<1x1x1x16xf32>
        tpu.vector_store %arg7[%parallel_loop3A_588, %parallel_loop3A_589, %parallel_loop3A_590, %parallel_loop3A_591], %parallel_loop3A_594 {strides = array<i32>} : memref<2x4x32x128xf32, #tpu.memory_space<vmem>>, vector<1x1x1x16xf32>,
        %parallel_loop3A_595 = arith.constant 16 : i32
        %parallel_loop3A_596 = arith.addi %parallel_loop3A_571, %parallel_loop3A_595 : i32
        %parallel_loop3A_597 = arith.index_cast %parallel_loop3A_596 : i32 to index
        %parallel_loop3A_598 = tpu.vector_load %arg6[%parallel_loop3A_597] {strides = array<i32>} : memref<65536xf32, #tpu.memory_space<vmem>>, vector<16xf32>,
        %parallel_loop3A_599 = vector.shape_cast %parallel_loop3A_598 : vector<16xf32> to vector<16xf32>
        %parallel_loop3A_600 = arith.constant 128 : i32
        %parallel_loop3A_601 = arith.addi %parallel_loop3A_571, %parallel_loop3A_600 : i32
        %parallel_loop3A_602 = arith.constant 16 : i32
        %parallel_loop3A_603 = arith.addi %parallel_loop3A_601, %parallel_loop3A_602 : i32
        %parallel_loop3A_604 = arith.index_cast %parallel_loop3A_603 : i32 to index
        %parallel_loop3A_605 = tpu.vector_load %arg6[%parallel_loop3A_604] {strides = array<i32>} : memref<65536xf32, #tpu.memory_space<vmem>>, vector<16xf32>,
        %parallel_loop3A_606 = vector.shape_cast %parallel_loop3A_605 : vector<16xf32> to vector<16xf32>
        %parallel_loop3A_607 = arith.subf %parallel_loop3A_606, %parallel_loop3A_599 : vector<16xf32>
        %parallel_loop3A_608 = arith.mulf %parallel_loop3A_191, %parallel_loop3A_607 : vector<16xf32>
        %parallel_loop3A_609 = arith.addf %parallel_loop3A_599, %parallel_loop3A_608 : vector<16xf32>
        %parallel_loop3A_610 = arith.constant 2 : i32
        %parallel_loop3A_611 = arith.index_cast %rem3A_89 : i32 to index
        %parallel_loop3A_612 = arith.index_cast %parallel_loop3A_610 : i32 to index
        %parallel_loop3A_613 = arith.index_cast %parallel_loop3A_169 : i32 to index
        %parallel_loop3A_614 = arith.constant 16 : index
        %parallel_loop3A_615 = tpu.vector_load %arg7[%parallel_loop3A_611, %parallel_loop3A_612, %parallel_loop3A_613, %parallel_loop3A_614] {strides = array<i32>} : memref<2x4x32x128xf32, #tpu.memory_space<vmem>>, vector<1x1x1x16xf32>,
        %parallel_loop3A_616 = vector.shape_cast %parallel_loop3A_615 : vector<1x1x1x16xf32> to vector<16xf32>
        %parallel_loop3A_617 = vector.shape_cast %parallel_loop3A_609 : vector<16xf32> to vector<1x1x1x16xf32>
        tpu.vector_store %arg7[%parallel_loop3A_611, %parallel_loop3A_612, %parallel_loop3A_613, %parallel_loop3A_614], %parallel_loop3A_617 {strides = array<i32>} : memref<2x4x32x128xf32, #tpu.memory_space<vmem>>, vector<1x1x1x16xf32>,
        %parallel_loop3A_618 = arith.constant 32 : i32
        %parallel_loop3A_619 = arith.addi %parallel_loop3A_571, %parallel_loop3A_618 : i32
        %parallel_loop3A_620 = arith.index_cast %parallel_loop3A_619 : i32 to index
        %parallel_loop3A_621 = tpu.vector_load %arg6[%parallel_loop3A_620] {strides = array<i32>} : memref<65536xf32, #tpu.memory_space<vmem>>, vector<16xf32>,
        %parallel_loop3A_622 = vector.shape_cast %parallel_loop3A_621 : vector<16xf32> to vector<16xf32>
        %parallel_loop3A_623 = arith.constant 128 : i32
        %parallel_loop3A_624 = arith.addi %parallel_loop3A_571, %parallel_loop3A_623 : i32
        %parallel_loop3A_625 = arith.constant 32 : i32
        %parallel_loop3A_626 = arith.addi %parallel_loop3A_624, %parallel_loop3A_625 : i32
        %parallel_loop3A_627 = arith.index_cast %parallel_loop3A_626 : i32 to index
        %parallel_loop3A_628 = tpu.vector_load %arg6[%parallel_loop3A_627] {strides = array<i32>} : memref<65536xf32, #tpu.memory_space<vmem>>, vector<16xf32>,
        %parallel_loop3A_629 = vector.shape_cast %parallel_loop3A_628 : vector<16xf32> to vector<16xf32>
        %parallel_loop3A_630 = arith.subf %parallel_loop3A_629, %parallel_loop3A_622 : vector<16xf32>
        %parallel_loop3A_631 = arith.mulf %parallel_loop3A_191, %parallel_loop3A_630 : vector<16xf32>
        %parallel_loop3A_632 = arith.addf %parallel_loop3A_622, %parallel_loop3A_631 : vector<16xf32>
        %parallel_loop3A_633 = arith.constant 2 : i32
        %parallel_loop3A_634 = arith.index_cast %rem3A_89 : i32 to index
        %parallel_loop3A_635 = arith.index_cast %parallel_loop3A_633 : i32 to index
        %parallel_loop3A_636 = arith.index_cast %parallel_loop3A_169 : i32 to index
        %parallel_loop3A_637 = arith.constant 32 : index
        %parallel_loop3A_638 = tpu.vector_load %arg7[%parallel_loop3A_634, %parallel_loop3A_635, %parallel_loop3A_636, %parallel_loop3A_637] {strides = array<i32>} : memref<2x4x32x128xf32, #tpu.memory_space<vmem>>, vector<1x1x1x16xf32>,
        %parallel_loop3A_639 = vector.shape_cast %parallel_loop3A_638 : vector<1x1x1x16xf32> to vector<16xf32>
        %parallel_loop3A_640 = vector.shape_cast %parallel_loop3A_632 : vector<16xf32> to vector<1x1x1x16xf32>
        tpu.vector_store %arg7[%parallel_loop3A_634, %parallel_loop3A_635, %parallel_loop3A_636, %parallel_loop3A_637], %parallel_loop3A_640 {strides = array<i32>} : memref<2x4x32x128xf32, #tpu.memory_space<vmem>>, vector<1x1x1x16xf32>,
        %parallel_loop3A_641 = arith.constant 48 : i32
        %parallel_loop3A_642 = arith.addi %parallel_loop3A_571, %parallel_loop3A_641 : i32
        %parallel_loop3A_643 = arith.index_cast %parallel_loop3A_642 : i32 to index
        %parallel_loop3A_644 = tpu.vector_load %arg6[%parallel_loop3A_643] {strides = array<i32>} : memref<65536xf32, #tpu.memory_space<vmem>>, vector<16xf32>,
        %parallel_loop3A_645 = vector.shape_cast %parallel_loop3A_644 : vector<16xf32> to vector<16xf32>
        %parallel_loop3A_646 = arith.constant 128 : i32
        %parallel_loop3A_647 = arith.addi %parallel_loop3A_571, %parallel_loop3A_646 : i32
        %parallel_loop3A_648 = arith.constant 48 : i32
        %parallel_loop3A_649 = arith.addi %parallel_loop3A_647, %parallel_loop3A_648 : i32
        %parallel_loop3A_650 = arith.index_cast %parallel_loop3A_649 : i32 to index
        %parallel_loop3A_651 = tpu.vector_load %arg6[%parallel_loop3A_650] {strides = array<i32>} : memref<65536xf32, #tpu.memory_space<vmem>>, vector<16xf32>,
        %parallel_loop3A_652 = vector.shape_cast %parallel_loop3A_651 : vector<16xf32> to vector<16xf32>
        %parallel_loop3A_653 = arith.subf %parallel_loop3A_652, %parallel_loop3A_645 : vector<16xf32>
        %parallel_loop3A_654 = arith.mulf %parallel_loop3A_191, %parallel_loop3A_653 : vector<16xf32>
        %parallel_loop3A_655 = arith.addf %parallel_loop3A_645, %parallel_loop3A_654 : vector<16xf32>
        %parallel_loop3A_656 = arith.constant 2 : i32
        %parallel_loop3A_657 = arith.index_cast %rem3A_89 : i32 to index
        %parallel_loop3A_658 = arith.index_cast %parallel_loop3A_656 : i32 to index
        %parallel_loop3A_659 = arith.index_cast %parallel_loop3A_169 : i32 to index
        %parallel_loop3A_660 = arith.constant 48 : index
        %parallel_loop3A_661 = tpu.vector_load %arg7[%parallel_loop3A_657, %parallel_loop3A_658, %parallel_loop3A_659, %parallel_loop3A_660] {strides = array<i32>} : memref<2x4x32x128xf32, #tpu.memory_space<vmem>>, vector<1x1x1x16xf32>,
        %parallel_loop3A_662 = vector.shape_cast %parallel_loop3A_661 : vector<1x1x1x16xf32> to vector<16xf32>
        %parallel_loop3A_663 = vector.shape_cast %parallel_loop3A_655 : vector<16xf32> to vector<1x1x1x16xf32>
        tpu.vector_store %arg7[%parallel_loop3A_657, %parallel_loop3A_658, %parallel_loop3A_659, %parallel_loop3A_660], %parallel_loop3A_663 {strides = array<i32>} : memref<2x4x32x128xf32, #tpu.memory_space<vmem>>, vector<1x1x1x16xf32>,
        %parallel_loop3A_664 = arith.constant 64 : i32
        %parallel_loop3A_665 = arith.addi %parallel_loop3A_571, %parallel_loop3A_664 : i32
        %parallel_loop3A_666 = arith.index_cast %parallel_loop3A_665 : i32 to index
        %parallel_loop3A_667 = tpu.vector_load %arg6[%parallel_loop3A_666] {strides = array<i32>} : memref<65536xf32, #tpu.memory_space<vmem>>, vector<16xf32>,
        %parallel_loop3A_668 = vector.shape_cast %parallel_loop3A_667 : vector<16xf32> to vector<16xf32>
        %parallel_loop3A_669 = arith.constant 128 : i32
        %parallel_loop3A_670 = arith.addi %parallel_loop3A_571, %parallel_loop3A_669 : i32
        %parallel_loop3A_671 = arith.constant 64 : i32
        %parallel_loop3A_672 = arith.addi %parallel_loop3A_670, %parallel_loop3A_671 : i32
        %parallel_loop3A_673 = arith.index_cast %parallel_loop3A_672 : i32 to index
        %parallel_loop3A_674 = tpu.vector_load %arg6[%parallel_loop3A_673] {strides = array<i32>} : memref<65536xf32, #tpu.memory_space<vmem>>, vector<16xf32>,
        %parallel_loop3A_675 = vector.shape_cast %parallel_loop3A_674 : vector<16xf32> to vector<16xf32>
        %parallel_loop3A_676 = arith.subf %parallel_loop3A_675, %parallel_loop3A_668 : vector<16xf32>
        %parallel_loop3A_677 = arith.mulf %parallel_loop3A_191, %parallel_loop3A_676 : vector<16xf32>
        %parallel_loop3A_678 = arith.addf %parallel_loop3A_668, %parallel_loop3A_677 : vector<16xf32>
        %parallel_loop3A_679 = arith.constant 2 : i32
        %parallel_loop3A_680 = arith.index_cast %rem3A_89 : i32 to index
        %parallel_loop3A_681 = arith.index_cast %parallel_loop3A_679 : i32 to index
        %parallel_loop3A_682 = arith.index_cast %parallel_loop3A_169 : i32 to index
        %parallel_loop3A_683 = arith.constant 64 : index
        %parallel_loop3A_684 = tpu.vector_load %arg7[%parallel_loop3A_680, %parallel_loop3A_681, %parallel_loop3A_682, %parallel_loop3A_683] {strides = array<i32>} : memref<2x4x32x128xf32, #tpu.memory_space<vmem>>, vector<1x1x1x16xf32>,
        %parallel_loop3A_685 = vector.shape_cast %parallel_loop3A_684 : vector<1x1x1x16xf32> to vector<16xf32>
        %parallel_loop3A_686 = vector.shape_cast %parallel_loop3A_678 : vector<16xf32> to vector<1x1x1x16xf32>
        tpu.vector_store %arg7[%parallel_loop3A_680, %parallel_loop3A_681, %parallel_loop3A_682, %parallel_loop3A_683], %parallel_loop3A_686 {strides = array<i32>} : memref<2x4x32x128xf32, #tpu.memory_space<vmem>>, vector<1x1x1x16xf32>,
        %parallel_loop3A_687 = arith.constant 80 : i32
        %parallel_loop3A_688 = arith.addi %parallel_loop3A_571, %parallel_loop3A_687 : i32
        %parallel_loop3A_689 = arith.index_cast %parallel_loop3A_688 : i32 to index
        %parallel_loop3A_690 = tpu.vector_load %arg6[%parallel_loop3A_689] {strides = array<i32>} : memref<65536xf32, #tpu.memory_space<vmem>>, vector<16xf32>,
        %parallel_loop3A_691 = vector.shape_cast %parallel_loop3A_690 : vector<16xf32> to vector<16xf32>
        %parallel_loop3A_692 = arith.constant 128 : i32
        %parallel_loop3A_693 = arith.addi %parallel_loop3A_571, %parallel_loop3A_692 : i32
        %parallel_loop3A_694 = arith.constant 80 : i32
        %parallel_loop3A_695 = arith.addi %parallel_loop3A_693, %parallel_loop3A_694 : i32
        %parallel_loop3A_696 = arith.index_cast %parallel_loop3A_695 : i32 to index
        %parallel_loop3A_697 = tpu.vector_load %arg6[%parallel_loop3A_696] {strides = array<i32>} : memref<65536xf32, #tpu.memory_space<vmem>>, vector<16xf32>,
        %parallel_loop3A_698 = vector.shape_cast %parallel_loop3A_697 : vector<16xf32> to vector<16xf32>
        %parallel_loop3A_699 = arith.subf %parallel_loop3A_698, %parallel_loop3A_691 : vector<16xf32>
        %parallel_loop3A_700 = arith.mulf %parallel_loop3A_191, %parallel_loop3A_699 : vector<16xf32>
        %parallel_loop3A_701 = arith.addf %parallel_loop3A_691, %parallel_loop3A_700 : vector<16xf32>
        %parallel_loop3A_702 = arith.constant 2 : i32
        %parallel_loop3A_703 = arith.index_cast %rem3A_89 : i32 to index
        %parallel_loop3A_704 = arith.index_cast %parallel_loop3A_702 : i32 to index
        %parallel_loop3A_705 = arith.index_cast %parallel_loop3A_169 : i32 to index
        %parallel_loop3A_706 = arith.constant 80 : index
        %parallel_loop3A_707 = tpu.vector_load %arg7[%parallel_loop3A_703, %parallel_loop3A_704, %parallel_loop3A_705, %parallel_loop3A_706] {strides = array<i32>} : memref<2x4x32x128xf32, #tpu.memory_space<vmem>>, vector<1x1x1x16xf32>,
        %parallel_loop3A_708 = vector.shape_cast %parallel_loop3A_707 : vector<1x1x1x16xf32> to vector<16xf32>
        %parallel_loop3A_709 = vector.shape_cast %parallel_loop3A_701 : vector<16xf32> to vector<1x1x1x16xf32>
        tpu.vector_store %arg7[%parallel_loop3A_703, %parallel_loop3A_704, %parallel_loop3A_705, %parallel_loop3A_706], %parallel_loop3A_709 {strides = array<i32>} : memref<2x4x32x128xf32, #tpu.memory_space<vmem>>, vector<1x1x1x16xf32>,
        %parallel_loop3A_710 = arith.constant 96 : i32
        %parallel_loop3A_711 = arith.addi %parallel_loop3A_571, %parallel_loop3A_710 : i32
        %parallel_loop3A_712 = arith.index_cast %parallel_loop3A_711 : i32 to index
        %parallel_loop3A_713 = tpu.vector_load %arg6[%parallel_loop3A_712] {strides = array<i32>} : memref<65536xf32, #tpu.memory_space<vmem>>, vector<16xf32>,
        %parallel_loop3A_714 = vector.shape_cast %parallel_loop3A_713 : vector<16xf32> to vector<16xf32>
        %parallel_loop3A_715 = arith.constant 128 : i32
        %parallel_loop3A_716 = arith.addi %parallel_loop3A_571, %parallel_loop3A_715 : i32
        %parallel_loop3A_717 = arith.constant 96 : i32
        %parallel_loop3A_718 = arith.addi %parallel_loop3A_716, %parallel_loop3A_717 : i32
        %parallel_loop3A_719 = arith.index_cast %parallel_loop3A_718 : i32 to index
        %parallel_loop3A_720 = tpu.vector_load %arg6[%parallel_loop3A_719] {strides = array<i32>} : memref<65536xf32, #tpu.memory_space<vmem>>, vector<16xf32>,
        %parallel_loop3A_721 = vector.shape_cast %parallel_loop3A_720 : vector<16xf32> to vector<16xf32>
        %parallel_loop3A_722 = arith.subf %parallel_loop3A_721, %parallel_loop3A_714 : vector<16xf32>
        %parallel_loop3A_723 = arith.mulf %parallel_loop3A_191, %parallel_loop3A_722 : vector<16xf32>
        %parallel_loop3A_724 = arith.addf %parallel_loop3A_714, %parallel_loop3A_723 : vector<16xf32>
        %parallel_loop3A_725 = arith.constant 2 : i32
        %parallel_loop3A_726 = arith.index_cast %rem3A_89 : i32 to index
        %parallel_loop3A_727 = arith.index_cast %parallel_loop3A_725 : i32 to index
        %parallel_loop3A_728 = arith.index_cast %parallel_loop3A_169 : i32 to index
        %parallel_loop3A_729 = arith.constant 96 : index
        %parallel_loop3A_730 = tpu.vector_load %arg7[%parallel_loop3A_726, %parallel_loop3A_727, %parallel_loop3A_728, %parallel_loop3A_729] {strides = array<i32>} : memref<2x4x32x128xf32, #tpu.memory_space<vmem>>, vector<1x1x1x16xf32>,
        %parallel_loop3A_731 = vector.shape_cast %parallel_loop3A_730 : vector<1x1x1x16xf32> to vector<16xf32>
        %parallel_loop3A_732 = vector.shape_cast %parallel_loop3A_724 : vector<16xf32> to vector<1x1x1x16xf32>
        tpu.vector_store %arg7[%parallel_loop3A_726, %parallel_loop3A_727, %parallel_loop3A_728, %parallel_loop3A_729], %parallel_loop3A_732 {strides = array<i32>} : memref<2x4x32x128xf32, #tpu.memory_space<vmem>>, vector<1x1x1x16xf32>,
        %parallel_loop3A_733 = arith.constant 112 : i32
        %parallel_loop3A_734 = arith.addi %parallel_loop3A_571, %parallel_loop3A_733 : i32
        %parallel_loop3A_735 = arith.index_cast %parallel_loop3A_734 : i32 to index
        %parallel_loop3A_736 = tpu.vector_load %arg6[%parallel_loop3A_735] {strides = array<i32>} : memref<65536xf32, #tpu.memory_space<vmem>>, vector<16xf32>,
        %parallel_loop3A_737 = vector.shape_cast %parallel_loop3A_736 : vector<16xf32> to vector<16xf32>
        %parallel_loop3A_738 = arith.constant 128 : i32
        %parallel_loop3A_739 = arith.addi %parallel_loop3A_571, %parallel_loop3A_738 : i32
        %parallel_loop3A_740 = arith.constant 112 : i32
        %parallel_loop3A_741 = arith.addi %parallel_loop3A_739, %parallel_loop3A_740 : i32
        %parallel_loop3A_742 = arith.index_cast %parallel_loop3A_741 : i32 to index
        %parallel_loop3A_743 = tpu.vector_load %arg6[%parallel_loop3A_742] {strides = array<i32>} : memref<65536xf32, #tpu.memory_space<vmem>>, vector<16xf32>,
        %parallel_loop3A_744 = vector.shape_cast %parallel_loop3A_743 : vector<16xf32> to vector<16xf32>
        %parallel_loop3A_745 = arith.subf %parallel_loop3A_744, %parallel_loop3A_737 : vector<16xf32>
        %parallel_loop3A_746 = arith.mulf %parallel_loop3A_191, %parallel_loop3A_745 : vector<16xf32>
        %parallel_loop3A_747 = arith.addf %parallel_loop3A_737, %parallel_loop3A_746 : vector<16xf32>
        %parallel_loop3A_748 = arith.constant 2 : i32
        %parallel_loop3A_749 = arith.index_cast %rem3A_89 : i32 to index
        %parallel_loop3A_750 = arith.index_cast %parallel_loop3A_748 : i32 to index
        %parallel_loop3A_751 = arith.index_cast %parallel_loop3A_169 : i32 to index
        %parallel_loop3A_752 = arith.constant 112 : index
        %parallel_loop3A_753 = tpu.vector_load %arg7[%parallel_loop3A_749, %parallel_loop3A_750, %parallel_loop3A_751, %parallel_loop3A_752] {strides = array<i32>} : memref<2x4x32x128xf32, #tpu.memory_space<vmem>>, vector<1x1x1x16xf32>,
        %parallel_loop3A_754 = vector.shape_cast %parallel_loop3A_753 : vector<1x1x1x16xf32> to vector<16xf32>
        %parallel_loop3A_755 = vector.shape_cast %parallel_loop3A_747 : vector<16xf32> to vector<1x1x1x16xf32>
        tpu.vector_store %arg7[%parallel_loop3A_749, %parallel_loop3A_750, %parallel_loop3A_751, %parallel_loop3A_752], %parallel_loop3A_755 {strides = array<i32>} : memref<2x4x32x128xf32, #tpu.memory_space<vmem>>, vector<1x1x1x16xf32>,
        %parallel_loop3A_756 = arith.constant 128 : i32
        %parallel_loop3A_757 = arith.muli %parallel_loop3A_188, %parallel_loop3A_756 : i32
        %parallel_loop3A_758 = arith.constant 49152 : i32
        %parallel_loop3A_759 = arith.addi %parallel_loop3A_758, %parallel_loop3A_757 : i32
        %parallel_loop3A_760 = arith.constant 0 : i32
        %parallel_loop3A_761 = arith.addi %parallel_loop3A_759, %parallel_loop3A_760 : i32
        %parallel_loop3A_762 = arith.index_cast %parallel_loop3A_761 : i32 to index
        %parallel_loop3A_763 = tpu.vector_load %arg6[%parallel_loop3A_762] {strides = array<i32>} : memref<65536xf32, #tpu.memory_space<vmem>>, vector<16xf32>,
        %parallel_loop3A_764 = vector.shape_cast %parallel_loop3A_763 : vector<16xf32> to vector<16xf32>
        %parallel_loop3A_765 = arith.constant 128 : i32
        %parallel_loop3A_766 = arith.addi %parallel_loop3A_759, %parallel_loop3A_765 : i32
        %parallel_loop3A_767 = arith.constant 0 : i32
        %parallel_loop3A_768 = arith.addi %parallel_loop3A_766, %parallel_loop3A_767 : i32
        %parallel_loop3A_769 = arith.index_cast %parallel_loop3A_768 : i32 to index
        %parallel_loop3A_770 = tpu.vector_load %arg6[%parallel_loop3A_769] {strides = array<i32>} : memref<65536xf32, #tpu.memory_space<vmem>>, vector<16xf32>,
        %parallel_loop3A_771 = vector.shape_cast %parallel_loop3A_770 : vector<16xf32> to vector<16xf32>
        %parallel_loop3A_772 = arith.subf %parallel_loop3A_771, %parallel_loop3A_764 : vector<16xf32>
        %parallel_loop3A_773 = arith.mulf %parallel_loop3A_191, %parallel_loop3A_772 : vector<16xf32>
        %parallel_loop3A_774 = arith.addf %parallel_loop3A_764, %parallel_loop3A_773 : vector<16xf32>
        %parallel_loop3A_775 = arith.constant 3 : i32
        %parallel_loop3A_776 = arith.index_cast %rem3A_89 : i32 to index
        %parallel_loop3A_777 = arith.index_cast %parallel_loop3A_775 : i32 to index
        %parallel_loop3A_778 = arith.index_cast %parallel_loop3A_169 : i32 to index
        %parallel_loop3A_779 = arith.constant 0 : index
        %parallel_loop3A_780 = tpu.vector_load %arg7[%parallel_loop3A_776, %parallel_loop3A_777, %parallel_loop3A_778, %parallel_loop3A_779] {strides = array<i32>} : memref<2x4x32x128xf32, #tpu.memory_space<vmem>>, vector<1x1x1x16xf32>,
        %parallel_loop3A_781 = vector.shape_cast %parallel_loop3A_780 : vector<1x1x1x16xf32> to vector<16xf32>
        %parallel_loop3A_782 = vector.shape_cast %parallel_loop3A_774 : vector<16xf32> to vector<1x1x1x16xf32>
        tpu.vector_store %arg7[%parallel_loop3A_776, %parallel_loop3A_777, %parallel_loop3A_778, %parallel_loop3A_779], %parallel_loop3A_782 {strides = array<i32>} : memref<2x4x32x128xf32, #tpu.memory_space<vmem>>, vector<1x1x1x16xf32>,
        %parallel_loop3A_783 = arith.constant 16 : i32
        %parallel_loop3A_784 = arith.addi %parallel_loop3A_759, %parallel_loop3A_783 : i32
        %parallel_loop3A_785 = arith.index_cast %parallel_loop3A_784 : i32 to index
        %parallel_loop3A_786 = tpu.vector_load %arg6[%parallel_loop3A_785] {strides = array<i32>} : memref<65536xf32, #tpu.memory_space<vmem>>, vector<16xf32>,
        %parallel_loop3A_787 = vector.shape_cast %parallel_loop3A_786 : vector<16xf32> to vector<16xf32>
        %parallel_loop3A_788 = arith.constant 128 : i32
        %parallel_loop3A_789 = arith.addi %parallel_loop3A_759, %parallel_loop3A_788 : i32
        %parallel_loop3A_790 = arith.constant 16 : i32
        %parallel_loop3A_791 = arith.addi %parallel_loop3A_789, %parallel_loop3A_790 : i32
        %parallel_loop3A_792 = arith.index_cast %parallel_loop3A_791 : i32 to index
        %parallel_loop3A_793 = tpu.vector_load %arg6[%parallel_loop3A_792] {strides = array<i32>} : memref<65536xf32, #tpu.memory_space<vmem>>, vector<16xf32>,
        %parallel_loop3A_794 = vector.shape_cast %parallel_loop3A_793 : vector<16xf32> to vector<16xf32>
        %parallel_loop3A_795 = arith.subf %parallel_loop3A_794, %parallel_loop3A_787 : vector<16xf32>
        %parallel_loop3A_796 = arith.mulf %parallel_loop3A_191, %parallel_loop3A_795 : vector<16xf32>
        %parallel_loop3A_797 = arith.addf %parallel_loop3A_787, %parallel_loop3A_796 : vector<16xf32>
        %parallel_loop3A_798 = arith.constant 3 : i32
        %parallel_loop3A_799 = arith.index_cast %rem3A_89 : i32 to index
        %parallel_loop3A_800 = arith.index_cast %parallel_loop3A_798 : i32 to index
        %parallel_loop3A_801 = arith.index_cast %parallel_loop3A_169 : i32 to index
        %parallel_loop3A_802 = arith.constant 16 : index
        %parallel_loop3A_803 = tpu.vector_load %arg7[%parallel_loop3A_799, %parallel_loop3A_800, %parallel_loop3A_801, %parallel_loop3A_802] {strides = array<i32>} : memref<2x4x32x128xf32, #tpu.memory_space<vmem>>, vector<1x1x1x16xf32>,
        %parallel_loop3A_804 = vector.shape_cast %parallel_loop3A_803 : vector<1x1x1x16xf32> to vector<16xf32>
        %parallel_loop3A_805 = vector.shape_cast %parallel_loop3A_797 : vector<16xf32> to vector<1x1x1x16xf32>
        tpu.vector_store %arg7[%parallel_loop3A_799, %parallel_loop3A_800, %parallel_loop3A_801, %parallel_loop3A_802], %parallel_loop3A_805 {strides = array<i32>} : memref<2x4x32x128xf32, #tpu.memory_space<vmem>>, vector<1x1x1x16xf32>,
        %parallel_loop3A_806 = arith.constant 32 : i32
        %parallel_loop3A_807 = arith.addi %parallel_loop3A_759, %parallel_loop3A_806 : i32
        %parallel_loop3A_808 = arith.index_cast %parallel_loop3A_807 : i32 to index
        %parallel_loop3A_809 = tpu.vector_load %arg6[%parallel_loop3A_808] {strides = array<i32>} : memref<65536xf32, #tpu.memory_space<vmem>>, vector<16xf32>,
        %parallel_loop3A_810 = vector.shape_cast %parallel_loop3A_809 : vector<16xf32> to vector<16xf32>
        %parallel_loop3A_811 = arith.constant 128 : i32
        %parallel_loop3A_812 = arith.addi %parallel_loop3A_759, %parallel_loop3A_811 : i32
        %parallel_loop3A_813 = arith.constant 32 : i32
        %parallel_loop3A_814 = arith.addi %parallel_loop3A_812, %parallel_loop3A_813 : i32
        %parallel_loop3A_815 = arith.index_cast %parallel_loop3A_814 : i32 to index
        %parallel_loop3A_816 = tpu.vector_load %arg6[%parallel_loop3A_815] {strides = array<i32>} : memref<65536xf32, #tpu.memory_space<vmem>>, vector<16xf32>,
        %parallel_loop3A_817 = vector.shape_cast %parallel_loop3A_816 : vector<16xf32> to vector<16xf32>
        %parallel_loop3A_818 = arith.subf %parallel_loop3A_817, %parallel_loop3A_810 : vector<16xf32>
        %parallel_loop3A_819 = arith.mulf %parallel_loop3A_191, %parallel_loop3A_818 : vector<16xf32>
        %parallel_loop3A_820 = arith.addf %parallel_loop3A_810, %parallel_loop3A_819 : vector<16xf32>
        %parallel_loop3A_821 = arith.constant 3 : i32
        %parallel_loop3A_822 = arith.index_cast %rem3A_89 : i32 to index
        %parallel_loop3A_823 = arith.index_cast %parallel_loop3A_821 : i32 to index
        %parallel_loop3A_824 = arith.index_cast %parallel_loop3A_169 : i32 to index
        %parallel_loop3A_825 = arith.constant 32 : index
        %parallel_loop3A_826 = tpu.vector_load %arg7[%parallel_loop3A_822, %parallel_loop3A_823, %parallel_loop3A_824, %parallel_loop3A_825] {strides = array<i32>} : memref<2x4x32x128xf32, #tpu.memory_space<vmem>>, vector<1x1x1x16xf32>,
        %parallel_loop3A_827 = vector.shape_cast %parallel_loop3A_826 : vector<1x1x1x16xf32> to vector<16xf32>
        %parallel_loop3A_828 = vector.shape_cast %parallel_loop3A_820 : vector<16xf32> to vector<1x1x1x16xf32>
        tpu.vector_store %arg7[%parallel_loop3A_822, %parallel_loop3A_823, %parallel_loop3A_824, %parallel_loop3A_825], %parallel_loop3A_828 {strides = array<i32>} : memref<2x4x32x128xf32, #tpu.memory_space<vmem>>, vector<1x1x1x16xf32>,
        %parallel_loop3A_829 = arith.constant 48 : i32
        %parallel_loop3A_830 = arith.addi %parallel_loop3A_759, %parallel_loop3A_829 : i32
        %parallel_loop3A_831 = arith.index_cast %parallel_loop3A_830 : i32 to index
        %parallel_loop3A_832 = tpu.vector_load %arg6[%parallel_loop3A_831] {strides = array<i32>} : memref<65536xf32, #tpu.memory_space<vmem>>, vector<16xf32>,
        %parallel_loop3A_833 = vector.shape_cast %parallel_loop3A_832 : vector<16xf32> to vector<16xf32>
        %parallel_loop3A_834 = arith.constant 128 : i32
        %parallel_loop3A_835 = arith.addi %parallel_loop3A_759, %parallel_loop3A_834 : i32
        %parallel_loop3A_836 = arith.constant 48 : i32
        %parallel_loop3A_837 = arith.addi %parallel_loop3A_835, %parallel_loop3A_836 : i32
        %parallel_loop3A_838 = arith.index_cast %parallel_loop3A_837 : i32 to index
        %parallel_loop3A_839 = tpu.vector_load %arg6[%parallel_loop3A_838] {strides = array<i32>} : memref<65536xf32, #tpu.memory_space<vmem>>, vector<16xf32>,
        %parallel_loop3A_840 = vector.shape_cast %parallel_loop3A_839 : vector<16xf32> to vector<16xf32>
        %parallel_loop3A_841 = arith.subf %parallel_loop3A_840, %parallel_loop3A_833 : vector<16xf32>
        %parallel_loop3A_842 = arith.mulf %parallel_loop3A_191, %parallel_loop3A_841 : vector<16xf32>
        %parallel_loop3A_843 = arith.addf %parallel_loop3A_833, %parallel_loop3A_842 : vector<16xf32>
        %parallel_loop3A_844 = arith.constant 3 : i32
        %parallel_loop3A_845 = arith.index_cast %rem3A_89 : i32 to index
        %parallel_loop3A_846 = arith.index_cast %parallel_loop3A_844 : i32 to index
        %parallel_loop3A_847 = arith.index_cast %parallel_loop3A_169 : i32 to index
        %parallel_loop3A_848 = arith.constant 48 : index
        %parallel_loop3A_849 = tpu.vector_load %arg7[%parallel_loop3A_845, %parallel_loop3A_846, %parallel_loop3A_847, %parallel_loop3A_848] {strides = array<i32>} : memref<2x4x32x128xf32, #tpu.memory_space<vmem>>, vector<1x1x1x16xf32>,
        %parallel_loop3A_850 = vector.shape_cast %parallel_loop3A_849 : vector<1x1x1x16xf32> to vector<16xf32>
        %parallel_loop3A_851 = vector.shape_cast %parallel_loop3A_843 : vector<16xf32> to vector<1x1x1x16xf32>
        tpu.vector_store %arg7[%parallel_loop3A_845, %parallel_loop3A_846, %parallel_loop3A_847, %parallel_loop3A_848], %parallel_loop3A_851 {strides = array<i32>} : memref<2x4x32x128xf32, #tpu.memory_space<vmem>>, vector<1x1x1x16xf32>,
        %parallel_loop3A_852 = arith.constant 64 : i32
        %parallel_loop3A_853 = arith.addi %parallel_loop3A_759, %parallel_loop3A_852 : i32
        %parallel_loop3A_854 = arith.index_cast %parallel_loop3A_853 : i32 to index
        %parallel_loop3A_855 = tpu.vector_load %arg6[%parallel_loop3A_854] {strides = array<i32>} : memref<65536xf32, #tpu.memory_space<vmem>>, vector<16xf32>,
        %parallel_loop3A_856 = vector.shape_cast %parallel_loop3A_855 : vector<16xf32> to vector<16xf32>
        %parallel_loop3A_857 = arith.constant 128 : i32
        %parallel_loop3A_858 = arith.addi %parallel_loop3A_759, %parallel_loop3A_857 : i32
        %parallel_loop3A_859 = arith.constant 64 : i32
        %parallel_loop3A_860 = arith.addi %parallel_loop3A_858, %parallel_loop3A_859 : i32
        %parallel_loop3A_861 = arith.index_cast %parallel_loop3A_860 : i32 to index
        %parallel_loop3A_862 = tpu.vector_load %arg6[%parallel_loop3A_861] {strides = array<i32>} : memref<65536xf32, #tpu.memory_space<vmem>>, vector<16xf32>,
        %parallel_loop3A_863 = vector.shape_cast %parallel_loop3A_862 : vector<16xf32> to vector<16xf32>
        %parallel_loop3A_864 = arith.subf %parallel_loop3A_863, %parallel_loop3A_856 : vector<16xf32>
        %parallel_loop3A_865 = arith.mulf %parallel_loop3A_191, %parallel_loop3A_864 : vector<16xf32>
        %parallel_loop3A_866 = arith.addf %parallel_loop3A_856, %parallel_loop3A_865 : vector<16xf32>
        %parallel_loop3A_867 = arith.constant 3 : i32
        %parallel_loop3A_868 = arith.index_cast %rem3A_89 : i32 to index
        %parallel_loop3A_869 = arith.index_cast %parallel_loop3A_867 : i32 to index
        %parallel_loop3A_870 = arith.index_cast %parallel_loop3A_169 : i32 to index
        %parallel_loop3A_871 = arith.constant 64 : index
        %parallel_loop3A_872 = tpu.vector_load %arg7[%parallel_loop3A_868, %parallel_loop3A_869, %parallel_loop3A_870, %parallel_loop3A_871] {strides = array<i32>} : memref<2x4x32x128xf32, #tpu.memory_space<vmem>>, vector<1x1x1x16xf32>,
        %parallel_loop3A_873 = vector.shape_cast %parallel_loop3A_872 : vector<1x1x1x16xf32> to vector<16xf32>
        %parallel_loop3A_874 = vector.shape_cast %parallel_loop3A_866 : vector<16xf32> to vector<1x1x1x16xf32>
        tpu.vector_store %arg7[%parallel_loop3A_868, %parallel_loop3A_869, %parallel_loop3A_870, %parallel_loop3A_871], %parallel_loop3A_874 {strides = array<i32>} : memref<2x4x32x128xf32, #tpu.memory_space<vmem>>, vector<1x1x1x16xf32>,
        %parallel_loop3A_875 = arith.constant 80 : i32
        %parallel_loop3A_876 = arith.addi %parallel_loop3A_759, %parallel_loop3A_875 : i32
        %parallel_loop3A_877 = arith.index_cast %parallel_loop3A_876 : i32 to index
        %parallel_loop3A_878 = tpu.vector_load %arg6[%parallel_loop3A_877] {strides = array<i32>} : memref<65536xf32, #tpu.memory_space<vmem>>, vector<16xf32>,
        %parallel_loop3A_879 = vector.shape_cast %parallel_loop3A_878 : vector<16xf32> to vector<16xf32>
        %parallel_loop3A_880 = arith.constant 128 : i32
        %parallel_loop3A_881 = arith.addi %parallel_loop3A_759, %parallel_loop3A_880 : i32
        %parallel_loop3A_882 = arith.constant 80 : i32
        %parallel_loop3A_883 = arith.addi %parallel_loop3A_881, %parallel_loop3A_882 : i32
        %parallel_loop3A_884 = arith.index_cast %parallel_loop3A_883 : i32 to index
        %parallel_loop3A_885 = tpu.vector_load %arg6[%parallel_loop3A_884] {strides = array<i32>} : memref<65536xf32, #tpu.memory_space<vmem>>, vector<16xf32>,
        %parallel_loop3A_886 = vector.shape_cast %parallel_loop3A_885 : vector<16xf32> to vector<16xf32>
        %parallel_loop3A_887 = arith.subf %parallel_loop3A_886, %parallel_loop3A_879 : vector<16xf32>
        %parallel_loop3A_888 = arith.mulf %parallel_loop3A_191, %parallel_loop3A_887 : vector<16xf32>
        %parallel_loop3A_889 = arith.addf %parallel_loop3A_879, %parallel_loop3A_888 : vector<16xf32>
        %parallel_loop3A_890 = arith.constant 3 : i32
        %parallel_loop3A_891 = arith.index_cast %rem3A_89 : i32 to index
        %parallel_loop3A_892 = arith.index_cast %parallel_loop3A_890 : i32 to index
        %parallel_loop3A_893 = arith.index_cast %parallel_loop3A_169 : i32 to index
        %parallel_loop3A_894 = arith.constant 80 : index
        %parallel_loop3A_895 = tpu.vector_load %arg7[%parallel_loop3A_891, %parallel_loop3A_892, %parallel_loop3A_893, %parallel_loop3A_894] {strides = array<i32>} : memref<2x4x32x128xf32, #tpu.memory_space<vmem>>, vector<1x1x1x16xf32>,
        %parallel_loop3A_896 = vector.shape_cast %parallel_loop3A_895 : vector<1x1x1x16xf32> to vector<16xf32>
        %parallel_loop3A_897 = vector.shape_cast %parallel_loop3A_889 : vector<16xf32> to vector<1x1x1x16xf32>
        tpu.vector_store %arg7[%parallel_loop3A_891, %parallel_loop3A_892, %parallel_loop3A_893, %parallel_loop3A_894], %parallel_loop3A_897 {strides = array<i32>} : memref<2x4x32x128xf32, #tpu.memory_space<vmem>>, vector<1x1x1x16xf32>,
        %parallel_loop3A_898 = arith.constant 96 : i32
        %parallel_loop3A_899 = arith.addi %parallel_loop3A_759, %parallel_loop3A_898 : i32
        %parallel_loop3A_900 = arith.index_cast %parallel_loop3A_899 : i32 to index
        %parallel_loop3A_901 = tpu.vector_load %arg6[%parallel_loop3A_900] {strides = array<i32>} : memref<65536xf32, #tpu.memory_space<vmem>>, vector<16xf32>,
        %parallel_loop3A_902 = vector.shape_cast %parallel_loop3A_901 : vector<16xf32> to vector<16xf32>
        %parallel_loop3A_903 = arith.constant 128 : i32
        %parallel_loop3A_904 = arith.addi %parallel_loop3A_759, %parallel_loop3A_903 : i32
        %parallel_loop3A_905 = arith.constant 96 : i32
        %parallel_loop3A_906 = arith.addi %parallel_loop3A_904, %parallel_loop3A_905 : i32
        %parallel_loop3A_907 = arith.index_cast %parallel_loop3A_906 : i32 to index
        %parallel_loop3A_908 = tpu.vector_load %arg6[%parallel_loop3A_907] {strides = array<i32>} : memref<65536xf32, #tpu.memory_space<vmem>>, vector<16xf32>,
        %parallel_loop3A_909 = vector.shape_cast %parallel_loop3A_908 : vector<16xf32> to vector<16xf32>
        %parallel_loop3A_910 = arith.subf %parallel_loop3A_909, %parallel_loop3A_902 : vector<16xf32>
        %parallel_loop3A_911 = arith.mulf %parallel_loop3A_191, %parallel_loop3A_910 : vector<16xf32>
        %parallel_loop3A_912 = arith.addf %parallel_loop3A_902, %parallel_loop3A_911 : vector<16xf32>
        %parallel_loop3A_913 = arith.constant 3 : i32
        %parallel_loop3A_914 = arith.index_cast %rem3A_89 : i32 to index
        %parallel_loop3A_915 = arith.index_cast %parallel_loop3A_913 : i32 to index
        %parallel_loop3A_916 = arith.index_cast %parallel_loop3A_169 : i32 to index
        %parallel_loop3A_917 = arith.constant 96 : index
        %parallel_loop3A_918 = tpu.vector_load %arg7[%parallel_loop3A_914, %parallel_loop3A_915, %parallel_loop3A_916, %parallel_loop3A_917] {strides = array<i32>} : memref<2x4x32x128xf32, #tpu.memory_space<vmem>>, vector<1x1x1x16xf32>,
        %parallel_loop3A_919 = vector.shape_cast %parallel_loop3A_918 : vector<1x1x1x16xf32> to vector<16xf32>
        %parallel_loop3A_920 = vector.shape_cast %parallel_loop3A_912 : vector<16xf32> to vector<1x1x1x16xf32>
        tpu.vector_store %arg7[%parallel_loop3A_914, %parallel_loop3A_915, %parallel_loop3A_916, %parallel_loop3A_917], %parallel_loop3A_920 {strides = array<i32>} : memref<2x4x32x128xf32, #tpu.memory_space<vmem>>, vector<1x1x1x16xf32>,
        %parallel_loop3A_921 = arith.constant 112 : i32
        %parallel_loop3A_922 = arith.addi %parallel_loop3A_759, %parallel_loop3A_921 : i32
        %parallel_loop3A_923 = arith.index_cast %parallel_loop3A_922 : i32 to index
        %parallel_loop3A_924 = tpu.vector_load %arg6[%parallel_loop3A_923] {strides = array<i32>} : memref<65536xf32, #tpu.memory_space<vmem>>, vector<16xf32>,
        %parallel_loop3A_925 = vector.shape_cast %parallel_loop3A_924 : vector<16xf32> to vector<16xf32>
        %parallel_loop3A_926 = arith.constant 128 : i32
        %parallel_loop3A_927 = arith.addi %parallel_loop3A_759, %parallel_loop3A_926 : i32
        %parallel_loop3A_928 = arith.constant 112 : i32
        %parallel_loop3A_929 = arith.addi %parallel_loop3A_927, %parallel_loop3A_928 : i32
        %parallel_loop3A_930 = arith.index_cast %parallel_loop3A_929 : i32 to index
        %parallel_loop3A_931 = tpu.vector_load %arg6[%parallel_loop3A_930] {strides = array<i32>} : memref<65536xf32, #tpu.memory_space<vmem>>, vector<16xf32>,
        %parallel_loop3A_932 = vector.shape_cast %parallel_loop3A_931 : vector<16xf32> to vector<16xf32>
        %parallel_loop3A_933 = arith.subf %parallel_loop3A_932, %parallel_loop3A_925 : vector<16xf32>
        %parallel_loop3A_934 = arith.mulf %parallel_loop3A_191, %parallel_loop3A_933 : vector<16xf32>
        %parallel_loop3A_935 = arith.addf %parallel_loop3A_925, %parallel_loop3A_934 : vector<16xf32>
        %parallel_loop3A_936 = arith.constant 3 : i32
        %parallel_loop3A_937 = arith.index_cast %rem3A_89 : i32 to index
        %parallel_loop3A_938 = arith.index_cast %parallel_loop3A_936 : i32 to index
        %parallel_loop3A_939 = arith.index_cast %parallel_loop3A_169 : i32 to index
        %parallel_loop3A_940 = arith.constant 112 : index
        %parallel_loop3A_941 = tpu.vector_load %arg7[%parallel_loop3A_937, %parallel_loop3A_938, %parallel_loop3A_939, %parallel_loop3A_940] {strides = array<i32>} : memref<2x4x32x128xf32, #tpu.memory_space<vmem>>, vector<1x1x1x16xf32>,
        %parallel_loop3A_942 = vector.shape_cast %parallel_loop3A_941 : vector<1x1x1x16xf32> to vector<16xf32>
        %parallel_loop3A_943 = vector.shape_cast %parallel_loop3A_935 : vector<16xf32> to vector<1x1x1x16xf32>
        tpu.vector_store %arg7[%parallel_loop3A_937, %parallel_loop3A_938, %parallel_loop3A_939, %parallel_loop3A_940], %parallel_loop3A_943 {strides = array<i32>} : memref<2x4x32x128xf32, #tpu.memory_space<vmem>>, vector<1x1x1x16xf32>,
      } {sc.loop_unroll_factor = 4 : i64, sc.parallel_access}
      %ge3A = arith.constant 1 : i32
      %ge3A_92 = arith.cmpi sge, %add3A_88, %ge3A : i32
      %convert_element_type3A = arith.extui %ge3A_92 : i1 to i32
      %cond3A = arith.constant 0 : i32
      %cond3A_93 = arith.cmpi ne, %convert_element_type3A, %cond3A : i32
      scf.if %cond3A_93 {
        %dma_wait3A_169 = arith.constant 0 : i32
        %dma_wait3A_170 = arith.constant 0 : i32
        %dma_wait3A_171 = arith.constant 0 : i32
        %dma_wait3A_172 = arith.constant 0 : i32
        %dma_wait3A_173 = tpu.memref_slice %arg7[%rem3A_89, %dma_wait3A_169, %dma_wait3A_171, %dma_wait3A_172] : memref<2x4x32x128xf32, #tpu.memory_space<vmem>> -> memref<1x1x32x128xf32, #tpu.memory_space<vmem>>
        %dma_wait3A_174 = tpu.memref_squeeze %dma_wait3A_173 : memref<1x1x32x128xf32, #tpu.memory_space<vmem>> -> memref<32x128xf32, #tpu.memory_space<vmem>>
        %dma_wait3A_175 = arith.constant 0 : i32
        %dma_wait3A_176 = arith.constant 0 : i32
        %dma_wait3A_177 = tpu.memref_slice %arg4[%dma_wait3A_170, %dma_wait3A_175, %dma_wait3A_176] : memref<128x2048x128xf32, #tpu.memory_space<hbm>> -> memref<1x32x128xf32, #tpu.memory_space<hbm>>
        %dma_wait3A_178 = tpu.memref_squeeze %dma_wait3A_177 : memref<1x32x128xf32, #tpu.memory_space<hbm>> -> memref<32x128xf32, #tpu.memory_space<hbm>>
        %dma_wait3A_179 = arith.constant 0 : i32
        %dma_wait3A_180 = arith.constant 0 : i32
        %dma_wait3A_181 = tpu.memref_slice %arg4[%dma_wait3A_170, %dma_wait3A_179, %dma_wait3A_180] : memref<128x2048x128xf32, #tpu.memory_space<hbm>> -> memref<1x32x128xf32, #tpu.memory_space<hbm>>
        %dma_wait3A_182 = tpu.memref_squeeze %dma_wait3A_181 : memref<1x32x128xf32, #tpu.memory_space<hbm>> -> memref<32x128xf32, #tpu.memory_space<hbm>>
        %dma_wait3A_183 = arith.constant 0 : i32
        %dma_wait3A_184 = arith.constant 0 : i32
        %dma_wait3A_185 = tpu.memref_slice %arg7[%rem3A_89, %dma_wait3A_169, %dma_wait3A_183, %dma_wait3A_184] : memref<2x4x32x128xf32, #tpu.memory_space<vmem>> -> memref<1x1x32x128xf32, #tpu.memory_space<vmem>>
        %dma_wait3A_186 = tpu.memref_squeeze %dma_wait3A_185 : memref<1x1x32x128xf32, #tpu.memory_space<vmem>> -> memref<32x128xf32, #tpu.memory_space<vmem>>
        tpu.wait_dma2 semaphore(%arg8 : memref<!tpu.dma_semaphore, #tpu.memory_space<semaphore_mem>>) src(%dma_wait3A_186 : memref<32x128xf32, #tpu.memory_space<vmem>>) dst(%dma_wait3A_182 : memref<32x128xf32, #tpu.memory_space<hbm>>)
        %dma_wait3A_187 = arith.constant 1 : i32
        %dma_wait3A_188 = arith.constant 0 : i32
        %dma_wait3A_189 = arith.constant 0 : i32
        %dma_wait3A_190 = arith.constant 0 : i32
        %dma_wait3A_191 = tpu.memref_slice %arg7[%rem3A_89, %dma_wait3A_187, %dma_wait3A_189, %dma_wait3A_190] : memref<2x4x32x128xf32, #tpu.memory_space<vmem>> -> memref<1x1x32x128xf32, #tpu.memory_space<vmem>>
        %dma_wait3A_192 = tpu.memref_squeeze %dma_wait3A_191 : memref<1x1x32x128xf32, #tpu.memory_space<vmem>> -> memref<32x128xf32, #tpu.memory_space<vmem>>
        %dma_wait3A_193 = arith.constant 0 : i32
        %dma_wait3A_194 = arith.constant 0 : i32
        %dma_wait3A_195 = tpu.memref_slice %arg4[%dma_wait3A_188, %dma_wait3A_193, %dma_wait3A_194] : memref<128x2048x128xf32, #tpu.memory_space<hbm>> -> memref<1x32x128xf32, #tpu.memory_space<hbm>>
        %dma_wait3A_196 = tpu.memref_squeeze %dma_wait3A_195 : memref<1x32x128xf32, #tpu.memory_space<hbm>> -> memref<32x128xf32, #tpu.memory_space<hbm>>
        %dma_wait3A_197 = arith.constant 0 : i32
        %dma_wait3A_198 = arith.constant 0 : i32
        %dma_wait3A_199 = tpu.memref_slice %arg4[%dma_wait3A_188, %dma_wait3A_197, %dma_wait3A_198] : memref<128x2048x128xf32, #tpu.memory_space<hbm>> -> memref<1x32x128xf32, #tpu.memory_space<hbm>>
        %dma_wait3A_200 = tpu.memref_squeeze %dma_wait3A_199 : memref<1x32x128xf32, #tpu.memory_space<hbm>> -> memref<32x128xf32, #tpu.memory_space<hbm>>
        %dma_wait3A_201 = arith.constant 0 : i32
        %dma_wait3A_202 = arith.constant 0 : i32
        %dma_wait3A_203 = tpu.memref_slice %arg7[%rem3A_89, %dma_wait3A_187, %dma_wait3A_201, %dma_wait3A_202] : memref<2x4x32x128xf32, #tpu.memory_space<vmem>> -> memref<1x1x32x128xf32, #tpu.memory_space<vmem>>
        %dma_wait3A_204 = tpu.memref_squeeze %dma_wait3A_203 : memref<1x1x32x128xf32, #tpu.memory_space<vmem>> -> memref<32x128xf32, #tpu.memory_space<vmem>>
        tpu.wait_dma2 semaphore(%arg8 : memref<!tpu.dma_semaphore, #tpu.memory_space<semaphore_mem>>) src(%dma_wait3A_204 : memref<32x128xf32, #tpu.memory_space<vmem>>) dst(%dma_wait3A_200 : memref<32x128xf32, #tpu.memory_space<hbm>>)
        %dma_wait3A_205 = arith.constant 2 : i32
        %dma_wait3A_206 = arith.constant 0 : i32
        %dma_wait3A_207 = arith.constant 0 : i32
        %dma_wait3A_208 = arith.constant 0 : i32
        %dma_wait3A_209 = tpu.memref_slice %arg7[%rem3A_89, %dma_wait3A_205, %dma_wait3A_207, %dma_wait3A_208] : memref<2x4x32x128xf32, #tpu.memory_space<vmem>> -> memref<1x1x32x128xf32, #tpu.memory_space<vmem>>
        %dma_wait3A_210 = tpu.memref_squeeze %dma_wait3A_209 : memref<1x1x32x128xf32, #tpu.memory_space<vmem>> -> memref<32x128xf32, #tpu.memory_space<vmem>>
        %dma_wait3A_211 = arith.constant 0 : i32
        %dma_wait3A_212 = arith.constant 0 : i32
        %dma_wait3A_213 = tpu.memref_slice %arg4[%dma_wait3A_206, %dma_wait3A_211, %dma_wait3A_212] : memref<128x2048x128xf32, #tpu.memory_space<hbm>> -> memref<1x32x128xf32, #tpu.memory_space<hbm>>
        %dma_wait3A_214 = tpu.memref_squeeze %dma_wait3A_213 : memref<1x32x128xf32, #tpu.memory_space<hbm>> -> memref<32x128xf32, #tpu.memory_space<hbm>>
        %dma_wait3A_215 = arith.constant 0 : i32
        %dma_wait3A_216 = arith.constant 0 : i32
        %dma_wait3A_217 = tpu.memref_slice %arg4[%dma_wait3A_206, %dma_wait3A_215, %dma_wait3A_216] : memref<128x2048x128xf32, #tpu.memory_space<hbm>> -> memref<1x32x128xf32, #tpu.memory_space<hbm>>
        %dma_wait3A_218 = tpu.memref_squeeze %dma_wait3A_217 : memref<1x32x128xf32, #tpu.memory_space<hbm>> -> memref<32x128xf32, #tpu.memory_space<hbm>>
        %dma_wait3A_219 = arith.constant 0 : i32
        %dma_wait3A_220 = arith.constant 0 : i32
        %dma_wait3A_221 = tpu.memref_slice %arg7[%rem3A_89, %dma_wait3A_205, %dma_wait3A_219, %dma_wait3A_220] : memref<2x4x32x128xf32, #tpu.memory_space<vmem>> -> memref<1x1x32x128xf32, #tpu.memory_space<vmem>>
        %dma_wait3A_222 = tpu.memref_squeeze %dma_wait3A_221 : memref<1x1x32x128xf32, #tpu.memory_space<vmem>> -> memref<32x128xf32, #tpu.memory_space<vmem>>
        tpu.wait_dma2 semaphore(%arg8 : memref<!tpu.dma_semaphore, #tpu.memory_space<semaphore_mem>>) src(%dma_wait3A_222 : memref<32x128xf32, #tpu.memory_space<vmem>>) dst(%dma_wait3A_218 : memref<32x128xf32, #tpu.memory_space<hbm>>)
        %dma_wait3A_223 = arith.constant 3 : i32
        %dma_wait3A_224 = arith.constant 0 : i32
        %dma_wait3A_225 = arith.constant 0 : i32
        %dma_wait3A_226 = arith.constant 0 : i32
        %dma_wait3A_227 = tpu.memref_slice %arg7[%rem3A_89, %dma_wait3A_223, %dma_wait3A_225, %dma_wait3A_226] : memref<2x4x32x128xf32, #tpu.memory_space<vmem>> -> memref<1x1x32x128xf32, #tpu.memory_space<vmem>>
        %dma_wait3A_228 = tpu.memref_squeeze %dma_wait3A_227 : memref<1x1x32x128xf32, #tpu.memory_space<vmem>> -> memref<32x128xf32, #tpu.memory_space<vmem>>
        %dma_wait3A_229 = arith.constant 0 : i32
        %dma_wait3A_230 = arith.constant 0 : i32
        %dma_wait3A_231 = tpu.memref_slice %arg4[%dma_wait3A_224, %dma_wait3A_229, %dma_wait3A_230] : memref<128x2048x128xf32, #tpu.memory_space<hbm>> -> memref<1x32x128xf32, #tpu.memory_space<hbm>>
        %dma_wait3A_232 = tpu.memref_squeeze %dma_wait3A_231 : memref<1x32x128xf32, #tpu.memory_space<hbm>> -> memref<32x128xf32, #tpu.memory_space<hbm>>
        %dma_wait3A_233 = arith.constant 0 : i32
        %dma_wait3A_234 = arith.constant 0 : i32
        %dma_wait3A_235 = tpu.memref_slice %arg4[%dma_wait3A_224, %dma_wait3A_233, %dma_wait3A_234] : memref<128x2048x128xf32, #tpu.memory_space<hbm>> -> memref<1x32x128xf32, #tpu.memory_space<hbm>>
        %dma_wait3A_236 = tpu.memref_squeeze %dma_wait3A_235 : memref<1x32x128xf32, #tpu.memory_space<hbm>> -> memref<32x128xf32, #tpu.memory_space<hbm>>
        %dma_wait3A_237 = arith.constant 0 : i32
        %dma_wait3A_238 = arith.constant 0 : i32
        %dma_wait3A_239 = tpu.memref_slice %arg7[%rem3A_89, %dma_wait3A_223, %dma_wait3A_237, %dma_wait3A_238] : memref<2x4x32x128xf32, #tpu.memory_space<vmem>> -> memref<1x1x32x128xf32, #tpu.memory_space<vmem>>
        %dma_wait3A_240 = tpu.memref_squeeze %dma_wait3A_239 : memref<1x1x32x128xf32, #tpu.memory_space<vmem>> -> memref<32x128xf32, #tpu.memory_space<vmem>>
        tpu.wait_dma2 semaphore(%arg8 : memref<!tpu.dma_semaphore, #tpu.memory_space<semaphore_mem>>) src(%dma_wait3A_240 : memref<32x128xf32, #tpu.memory_space<vmem>>) dst(%dma_wait3A_236 : memref<32x128xf32, #tpu.memory_space<hbm>>)
      } else {
      }
      %add3A_94 = arith.constant 0 : i32
      %add3A_95 = arith.addi %mul3A_2, %add3A_94 : i32
      %mul3A_96 = arith.constant 32 : i32
      %mul3A_97 = arith.muli %add3A_88, %mul3A_96 : i32
      %dma_start3A = arith.constant 0 : i32
      %dma_start3A_98 = arith.constant 0 : i32
      %dma_start3A_99 = arith.constant 0 : i32
      %dma_start3A_100 = tpu.memref_slice %arg7[%rem3A_89, %dma_start3A, %dma_start3A_98, %dma_start3A_99] : memref<2x4x32x128xf32, #tpu.memory_space<vmem>> -> memref<1x1x32x128xf32, #tpu.memory_space<vmem>>
      %dma_start3A_101 = tpu.memref_squeeze %dma_start3A_100 : memref<1x1x32x128xf32, #tpu.memory_space<vmem>> -> memref<32x128xf32, #tpu.memory_space<vmem>>
      %dma_start3A_102 = arith.constant 0 : i32
      %dma_start3A_103 = tpu.memref_slice %arg4[%add3A_95, %mul3A_97, %dma_start3A_102] : memref<128x2048x128xf32, #tpu.memory_space<hbm>> -> memref<1x32x128xf32, #tpu.memory_space<hbm>>
      %dma_start3A_104 = tpu.memref_squeeze %dma_start3A_103 : memref<1x32x128xf32, #tpu.memory_space<hbm>> -> memref<32x128xf32, #tpu.memory_space<hbm>>
      %dma_start3A_105 = arith.constant 0 : i32
      %dma_start3A_106 = tpu.memref_slice %arg4[%add3A_95, %mul3A_97, %dma_start3A_105] : memref<128x2048x128xf32, #tpu.memory_space<hbm>> -> memref<1x32x128xf32, #tpu.memory_space<hbm>>
      %dma_start3A_107 = tpu.memref_squeeze %dma_start3A_106 : memref<1x32x128xf32, #tpu.memory_space<hbm>> -> memref<32x128xf32, #tpu.memory_space<hbm>>
      %dma_start3A_108 = arith.constant 0 : i32
      %dma_start3A_109 = arith.constant 0 : i32
      %dma_start3A_110 = tpu.memref_slice %arg7[%rem3A_89, %dma_start3A, %dma_start3A_108, %dma_start3A_109] : memref<2x4x32x128xf32, #tpu.memory_space<vmem>> -> memref<1x1x32x128xf32, #tpu.memory_space<vmem>>
      %dma_start3A_111 = tpu.memref_squeeze %dma_start3A_110 : memref<1x1x32x128xf32, #tpu.memory_space<vmem>> -> memref<32x128xf32, #tpu.memory_space<vmem>>
      tpu.enqueue_dma source(%dma_start3A_111 : memref<32x128xf32, #tpu.memory_space<vmem>>) target(%dma_start3A_107 : memref<32x128xf32, #tpu.memory_space<hbm>>) target_semaphore(%arg8 : memref<!tpu.dma_semaphore, #tpu.memory_space<semaphore_mem>>)
      %add3A_112 = arith.constant 1 : i32
      %add3A_113 = arith.addi %mul3A_2, %add3A_112 : i32
      %mul3A_114 = arith.constant 32 : i32
      %mul3A_115 = arith.muli %add3A_88, %mul3A_114 : i32
      %dma_start3A_116 = arith.constant 1 : i32
      %dma_start3A_117 = arith.constant 0 : i32
      %dma_start3A_118 = arith.constant 0 : i32
      %dma_start3A_119 = tpu.memref_slice %arg7[%rem3A_89, %dma_start3A_116, %dma_start3A_117, %dma_start3A_118] : memref<2x4x32x128xf32, #tpu.memory_space<vmem>> -> memref<1x1x32x128xf32, #tpu.memory_space<vmem>>
      %dma_start3A_120 = tpu.memref_squeeze %dma_start3A_119 : memref<1x1x32x128xf32, #tpu.memory_space<vmem>> -> memref<32x128xf32, #tpu.memory_space<vmem>>
      %dma_start3A_121 = arith.constant 0 : i32
      %dma_start3A_122 = tpu.memref_slice %arg4[%add3A_113, %mul3A_115, %dma_start3A_121] : memref<128x2048x128xf32, #tpu.memory_space<hbm>> -> memref<1x32x128xf32, #tpu.memory_space<hbm>>
      %dma_start3A_123 = tpu.memref_squeeze %dma_start3A_122 : memref<1x32x128xf32, #tpu.memory_space<hbm>> -> memref<32x128xf32, #tpu.memory_space<hbm>>
      %dma_start3A_124 = arith.constant 0 : i32
      %dma_start3A_125 = tpu.memref_slice %arg4[%add3A_113, %mul3A_115, %dma_start3A_124] : memref<128x2048x128xf32, #tpu.memory_space<hbm>> -> memref<1x32x128xf32, #tpu.memory_space<hbm>>
      %dma_start3A_126 = tpu.memref_squeeze %dma_start3A_125 : memref<1x32x128xf32, #tpu.memory_space<hbm>> -> memref<32x128xf32, #tpu.memory_space<hbm>>
      %dma_start3A_127 = arith.constant 0 : i32
      %dma_start3A_128 = arith.constant 0 : i32
      %dma_start3A_129 = tpu.memref_slice %arg7[%rem3A_89, %dma_start3A_116, %dma_start3A_127, %dma_start3A_128] : memref<2x4x32x128xf32, #tpu.memory_space<vmem>> -> memref<1x1x32x128xf32, #tpu.memory_space<vmem>>
      %dma_start3A_130 = tpu.memref_squeeze %dma_start3A_129 : memref<1x1x32x128xf32, #tpu.memory_space<vmem>> -> memref<32x128xf32, #tpu.memory_space<vmem>>
      tpu.enqueue_dma source(%dma_start3A_130 : memref<32x128xf32, #tpu.memory_space<vmem>>) target(%dma_start3A_126 : memref<32x128xf32, #tpu.memory_space<hbm>>) target_semaphore(%arg8 : memref<!tpu.dma_semaphore, #tpu.memory_space<semaphore_mem>>)
      %add3A_131 = arith.constant 2 : i32
      %add3A_132 = arith.addi %mul3A_2, %add3A_131 : i32
      %mul3A_133 = arith.constant 32 : i32
      %mul3A_134 = arith.muli %add3A_88, %mul3A_133 : i32
      %dma_start3A_135 = arith.constant 2 : i32
      %dma_start3A_136 = arith.constant 0 : i32
      %dma_start3A_137 = arith.constant 0 : i32
      %dma_start3A_138 = tpu.memref_slice %arg7[%rem3A_89, %dma_start3A_135, %dma_start3A_136, %dma_start3A_137] : memref<2x4x32x128xf32, #tpu.memory_space<vmem>> -> memref<1x1x32x128xf32, #tpu.memory_space<vmem>>
      %dma_start3A_139 = tpu.memref_squeeze %dma_start3A_138 : memref<1x1x32x128xf32, #tpu.memory_space<vmem>> -> memref<32x128xf32, #tpu.memory_space<vmem>>
      %dma_start3A_140 = arith.constant 0 : i32
      %dma_start3A_141 = tpu.memref_slice %arg4[%add3A_132, %mul3A_134, %dma_start3A_140] : memref<128x2048x128xf32, #tpu.memory_space<hbm>> -> memref<1x32x128xf32, #tpu.memory_space<hbm>>
      %dma_start3A_142 = tpu.memref_squeeze %dma_start3A_141 : memref<1x32x128xf32, #tpu.memory_space<hbm>> -> memref<32x128xf32, #tpu.memory_space<hbm>>
      %dma_start3A_143 = arith.constant 0 : i32
      %dma_start3A_144 = tpu.memref_slice %arg4[%add3A_132, %mul3A_134, %dma_start3A_143] : memref<128x2048x128xf32, #tpu.memory_space<hbm>> -> memref<1x32x128xf32, #tpu.memory_space<hbm>>
      %dma_start3A_145 = tpu.memref_squeeze %dma_start3A_144 : memref<1x32x128xf32, #tpu.memory_space<hbm>> -> memref<32x128xf32, #tpu.memory_space<hbm>>
      %dma_start3A_146 = arith.constant 0 : i32
      %dma_start3A_147 = arith.constant 0 : i32
      %dma_start3A_148 = tpu.memref_slice %arg7[%rem3A_89, %dma_start3A_135, %dma_start3A_146, %dma_start3A_147] : memref<2x4x32x128xf32, #tpu.memory_space<vmem>> -> memref<1x1x32x128xf32, #tpu.memory_space<vmem>>
      %dma_start3A_149 = tpu.memref_squeeze %dma_start3A_148 : memref<1x1x32x128xf32, #tpu.memory_space<vmem>> -> memref<32x128xf32, #tpu.memory_space<vmem>>
      tpu.enqueue_dma source(%dma_start3A_149 : memref<32x128xf32, #tpu.memory_space<vmem>>) target(%dma_start3A_145 : memref<32x128xf32, #tpu.memory_space<hbm>>) target_semaphore(%arg8 : memref<!tpu.dma_semaphore, #tpu.memory_space<semaphore_mem>>)
      %add3A_150 = arith.constant 3 : i32
      %add3A_151 = arith.addi %mul3A_2, %add3A_150 : i32
      %mul3A_152 = arith.constant 32 : i32
      %mul3A_153 = arith.muli %add3A_88, %mul3A_152 : i32
      %dma_start3A_154 = arith.constant 3 : i32
      %dma_start3A_155 = arith.constant 0 : i32
      %dma_start3A_156 = arith.constant 0 : i32
      %dma_start3A_157 = tpu.memref_slice %arg7[%rem3A_89, %dma_start3A_154, %dma_start3A_155, %dma_start3A_156] : memref<2x4x32x128xf32, #tpu.memory_space<vmem>> -> memref<1x1x32x128xf32, #tpu.memory_space<vmem>>
      %dma_start3A_158 = tpu.memref_squeeze %dma_start3A_157 : memref<1x1x32x128xf32, #tpu.memory_space<vmem>> -> memref<32x128xf32, #tpu.memory_space<vmem>>
      %dma_start3A_159 = arith.constant 0 : i32
      %dma_start3A_160 = tpu.memref_slice %arg4[%add3A_151, %mul3A_153, %dma_start3A_159] : memref<128x2048x128xf32, #tpu.memory_space<hbm>> -> memref<1x32x128xf32, #tpu.memory_space<hbm>>
      %dma_start3A_161 = tpu.memref_squeeze %dma_start3A_160 : memref<1x32x128xf32, #tpu.memory_space<hbm>> -> memref<32x128xf32, #tpu.memory_space<hbm>>
      %dma_start3A_162 = arith.constant 0 : i32
      %dma_start3A_163 = tpu.memref_slice %arg4[%add3A_151, %mul3A_153, %dma_start3A_162] : memref<128x2048x128xf32, #tpu.memory_space<hbm>> -> memref<1x32x128xf32, #tpu.memory_space<hbm>>
      %dma_start3A_164 = tpu.memref_squeeze %dma_start3A_163 : memref<1x32x128xf32, #tpu.memory_space<hbm>> -> memref<32x128xf32, #tpu.memory_space<hbm>>
      %dma_start3A_165 = arith.constant 0 : i32
      %dma_start3A_166 = arith.constant 0 : i32
      %dma_start3A_167 = tpu.memref_slice %arg7[%rem3A_89, %dma_start3A_154, %dma_start3A_165, %dma_start3A_166] : memref<2x4x32x128xf32, #tpu.memory_space<vmem>> -> memref<1x1x32x128xf32, #tpu.memory_space<vmem>>
      %dma_start3A_168 = tpu.memref_squeeze %dma_start3A_167 : memref<1x1x32x128xf32, #tpu.memory_space<vmem>> -> memref<32x128xf32, #tpu.memory_space<vmem>>
      tpu.enqueue_dma source(%dma_start3A_168 : memref<32x128xf32, #tpu.memory_space<vmem>>) target(%dma_start3A_164 : memref<32x128xf32, #tpu.memory_space<hbm>>) target_semaphore(%arg8 : memref<!tpu.dma_semaphore, #tpu.memory_space<semaphore_mem>>)
    }
    %scan3A_8 = arith.constant 64 : i32
    %dma_wait3A = arith.constant 0 : i32
    %dma_wait3A_9 = arith.constant 0 : i32
    %dma_wait3A_10 = arith.constant 0 : i32
    %dma_wait3A_11 = arith.constant 0 : i32
    %dma_wait3A_12 = arith.constant 0 : i32
    %dma_wait3A_13 = tpu.memref_slice %arg7[%dma_wait3A, %dma_wait3A_9, %dma_wait3A_11, %dma_wait3A_12] : memref<2x4x32x128xf32, #tpu.memory_space<vmem>> -> memref<1x1x32x128xf32, #tpu.memory_space<vmem>>
    %dma_wait3A_14 = tpu.memref_squeeze %dma_wait3A_13 : memref<1x1x32x128xf32, #tpu.memory_space<vmem>> -> memref<32x128xf32, #tpu.memory_space<vmem>>
    %dma_wait3A_15 = arith.constant 0 : i32
    %dma_wait3A_16 = arith.constant 0 : i32
    %dma_wait3A_17 = tpu.memref_slice %arg4[%dma_wait3A_10, %dma_wait3A_15, %dma_wait3A_16] : memref<128x2048x128xf32, #tpu.memory_space<hbm>> -> memref<1x32x128xf32, #tpu.memory_space<hbm>>
    %dma_wait3A_18 = tpu.memref_squeeze %dma_wait3A_17 : memref<1x32x128xf32, #tpu.memory_space<hbm>> -> memref<32x128xf32, #tpu.memory_space<hbm>>
    %dma_wait3A_19 = arith.constant 0 : i32
    %dma_wait3A_20 = arith.constant 0 : i32
    %dma_wait3A_21 = tpu.memref_slice %arg4[%dma_wait3A_10, %dma_wait3A_19, %dma_wait3A_20] : memref<128x2048x128xf32, #tpu.memory_space<hbm>> -> memref<1x32x128xf32, #tpu.memory_space<hbm>>
    %dma_wait3A_22 = tpu.memref_squeeze %dma_wait3A_21 : memref<1x32x128xf32, #tpu.memory_space<hbm>> -> memref<32x128xf32, #tpu.memory_space<hbm>>
    %dma_wait3A_23 = arith.constant 0 : i32
    %dma_wait3A_24 = arith.constant 0 : i32
    %dma_wait3A_25 = tpu.memref_slice %arg7[%dma_wait3A, %dma_wait3A_9, %dma_wait3A_23, %dma_wait3A_24] : memref<2x4x32x128xf32, #tpu.memory_space<vmem>> -> memref<1x1x32x128xf32, #tpu.memory_space<vmem>>
    %dma_wait3A_26 = tpu.memref_squeeze %dma_wait3A_25 : memref<1x1x32x128xf32, #tpu.memory_space<vmem>> -> memref<32x128xf32, #tpu.memory_space<vmem>>
    tpu.wait_dma2 semaphore(%arg8 : memref<!tpu.dma_semaphore, #tpu.memory_space<semaphore_mem>>) src(%dma_wait3A_26 : memref<32x128xf32, #tpu.memory_space<vmem>>) dst(%dma_wait3A_22 : memref<32x128xf32, #tpu.memory_space<hbm>>)
    %dma_wait3A_27 = arith.constant 0 : i32
    %dma_wait3A_28 = arith.constant 1 : i32
    %dma_wait3A_29 = arith.constant 0 : i32
    %dma_wait3A_30 = arith.constant 0 : i32
    %dma_wait3A_31 = arith.constant 0 : i32
    %dma_wait3A_32 = tpu.memref_slice %arg7[%dma_wait3A_27, %dma_wait3A_28, %dma_wait3A_30, %dma_wait3A_31] : memref<2x4x32x128xf32, #tpu.memory_space<vmem>> -> memref<1x1x32x128xf32, #tpu.memory_space<vmem>>
    %dma_wait3A_33 = tpu.memref_squeeze %dma_wait3A_32 : memref<1x1x32x128xf32, #tpu.memory_space<vmem>> -> memref<32x128xf32, #tpu.memory_space<vmem>>
    %dma_wait3A_34 = arith.constant 0 : i32
    %dma_wait3A_35 = arith.constant 0 : i32
    %dma_wait3A_36 = tpu.memref_slice %arg4[%dma_wait3A_29, %dma_wait3A_34, %dma_wait3A_35] : memref<128x2048x128xf32, #tpu.memory_space<hbm>> -> memref<1x32x128xf32, #tpu.memory_space<hbm>>
    %dma_wait3A_37 = tpu.memref_squeeze %dma_wait3A_36 : memref<1x32x128xf32, #tpu.memory_space<hbm>> -> memref<32x128xf32, #tpu.memory_space<hbm>>
    %dma_wait3A_38 = arith.constant 0 : i32
    %dma_wait3A_39 = arith.constant 0 : i32
    %dma_wait3A_40 = tpu.memref_slice %arg4[%dma_wait3A_29, %dma_wait3A_38, %dma_wait3A_39] : memref<128x2048x128xf32, #tpu.memory_space<hbm>> -> memref<1x32x128xf32, #tpu.memory_space<hbm>>
    %dma_wait3A_41 = tpu.memref_squeeze %dma_wait3A_40 : memref<1x32x128xf32, #tpu.memory_space<hbm>> -> memref<32x128xf32, #tpu.memory_space<hbm>>
    %dma_wait3A_42 = arith.constant 0 : i32
    %dma_wait3A_43 = arith.constant 0 : i32
    %dma_wait3A_44 = tpu.memref_slice %arg7[%dma_wait3A_27, %dma_wait3A_28, %dma_wait3A_42, %dma_wait3A_43] : memref<2x4x32x128xf32, #tpu.memory_space<vmem>> -> memref<1x1x32x128xf32, #tpu.memory_space<vmem>>
    %dma_wait3A_45 = tpu.memref_squeeze %dma_wait3A_44 : memref<1x1x32x128xf32, #tpu.memory_space<vmem>> -> memref<32x128xf32, #tpu.memory_space<vmem>>
    tpu.wait_dma2 semaphore(%arg8 : memref<!tpu.dma_semaphore, #tpu.memory_space<semaphore_mem>>) src(%dma_wait3A_45 : memref<32x128xf32, #tpu.memory_space<vmem>>) dst(%dma_wait3A_41 : memref<32x128xf32, #tpu.memory_space<hbm>>)
    %dma_wait3A_46 = arith.constant 0 : i32
    %dma_wait3A_47 = arith.constant 2 : i32
    %dma_wait3A_48 = arith.constant 0 : i32
    %dma_wait3A_49 = arith.constant 0 : i32
    %dma_wait3A_50 = arith.constant 0 : i32
    %dma_wait3A_51 = tpu.memref_slice %arg7[%dma_wait3A_46, %dma_wait3A_47, %dma_wait3A_49, %dma_wait3A_50] : memref<2x4x32x128xf32, #tpu.memory_space<vmem>> -> memref<1x1x32x128xf32, #tpu.memory_space<vmem>>
    %dma_wait3A_52 = tpu.memref_squeeze %dma_wait3A_51 : memref<1x1x32x128xf32, #tpu.memory_space<vmem>> -> memref<32x128xf32, #tpu.memory_space<vmem>>
    %dma_wait3A_53 = arith.constant 0 : i32
    %dma_wait3A_54 = arith.constant 0 : i32
    %dma_wait3A_55 = tpu.memref_slice %arg4[%dma_wait3A_48, %dma_wait3A_53, %dma_wait3A_54] : memref<128x2048x128xf32, #tpu.memory_space<hbm>> -> memref<1x32x128xf32, #tpu.memory_space<hbm>>
    %dma_wait3A_56 = tpu.memref_squeeze %dma_wait3A_55 : memref<1x32x128xf32, #tpu.memory_space<hbm>> -> memref<32x128xf32, #tpu.memory_space<hbm>>
    %dma_wait3A_57 = arith.constant 0 : i32
    %dma_wait3A_58 = arith.constant 0 : i32
    %dma_wait3A_59 = tpu.memref_slice %arg4[%dma_wait3A_48, %dma_wait3A_57, %dma_wait3A_58] : memref<128x2048x128xf32, #tpu.memory_space<hbm>> -> memref<1x32x128xf32, #tpu.memory_space<hbm>>
    %dma_wait3A_60 = tpu.memref_squeeze %dma_wait3A_59 : memref<1x32x128xf32, #tpu.memory_space<hbm>> -> memref<32x128xf32, #tpu.memory_space<hbm>>
    %dma_wait3A_61 = arith.constant 0 : i32
    %dma_wait3A_62 = arith.constant 0 : i32
    %dma_wait3A_63 = tpu.memref_slice %arg7[%dma_wait3A_46, %dma_wait3A_47, %dma_wait3A_61, %dma_wait3A_62] : memref<2x4x32x128xf32, #tpu.memory_space<vmem>> -> memref<1x1x32x128xf32, #tpu.memory_space<vmem>>
    %dma_wait3A_64 = tpu.memref_squeeze %dma_wait3A_63 : memref<1x1x32x128xf32, #tpu.memory_space<vmem>> -> memref<32x128xf32, #tpu.memory_space<vmem>>
    tpu.wait_dma2 semaphore(%arg8 : memref<!tpu.dma_semaphore, #tpu.memory_space<semaphore_mem>>) src(%dma_wait3A_64 : memref<32x128xf32, #tpu.memory_space<vmem>>) dst(%dma_wait3A_60 : memref<32x128xf32, #tpu.memory_space<hbm>>)
    %dma_wait3A_65 = arith.constant 0 : i32
    %dma_wait3A_66 = arith.constant 3 : i32
    %dma_wait3A_67 = arith.constant 0 : i32
    %dma_wait3A_68 = arith.constant 0 : i32
    %dma_wait3A_69 = arith.constant 0 : i32
    %dma_wait3A_70 = tpu.memref_slice %arg7[%dma_wait3A_65, %dma_wait3A_66, %dma_wait3A_68, %dma_wait3A_69] : memref<2x4x32x128xf32, #tpu.memory_space<vmem>> -> memref<1x1x32x128xf32, #tpu.memory_space<vmem>>
    %dma_wait3A_71 = tpu.memref_squeeze %dma_wait3A_70 : memref<1x1x32x128xf32, #tpu.memory_space<vmem>> -> memref<32x128xf32, #tpu.memory_space<vmem>>
    %dma_wait3A_72 = arith.constant 0 : i32
    %dma_wait3A_73 = arith.constant 0 : i32
    %dma_wait3A_74 = tpu.memref_slice %arg4[%dma_wait3A_67, %dma_wait3A_72, %dma_wait3A_73] : memref<128x2048x128xf32, #tpu.memory_space<hbm>> -> memref<1x32x128xf32, #tpu.memory_space<hbm>>
    %dma_wait3A_75 = tpu.memref_squeeze %dma_wait3A_74 : memref<1x32x128xf32, #tpu.memory_space<hbm>> -> memref<32x128xf32, #tpu.memory_space<hbm>>
    %dma_wait3A_76 = arith.constant 0 : i32
    %dma_wait3A_77 = arith.constant 0 : i32
    %dma_wait3A_78 = tpu.memref_slice %arg4[%dma_wait3A_67, %dma_wait3A_76, %dma_wait3A_77] : memref<128x2048x128xf32, #tpu.memory_space<hbm>> -> memref<1x32x128xf32, #tpu.memory_space<hbm>>
    %dma_wait3A_79 = tpu.memref_squeeze %dma_wait3A_78 : memref<1x32x128xf32, #tpu.memory_space<hbm>> -> memref<32x128xf32, #tpu.memory_space<hbm>>
    %dma_wait3A_80 = arith.constant 0 : i32
    %dma_wait3A_81 = arith.constant 0 : i32
    %dma_wait3A_82 = tpu.memref_slice %arg7[%dma_wait3A_65, %dma_wait3A_66, %dma_wait3A_80, %dma_wait3A_81] : memref<2x4x32x128xf32, #tpu.memory_space<vmem>> -> memref<1x1x32x128xf32, #tpu.memory_space<vmem>>
    %dma_wait3A_83 = tpu.memref_squeeze %dma_wait3A_82 : memref<1x1x32x128xf32, #tpu.memory_space<vmem>> -> memref<32x128xf32, #tpu.memory_space<vmem>>
    tpu.wait_dma2 semaphore(%arg8 : memref<!tpu.dma_semaphore, #tpu.memory_space<semaphore_mem>>) src(%dma_wait3A_83 : memref<32x128xf32, #tpu.memory_space<vmem>>) dst(%dma_wait3A_79 : memref<32x128xf32, #tpu.memory_space<hbm>>)
    return
  }
}

</mosaic_0001>

<sc_bundles>
// kernel: kernel.3.cloned.1.call-start
scs
__scs_entry_jumppad:
0x0: {  	(pc) =	sbr.rel $0x88, $3  }
0x1: {  	(tag) =	ssettag $0x0;
	lr =	simm.s32 $0x1  }
0x2: {  	[smem:$0x3F9D] =	sst lr;
	_ =	strace $0xD0000000  }
0x3: {  	_ = 	snop  }
0x4: {  	_ = 	snop  }
0x5: {  	_ = 	snop  }
0x6: {  	_ = 	snop  }
0x7: {  	_ = 	snop  }
__scs_overlays_trampoline_lowered:
0x8: {  	[smem:$0x3FAC] =	sst s0  }
0x9: {  	[smem:$0x3FAD] =	sst s1  }
0xa: {  	[smem:$0x3FAE] =	sst s2  }
0xb: {  	[smem:$0x3FAF] =	sst s3  }
0xc: {  	[smem:$0x3FB0] =	sst s4  }
0xd: {  	[smem:$0x3FB1] =	sst s5  }
0xe: {  	[smem:$0x3FB2] =	sst s6  }
0xf: {  	[smem:$0x3FB3] =	sst s7  }
0x10: {  	[smem:$0x3FB4] =	sst s8  }
0x11: {  	[smem:$0x3FB5] =	sst s9;
	s0 =	simm.s32 @!p0 $0x0  }
0x12: {  	s1 =	sld [smem:$0x3F9B];
	s0 =	simm.s32 @p0 $0x1  }
0x13: {  	[smem:$0x3FB6] =	sst s0;
	s0 =	simm.s32 @!p1 $0x0  }
0x14: {  	s2 =	sld [smem:$0x3F9A];
	s0 =	simm.s32 @p1 $0x1  }
0x15: {  	[smem:$0x3FB7] =	sst s0;
	s0 =	simm.s32 @!p2 $0x0  }
0x16: {  	s3 =	sld [smem:$0x3FDB];
	s0 =	simm.s32 @p2 $0x1  }
0x17: {  	s4 =	simm.s32 $0x1BF5;
	[smem:$0x3FB9] =	sst s0  }
0x18: {  	s0 =	sld [smem:$0x3F9C];
	_ =	swait.ge [sflag:s4], $0x0  }
0x19: {  	s7 =	sld [smem:$0x3F9D]  }
0x1a: {  	s8 =	sadd.s32 $0xFFFFE003, lr  }
0x1b: {  	s9 =	sadd.s32 $0xFFFFFEF7, lr;
	s5 =	simm.s32 $0xFFFFFFFF;
	p2 =	slt.u32 s8, $0xFFFFF086  }
0x1c: {  	p1 =	slt.u32 s9, $0xF7A;
	s5 =	simm.s32 @!p2 $0x0  }
0x1d: {  	s5 =	simm.s32 @p1 $0x1;
	p0 =	seq.s32 s7, s2  }
0x1e: {  	s7 =	smul.u32 @!p0 $0xF7A, s2;
	p2 =	seq.s32 @!p0 s5, $0x0  }
0x1f: {  	s9 =	smul.u32 $0xF7A, s1;
	s8 =	simm.s32 @!p0 $0x1BF5;
	p2 =	por !p2, p0  }
0x20: {  	[sflag:s8] =	ssyncset.s32 @!p0 $0xFFFFF086;
	s6 =	sadd.s32 @!p0 s3, s7;
	s7 =	simm.s32 @!p0 $0x108  }
0x21: {  	s3 =	sadd.s32 s3, s9;
	s6 =	sadd.s32 @!p0 $0x88, s6;
	s7 =	simm.s32 @p2 $0x1082  }
0x22: {  	[simem:s7], [sflag:s8] =	dma.local @!p0 [hbm:s6], $0xF7A  }
0x23: {  	s9 =	sor.u32 $0xD0000000, s2;
	s6 =	simm.s32 $0x108;
	_ =	swait.ge @!p0 [sflag:s8], $0x0  }
0x24: {  	s3 =	sadd.s32 $0x88, s3;
	s6 =	simm.s32 @!p1 $0x1082;
	[sflag:s4] =	ssyncset.s32 $0xFFFFF086  }
0x25: {  	[simem:s6], [sflag:s4] =	dma.local [hbm:s3], $0xF7A  }
0x26: {  	[smem:$0x3F9D] =	sst s1;
	(tag) =	ssettag s2;
	_ =	strace s9  }
0x27: {  	s1 =	sld [smem:$0x3FAD]  }
0x28: {  	s2 =	sld [smem:$0x3FAE]  }
0x29: {  	s4 =	sld [smem:$0x3FB0]  }
0x2a: {  	p0 =	seq.s32 s5, $0x0;
	s5 =	sld [smem:$0x3FB1]  }
0x2b: {  	s6 =	sld [smem:$0x3FB2]  }
0x2c: {  	s7 =	sld [smem:$0x3FB3]  }
0x2d: {  	s3 =	simm.s32 $0x108;
	s8 =	sld [smem:$0x3FB4]  }
0x2e: {  	s3 =	simm.s32 @!p0 $0x1082;
	s9 =	sld [smem:$0x3FB5]  }
0x2f: {  	lr =	sadd.s32 s0, s3;
	s0 =	sld [smem:$0x3FAC]  }
0x30: {  	s3 =	sld [smem:$0x3FAF]  }
0x31: {  	[smem:$0x3FB8] =	sst s10  }
0x32: {  	s10 =	sld [smem:$0x3FB6];
	_ =	sdelay $0x3  }
0x33: {  	p0 =	seq.s32 s10, $0x1;
	s10 =	sld [smem:$0x3FB8];
	_ =	sdelay $0x3  }
0x34: {  	[smem:$0x3FB8] =	sst s10  }
0x35: {  	s10 =	sld [smem:$0x3FB7];
	_ =	sdelay $0x3  }
0x36: {  	p1 =	seq.s32 s10, $0x1;
	s10 =	sld [smem:$0x3FB8];
	_ =	sdelay $0x3  }
0x37: {  	[smem:$0x3FB8] =	sst s10  }
0x38: {  	s10 =	sld [smem:$0x3FB9]  }
0x39: {  	_ = 	snop;
	(pc) =	sbr.ind lr, $3  }
0x3a: {  	_ = 	snop  }
0x3b: {  	_ = 	snop  }
0x3c: {  	p2 =	seq.s32 s10, $0x1;
	s10 =	sld [smem:$0x3FB8]  }
0x3d: {  	_ =	shalt  }
0x3e: {  	_ =	shalt  }
0x3f: {  	_ =	shalt  }
0x40: {  	_ =	shalt  }
0x41: {  	_ =	shalt  }
0x42: {  	_ =	shalt  }
0x43: {  	_ =	shalt  }
0x44: {  	_ =	shalt  }
0x45: {  	_ =	shalt  }
0x46: {  	_ =	shalt  }
0x47: {  	_ =	shalt  }
0x48: {  	_ =	shalt  }
0x49: {  	_ =	shalt  }
0x4a: {  	_ =	shalt  }
0x4b: {  	_ =	shalt  }
0x4c: {  	_ =	shalt  }
0x4d: {  	_ =	shalt  }
0x4e: {  	_ =	shalt  }
0x4f: {  	_ =	shalt  }
0x50: {  	_ =	shalt  }
0x51: {  	_ =	shalt  }
0x52: {  	_ =	shalt  }
0x53: {  	_ =	shalt  }
0x54: {  	_ =	shalt  }
0x55: {  	_ =	shalt  }
0x56: {  	_ =	shalt  }
0x57: {  	_ =	shalt  }
0x58: {  	_ =	shalt  }
0x59: {  	_ =	shalt  }
0x5a: {  	_ =	shalt  }
0x5b: {  	_ =	shalt  }
0x5c: {  	_ =	shalt  }
0x5d: {  	_ =	shalt  }
0x5e: {  	_ =	shalt  }
0x5f: {  	_ =	shalt  }
0x60: {  	_ =	shalt  }
0x61: {  	_ =	shalt  }
0x62: {  	_ =	shalt  }
0x63: {  	_ =	shalt  }
0x64: {  	_ =	shalt  }
0x65: {  	_ =	shalt  }
0x66: {  	_ =	shalt  }
0x67: {  	_ =	shalt  }
0x68: {  	_ =	shalt  }
0x69: {  	_ =	shalt  }
0x6a: {  	_ =	shalt  }
0x6b: {  	_ =	shalt  }
0x6c: {  	_ =	shalt  }
0x6d: {  	_ =	shalt  }
0x6e: {  	_ =	shalt  }
0x6f: {  	_ =	shalt  }
0x70: {  	_ =	shalt  }
0x71: {  	_ =	shalt  }
0x72: {  	_ =	shalt  }
0x73: {  	_ =	shalt  }
0x74: {  	_ =	shalt  }
0x75: {  	_ =	shalt  }
0x76: {  	_ =	shalt  }
0x77: {  	_ =	shalt  }
0x78: {  	_ =	shalt  }
0x79: {  	_ =	shalt  }
0x7a: {  	_ =	shalt  }
0x7b: {  	_ =	shalt  }
0x7c: {  	_ =	shalt  }
0x7d: {  	_ =	shalt  }
0x7e: {  	_ =	shalt  }
0x7f: {  	_ =	shalt  }
0x80: {  	_ =	shalt  }
0x81: {  	_ =	shalt  }
0x82: {  	_ =	shalt  }
0x83: {  	_ =	shalt  }
0x84: {  	_ =	shalt  }
0x85: {  	_ =	shalt  }
0x86: {  	_ =	shalt  }
0x87: {  	_ =	shalt  }
.Lfunc_end0:
.L_simem_size_0:
called_computation_lowered:
.L_overlay_start_0:
0x88: {  	s2 =	sld [smem:$0x3FD9]  }
0x89: {  	s3 =	sld [smem:$0x3FFE];
	_ =	sdelay $0x1  }
0x8a: {  	s1 =	srdreg.scid  }
0x8b: {  	s0 =	sand.u32 $0x1, s1  }
0x8c: {  	s17 =	sshll.u32 s0, $0xA;
	s2 =	sadd.s32 s3, s2  }
0x8d: {  	s2 =	sadd.s32 s2, s17  }
0x8e: {  	[smem:$0x3FC4] =	sst s2  }
0x8f: {  	_ = 	snop  }
0x90: {  	s2 =	sld [smem:$0x3FC9]  }
0x91: {  	s18 =	sld [smem:$0x3FD0];
	(tm) =	ssettm $0x1  }
0x92: {  	s4 =	sld [smem:$0x3FFB];
	_ =	sdelay $0x3  }
0x93: {  	_ =	strace s4  }
0x94: {  	s4 =	sld [smem:$0x3FFC];
	_ =	sdelay $0x3  }
0x95: {  	_ =	strace s4  }
0x96: {  	s4 =	sld [smem:$0x3FFD];
	_ =	sdelay $0x3  }
0x97: {  	_ =	strace s4  }
0x98: {  	_ =	strace $0x8FFFFFFF  }
0x99: {  	s19 =	sld [smem:$0x3FDB];
	_ =	sdelay $0x1  }
0x9a: {  	s5 =	simm.s32 $_scs_section_size  }
0x9b: {  	s6 =	simm.s32 $_size__tile_overlayer_lowered;
	s7 =	simm.s32 $_tile_overlayer_lowered  }
0x9c: {  	s22 =	simm.s32 $0x1BFF;
	s21 =	sshll.u32 s7, $0x1;
	s4 =	sadd.s32 s5, s19  }
0x9d: {  	s8 =	simm.s32 $0x0;
	s20 =	sshll.u32 s6, $0x1;
	s6 =	sadd.s32 s21, s4  }
0x9e: {  	[timem:s8], [sflag:s22] =	dma.local [hbm:s6], s20  }
0x9f: {  	_ =	swait.ge [sflag:s22], s20  }
0xa0: {  	s5 =	ssub.s32 $0x0, s20;
	[sflag:s22] =	ssyncset.done $0x0  }
0xa1: {  	[sflag:s22] =	ssyncadd.s32 s5;
	_ =	sdelay $0x1  }
0xa2: {  	s23 =	simm.s32 $0x1B8B  }
0xa3: {  	_ =	swait.ge [sflag:s23], $0x1  }
0xa4: {  	[sflag:s23] =	ssyncset.done $0x0  }
0xa5: {  	s25 =	simm.s32 $0x1B8E;
	s24 =	sld [smem:$0x3FFE];
	[sflag:s23] =	ssyncadd.s32 $0xFFFFFFFF  }
0xa6: {  	s26 =	simm.s32 $execute0_lowered;
	[smem:$0x3FD2] =	sst s25  }
0xa7: {  	s6 =	sshll.u32 s26, $0x1;
	_ =	strace $0x80000046;
	[dreg:$0x1] =	wrdreg $0xFFFFFFFF  }
0xa8: {  	s28 =	simm.s32 $_size_execute0_lowered;
	s4 =	sadd.s32 s4, s6;
	[dreg:$0x0] =	wrdreg $0x0  }
0xa9: {  	s6 =	sshll.u32 s28, $0x1;
	[dreg:$0x2] =	wrdreg s4  }
0xaa: {  	[dreg:$0x3] =	wrdreg s6  }
0xab: {  	[dreg:$0x4] =	wrdreg $0xC0  }
0xac: {  	_ =	task [dreg:s8], $0x5FFFF  }
0xad: {  	[dreg:$0x1] =	wrdreg $0xFFFFFFFF  }
0xae: {  	[dreg:$0x0] =	wrdreg $0x60  }
0xaf: {  	[dreg:$0x2] =	wrdreg s2  }
0xb0: {  	[dreg:$0x3] =	wrdreg s24  }
0xb1: {  	[dreg:$0x4] =	wrdreg s18  }
0xb2: {  	[dreg:$0x5] =	wrdreg $0x9  }
0xb3: {  	_ =	task.clear_ibuf [dreg:s8], $0x6FFFF;
	_ =	strace $0x90000046  }
0xb4: {  	s29 =	simm.s32 $0x9;
	_ =	strace $0x80000048  }
0xb5: {  	_ =	swait.ge [sflag:s29], $0x1  }
0xb6: {  	[sflag:s29] =	ssyncadd.s32 $0xFFFFFFFF  }
0xb7: {  	_ =	strace $0x90000048  }
0xb8: {  	_ =	sfence  }
0xb9: {  	s30 =	sld [smem:$0x0];
	_ =	sdelay $0x2  }
0xba: {  	s31 =	sshll.u32 s1, $0xD;
	s1 =	sshrl.u32 s1, $0x2  }
0xbb: {  	s3 =	sand.u32 $0x4000, s31;
	s1 =	sadd.s32 s1, s30  }
0xbc: {  	s0 =	sor.u32 s3, s0;
	s1 =	sshll.u32 s1, $0x11  }
0xbd: {  	s0 =	sor.u32 s1, s0  }
0xbe: {  	s0 =	sadd.s32 $0x8F2B, s0  }
0xbf: {  	[sflag:s0] =	ssyncadd.remote.s32 $0x1  }
0xc0: {  	_ =	sfence.sel $0xFFFF  }
0xc1: {  	[dreg:$0x0] =	wrdreg $0xFFFFFFFF;
	(pc) =	sbr.abs _section_cstart, $3  }
0xc2: {  	[dreg:$0x1] =	wrdreg $0xFFFFFFFF  }
0xc3: {  	_ =	task.clear_ibuf [dreg:s8], $0x2FFFF;
	_ =	strace $0x9FFFFFFF  }
0xc4: {  	(tm) =	ssettm $0x7FFFFFFF  }
0xc5: {  	_ =	shalt  }
tec
execute0_lowered:
.L_overlay_start_1:
0x0: {  	(tag) =	ssettag $0x1  }
0x1: {  	s0 =	rddreg [dreg:$0x1]  }
0x2: {  	s4 =	rddreg [dreg:$0x2];
	s1 =	srdreg.scid  }
0x3: {  	s2 =	stileid.u32;
	s3 =	simm.s32 $0x0;
	s1 =	sand.u32 $0x1, s1  }
0x4: {  	s2 =	sshll.u32 s2, $0x1;
	[smem:$0x7FF] =	sst s3;
	s28 =	sadd.s32 $0x8000, s4  }
0x5: {  	s29 =	sadd.s32 $0x10000, s4;
	_ =	strace $0x80000047;
	[dreg:$0x6] =	wrdreg s28  }
0x6: {  	s30 =	sadd.s32 $0x18000, s4;
	s2 =	sor.u32 s1, s2;
	[dreg:$0x7] =	wrdreg s29  }
0x7: {  	s1 =	ssub.s32 $0x2, s1;
	[dreg:$0x8] =	wrdreg s30;
	s26 =	sshll.u32 s2, $0xD  }
0x8: {  	s5 =	sshrl.u32 s1, $0x1;
	s2 =	sshll.u32 s2, $0x11;
	s0 =	sadd.s32 s26, s0  }
0x9: {  	s1 =	ssub.s32 s1, s5;
	[dreg:$0x4] =	wrdreg s2;
	s0 =	sadd.s32 $0x800, s0  }
0xa: {  	s31 =	smax.u32 s1, $0x1;
	[dreg:$0x5] =	wrdreg s0  }
0xb: {  	s2 =	simm.s32 $0x0;
	[dreg:$0x9] =	wrdreg s31  }
.LBB2_1:
0xc: {  	[dreg:$0xa] =	wrdreg s2  }
0xd: {  	s0 =	rddreg [dreg:$0x0];
	s1 =	simm.s32 $0x0;
	s14 =	simm.s32 $0x2  }
0xe: {  	[tilespmem:s1], [sflag:$0x2] =	stream.linear.gather [hbm4b:s0+s1], $0x800, $0x38;
	[tilespmem:$0x18880] =	vst v63  }
0xf: {  	_ =	swait.ge [sflag:s14], $0x800  }
0x10: {  	[sflag:s14] =	ssyncset.done $0x0  }
0x11: {  	s31 =	simm.s32 $0x880;
	s30 =	rddreg [dreg:$0x5];
	[sflag:s14] =	ssyncadd.s32 $0xFFFFF800  }
0x12: {  	[tilespmem:s31], [sflag:$0x2] =	stream.linear.gather [hbm4b:s30+s1], $0x10000, $0x38;
	[tilespmem:$0x18880] =	vst v63  }
0x13: {  	_ =	swait.ge [sflag:s14], $0x10000  }
0x14: {  	[sflag:s14] =	ssyncset.done $0x0  }
0x15: {  	p0 =	por $0x0, $0x0;
	s15 =	simm.s32 $0x0;
	[sflag:s14] =	ssyncadd.s32 $0xFFFF0000  }
.LBB2_2:
0x16: {  	v0 =	vld [tilespmem:s14+$0x1]  }
0x17: {  	v1 =	vld [tilespmem:s14+$0xFFFFFFFF]  }
0x18: {  	v2 =	vld [tilespmem:s14+$0x0]  }
0x19: {  	v3 =	vld [tilespmem:s14+$0xFFFFFFFE];
	_ =	sdelay $0x1  }
0x1a: {  	(v2sf) =	vpush v0, $0x0  }
0x1b: {  	(v2sf) =	vpush v1, $0x0  }
0x1c: {  	(v2sf) =	vpush v2, $0x0  }
0x1d: {  	(v2sf) =	vpush v3, $0x0;
	_ =	sdelay $0xb  }
0x1e: {  	s1 =	spop (v2sf)  }
0x1f: {  	s3 =	spop (v2sf)  }
0x20: {  	s2 =	scvt.f32.s32 s1;
	s0 =	spop (v2sf)  }
0x21: {  	s6 =	spop (v2sf)  }
0x22: {  	s10 =	scvt.s32.f32 s2;
	s11 =	scvt.f32.s32 s6  }
0x23: {  	_ = 	snop  }
0x24: {  	p1 =	slt.f32 s1, s10;
	s24 =	scvt.s32.f32 s11  }
0x25: {  	s12 =	simm.s32 $0x1  }
0x26: {  	s12 =	simm.s32 @!p1 $0x0;
	p1 =	slt.f32 s6, s24  }
0x27: {  	s10 =	simm.s32 $0x1;
	s2 =	ssub.s32 s2, s12  }
0x28: {  	s25 =	scvt.f32.s32 s3;
	p2 =	sgt.s32 s2, $0x0;
	s10 =	simm.s32 @!p1 $0x0  }
0x29: {  	s13 =	scvt.f32.s32 s0;
	s2 =	simm.s32 @!p2 $0x0;
	s10 =	ssub.s32 s11, s10  }
0x2a: {  	s26 =	scvt.s32.f32 s25;
	s16 =	smin.u32 s2, $0x7E;
	p1 =	sgt.s32 s10, $0x0  }
0x2b: {  	s17 =	scvt.s32.f32 s13;
	s2 =	sshll.u32 s16, $0x7;
	s10 =	simm.s32 @!p1 $0x0  }
0x2c: {  	p1 =	slt.f32 s3, s26;
	v0 =	vld [tilespmem:s2+$0x880];
	s10 =	smin.u32 s10, $0x7E  }
0x2d: {  	p2 =	slt.f32 s0, s17;
	s11 =	simm.s32 $0x1;
	v1 =	vld [tilespmem:s2+$0x900];
	s17 =	sshll.u32 s10, $0x7  }
0x2e: {  	s18 =	simm.s32 $0x1;
	s11 =	simm.s32 @!p1 $0x0;
	v2 =	vld [tilespmem:s17+$0x880]  }
0x2f: {  	s18 =	simm.s32 @!p2 $0x0;
	s11 =	ssub.s32 s25, s11;
	v3 =	vld [tilespmem:s17+$0x900]  }
0x30: {  	s4 =	scvt.s32.f32 s16;
	s12 =	ssub.s32 s13, s18;
	p1 =	sgt.s32 s11, $0x0  }
0x31: {  	p2 =	sgt.s32 s12, $0x0;
	s11 =	simm.s32 @!p1 $0x0  }
0x32: {  	s1 =	ssub.f32 s1, s4;
	s10 =	scvt.s32.f32 s10;
	v1 =	vsub.f32 v1, v0;
	s11 =	smin.u32 s11, $0x7E  }
0x33: {  	s12 =	simm.s32 @!p2 $0x0;
	s18 =	sshll.u32 s11, $0x7  }
0x34: {  	s13 =	simm.s32 $0x1;
	s12 =	smin.u32 s12, $0x7E;
	s22 =	ssub.f32 s6, s10;
	v1 =	vmul.f32 s1, v1;
	v4 =	vld [tilespmem:s18+$0x880];
	v3 =	vsub.f32 v3, v2  }
0x35: {  	s13 =	simm.s32 @!p0 $0x0;
	s19 =	sshll.u32 s12, $0x7;
	v5 =	vld [tilespmem:s18+$0x900]  }
0x36: {  	s5 =	sshll.u32 s13, $0xE;
	v6 =	vld [tilespmem:s19+$0x880];
	v0 =	vadd.f32 v1, v0;
	v1 =	vmul.f32 s22, v3  }
0x37: {  	s16 =	sor.u32 $0x12880, s5;
	v3 =	vld [tilespmem:s19+$0x900]  }
0x38: {  	s7 =	scvt.s32.f32 s11;
	[tilespmem:s16+$0xFFFFE180] =	vst v0;
	v0 =	vadd.f32 v1, v2  }
0x39: {  	v1 =	vld [tilespmem:s2+$0x890]  }
0x3a: {  	s8 =	scvt.s32.f32 s12;
	s21 =	ssub.f32 s3, s7;
	v2 =	vsub.f32 v5, v4;
	v5 =	vld [tilespmem:s2+$0x910];
	[tilespmem:s16+$0xFFFFE000] =	vst v0  }
0x3b: {  	v0 =	vld [tilespmem:s17+$0x890]  }
0x3c: {  	s20 =	ssub.f32 s0, s8;
	v2 =	vmul.f32 s21, v2;
	v3 =	vsub.f32 v3, v6;
	v7 =	vld [tilespmem:s17+$0x910];
	_ =	sdelay $0x1  }
0x3d: {  	v2 =	vadd.f32 v2, v4;
	v3 =	vmul.f32 s20, v3  }
0x3e: {  	v4 =	vsub.f32 v5, v1  }
0x3f: {  	[tilespmem:s16+$0xFFFFE080] =	vst v2;
	v2 =	vadd.f32 v3, v6  }
0x40: {  	v3 =	vld [tilespmem:s18+$0x890];
	v4 =	vmul.f32 s1, v4;
	v5 =	vsub.f32 v7, v0  }
0x41: {  	v6 =	vld [tilespmem:s18+$0x910];
	[tilespmem:s16+$0xFFFFE100] =	vst v2  }
0x42: {  	v2 =	vld [tilespmem:s19+$0x890];
	v1 =	vadd.f32 v4, v1;
	v4 =	vmul.f32 s22, v5  }
0x43: {  	v5 =	vld [tilespmem:s19+$0x910]  }
0x44: {  	[tilespmem:s16+$0xFFFFE190] =	vst v1;
	v0 =	vadd.f32 v4, v0  }
0x45: {  	v1 =	vld [tilespmem:s2+$0x8A0]  }
0x46: {  	v4 =	vsub.f32 v6, v3;
	v6 =	vld [tilespmem:s2+$0x920];
	[tilespmem:s16+$0xFFFFE010] =	vst v0  }
0x47: {  	v0 =	vld [tilespmem:s17+$0x8A0]  }
0x48: {  	v4 =	vmul.f32 s21, v4;
	v5 =	vsub.f32 v5, v2;
	v7 =	vld [tilespmem:s17+$0x920];
	_ =	sdelay $0x1  }
0x49: {  	v3 =	vadd.f32 v4, v3;
	v4 =	vmul.f32 s20, v5  }
0x4a: {  	v5 =	vsub.f32 v6, v1  }
0x4b: {  	[tilespmem:s16+$0xFFFFE090] =	vst v3;
	v2 =	vadd.f32 v4, v2  }
0x4c: {  	v3 =	vld [tilespmem:s18+$0x8A0];
	v4 =	vmul.f32 s1, v5;
	v5 =	vsub.f32 v7, v0  }
0x4d: {  	v6 =	vld [tilespmem:s18+$0x920];
	[tilespmem:s16+$0xFFFFE110] =	vst v2  }
0x4e: {  	v2 =	vld [tilespmem:s19+$0x8A0];
	v1 =	vadd.f32 v4, v1;
	v4 =	vmul.f32 s22, v5  }
0x4f: {  	v5 =	vld [tilespmem:s19+$0x920]  }
0x50: {  	[tilespmem:s16+$0xFFFFE1A0] =	vst v1;
	v0 =	vadd.f32 v4, v0  }
0x51: {  	v1 =	vld [tilespmem:s2+$0x8B0]  }
0x52: {  	v4 =	vsub.f32 v6, v3;
	v6 =	vld [tilespmem:s2+$0x930];
	[tilespmem:s16+$0xFFFFE020] =	vst v0  }
0x53: {  	v0 =	vld [tilespmem:s17+$0x8B0]  }
0x54: {  	v4 =	vmul.f32 s21, v4;
	v5 =	vsub.f32 v5, v2;
	v7 =	vld [tilespmem:s17+$0x930];
	_ =	sdelay $0x1  }
0x55: {  	v3 =	vadd.f32 v4, v3;
	v4 =	vmul.f32 s20, v5  }
0x56: {  	v5 =	vsub.f32 v6, v1  }
0x57: {  	[tilespmem:s16+$0xFFFFE0A0] =	vst v3;
	v2 =	vadd.f32 v4, v2  }
0x58: {  	v3 =	vld [tilespmem:s18+$0x8B0];
	v4 =	vmul.f32 s1, v5;
	v5 =	vsub.f32 v7, v0  }
0x59: {  	v6 =	vld [tilespmem:s18+$0x930];
	[tilespmem:s16+$0xFFFFE120] =	vst v2  }
0x5a: {  	v2 =	vld [tilespmem:s19+$0x8B0];
	v1 =	vadd.f32 v4, v1;
	v4 =	vmul.f32 s22, v5  }
0x5b: {  	v5 =	vld [tilespmem:s19+$0x930]  }
0x5c: {  	[tilespmem:s16+$0xFFFFE1B0] =	vst v1;
	v0 =	vadd.f32 v4, v0  }
0x5d: {  	v1 =	vld [tilespmem:s2+$0x8C0]  }
0x5e: {  	v4 =	vsub.f32 v6, v3;
	v6 =	vld [tilespmem:s2+$0x940];
	[tilespmem:s16+$0xFFFFE030] =	vst v0  }
0x5f: {  	v0 =	vld [tilespmem:s17+$0x8C0]  }
0x60: {  	v4 =	vmul.f32 s21, v4;
	v5 =	vsub.f32 v5, v2;
	v7 =	vld [tilespmem:s17+$0x940];
	_ =	sdelay $0x1  }
0x61: {  	v3 =	vadd.f32 v4, v3;
	v4 =	vmul.f32 s20, v5  }
0x62: {  	v5 =	vsub.f32 v6, v1  }
0x63: {  	[tilespmem:s16+$0xFFFFE0B0] =	vst v3;
	v2 =	vadd.f32 v4, v2  }
0x64: {  	v3 =	vld [tilespmem:s18+$0x8C0];
	v4 =	vmul.f32 s1, v5;
	v5 =	vsub.f32 v7, v0  }
0x65: {  	v6 =	vld [tilespmem:s18+$0x940];
	[tilespmem:s16+$0xFFFFE130] =	vst v2  }
0x66: {  	v2 =	vld [tilespmem:s19+$0x8C0];
	v1 =	vadd.f32 v4, v1;
	v4 =	vmul.f32 s22, v5  }
0x67: {  	v5 =	vld [tilespmem:s19+$0x940]  }
0x68: {  	[tilespmem:s16+$0xFFFFE1C0] =	vst v1;
	v0 =	vadd.f32 v4, v0  }
0x69: {  	v1 =	vld [tilespmem:s2+$0x8D0]  }
0x6a: {  	v4 =	vsub.f32 v6, v3;
	v6 =	vld [tilespmem:s2+$0x950];
	[tilespmem:s16+$0xFFFFE040] =	vst v0  }
0x6b: {  	v0 =	vld [tilespmem:s17+$0x8D0]  }
0x6c: {  	v4 =	vmul.f32 s21, v4;
	v5 =	vsub.f32 v5, v2;
	v7 =	vld [tilespmem:s17+$0x950];
	_ =	sdelay $0x1  }
0x6d: {  	v3 =	vadd.f32 v4, v3;
	v4 =	vmul.f32 s20, v5  }
0x6e: {  	v5 =	vsub.f32 v6, v1  }
0x6f: {  	[tilespmem:s16+$0xFFFFE0C0] =	vst v3;
	v2 =	vadd.f32 v4, v2  }
0x70: {  	v3 =	vld [tilespmem:s18+$0x8D0];
	v4 =	vmul.f32 s1, v5;
	v5 =	vsub.f32 v7, v0  }
0x71: {  	v6 =	vld [tilespmem:s18+$0x950];
	[tilespmem:s16+$0xFFFFE140] =	vst v2  }
0x72: {  	v2 =	vld [tilespmem:s19+$0x8D0];
	v1 =	vadd.f32 v4, v1;
	v4 =	vmul.f32 s22, v5  }
0x73: {  	v5 =	vld [tilespmem:s19+$0x950]  }
0x74: {  	[tilespmem:s16+$0xFFFFE1D0] =	vst v1;
	v0 =	vadd.f32 v4, v0  }
0x75: {  	v1 =	vld [tilespmem:s2+$0x8E0]  }
0x76: {  	v4 =	vsub.f32 v6, v3;
	v6 =	vld [tilespmem:s2+$0x960];
	[tilespmem:s16+$0xFFFFE050] =	vst v0  }
0x77: {  	v0 =	vld [tilespmem:s17+$0x8E0]  }
0x78: {  	v4 =	vmul.f32 s21, v4;
	v5 =	vsub.f32 v5, v2;
	v7 =	vld [tilespmem:s17+$0x960];
	_ =	sdelay $0x1  }
0x79: {  	v3 =	vadd.f32 v4, v3;
	v4 =	vmul.f32 s20, v5  }
0x7a: {  	v5 =	vsub.f32 v6, v1  }
0x7b: {  	[tilespmem:s16+$0xFFFFE0D0] =	vst v3;
	v2 =	vadd.f32 v4, v2  }
0x7c: {  	v3 =	vld [tilespmem:s18+$0x8E0];
	v4 =	vmul.f32 s1, v5;
	v5 =	vsub.f32 v7, v0  }
0x7d: {  	v6 =	vld [tilespmem:s18+$0x960];
	[tilespmem:s16+$0xFFFFE150] =	vst v2  }
0x7e: {  	v2 =	vld [tilespmem:s19+$0x8E0];
	v1 =	vadd.f32 v4, v1;
	v4 =	vmul.f32 s22, v5  }
0x7f: {  	v5 =	vld [tilespmem:s19+$0x960]  }
0x80: {  	[tilespmem:s16+$0xFFFFE1E0] =	vst v1;
	v0 =	vadd.f32 v4, v0  }
0x81: {  	v1 =	vld [tilespmem:s2+$0x8F0]  }
0x82: {  	v4 =	vsub.f32 v6, v3;
	v6 =	vld [tilespmem:s2+$0x970];
	[tilespmem:s16+$0xFFFFE060] =	vst v0  }
0x83: {  	v0 =	vld [tilespmem:s17+$0x8F0]  }
0x84: {  	v4 =	vmul.f32 s21, v4;
	v5 =	vsub.f32 v5, v2;
	v7 =	vld [tilespmem:s17+$0x970];
	_ =	sdelay $0x1  }
0x85: {  	v3 =	vadd.f32 v4, v3;
	v4 =	vmul.f32 s20, v5  }
0x86: {  	v5 =	vsub.f32 v6, v1  }
0x87: {  	[tilespmem:s16+$0xFFFFE0E0] =	vst v3;
	v2 =	vadd.f32 v4, v2  }
0x88: {  	v3 =	vld [tilespmem:s18+$0x8F0];
	v4 =	vmul.f32 s1, v5;
	v5 =	vsub.f32 v7, v0  }
0x89: {  	v6 =	vld [tilespmem:s18+$0x970];
	[tilespmem:s16+$0xFFFFE160] =	vst v2  }
0x8a: {  	v2 =	vld [tilespmem:s19+$0x8F0];
	v1 =	vadd.f32 v4, v1;
	v4 =	vmul.f32 s22, v5  }
0x8b: {  	v5 =	vld [tilespmem:s19+$0x970]  }
0x8c: {  	[tilespmem:s16+$0xFFFFE1F0] =	vst v1;
	v0 =	vadd.f32 v4, v0  }
0x8d: {  	v1 =	vld [tilespmem:s2+$0x4880]  }
0x8e: {  	v4 =	vsub.f32 v6, v3;
	v6 =	vld [tilespmem:s2+$0x4900];
	[tilespmem:s16+$0xFFFFE070] =	vst v0  }
0x8f: {  	v0 =	vld [tilespmem:s17+$0x4880]  }
0x90: {  	v4 =	vmul.f32 s21, v4;
	v5 =	vsub.f32 v5, v2;
	v7 =	vld [tilespmem:s17+$0x4900];
	_ =	sdelay $0x1  }
0x91: {  	v3 =	vadd.f32 v4, v3;
	v4 =	vmul.f32 s20, v5  }
0x92: {  	v5 =	vsub.f32 v6, v1  }
0x93: {  	[tilespmem:s16+$0xFFFFE0F0] =	vst v3;
	v2 =	vadd.f32 v4, v2  }
0x94: {  	v3 =	vld [tilespmem:s18+$0x4880];
	v4 =	vmul.f32 s1, v5;
	v5 =	vsub.f32 v7, v0  }
0x95: {  	v6 =	vld [tilespmem:s18+$0x4900];
	[tilespmem:s16+$0xFFFFE170] =	vst v2  }
0x96: {  	v2 =	vld [tilespmem:s19+$0x4880];
	v1 =	vadd.f32 v4, v1;
	v4 =	vmul.f32 s22, v5  }
0x97: {  	v5 =	vld [tilespmem:s19+$0x4900]  }
0x98: {  	[tilespmem:s16+$0xFFFFF180] =	vst v1;
	v0 =	vadd.f32 v4, v0  }
0x99: {  	v1 =	vld [tilespmem:s2+$0x4890]  }
0x9a: {  	v4 =	vsub.f32 v6, v3;
	v6 =	vld [tilespmem:s2+$0x4910];
	[tilespmem:s16+$0xFFFFF000] =	vst v0  }
0x9b: {  	v0 =	vld [tilespmem:s17+$0x4890]  }
0x9c: {  	v4 =	vmul.f32 s21, v4;
	v5 =	vsub.f32 v5, v2;
	v7 =	vld [tilespmem:s17+$0x4910];
	_ =	sdelay $0x1  }
0x9d: {  	v3 =	vadd.f32 v4, v3;
	v4 =	vmul.f32 s20, v5  }
0x9e: {  	v5 =	vsub.f32 v6, v1  }
0x9f: {  	[tilespmem:s16+$0xFFFFF080] =	vst v3;
	v2 =	vadd.f32 v4, v2  }
0xa0: {  	v3 =	vld [tilespmem:s18+$0x4890];
	v4 =	vmul.f32 s1, v5;
	v5 =	vsub.f32 v7, v0  }
0xa1: {  	v6 =	vld [tilespmem:s18+$0x4910];
	[tilespmem:s16+$0xFFFFF100] =	vst v2  }
0xa2: {  	v2 =	vld [tilespmem:s19+$0x4890];
	v1 =	vadd.f32 v4, v1;
	v4 =	vmul.f32 s22, v5  }
0xa3: {  	v5 =	vld [tilespmem:s19+$0x4910]  }
0xa4: {  	[tilespmem:s16+$0xFFFFF190] =	vst v1;
	v0 =	vadd.f32 v4, v0  }
0xa5: {  	v1 =	vld [tilespmem:s2+$0x48A0]  }
0xa6: {  	v4 =	vsub.f32 v6, v3;
	v6 =	vld [tilespmem:s2+$0x4920];
	[tilespmem:s16+$0xFFFFF010] =	vst v0  }
0xa7: {  	v0 =	vld [tilespmem:s17+$0x48A0]  }
0xa8: {  	v4 =	vmul.f32 s21, v4;
	v5 =	vsub.f32 v5, v2;
	v7 =	vld [tilespmem:s17+$0x4920];
	_ =	sdelay $0x1  }
0xa9: {  	v3 =	vadd.f32 v4, v3;
	v4 =	vmul.f32 s20, v5  }
0xaa: {  	v5 =	vsub.f32 v6, v1  }
0xab: {  	[tilespmem:s16+$0xFFFFF090] =	vst v3;
	v2 =	vadd.f32 v4, v2  }
0xac: {  	v3 =	vld [tilespmem:s18+$0x48A0];
	v4 =	vmul.f32 s1, v5;
	v5 =	vsub.f32 v7, v0  }
0xad: {  	v6 =	vld [tilespmem:s18+$0x4920];
	[tilespmem:s16+$0xFFFFF110] =	vst v2  }
0xae: {  	v2 =	vld [tilespmem:s19+$0x48A0];
	v1 =	vadd.f32 v4, v1;
	v4 =	vmul.f32 s22, v5  }
0xaf: {  	v5 =	vld [tilespmem:s19+$0x4920]  }
0xb0: {  	[tilespmem:s16+$0xFFFFF1A0] =	vst v1;
	v0 =	vadd.f32 v4, v0  }
0xb1: {  	v1 =	vld [tilespmem:s2+$0x48B0]  }
0xb2: {  	v4 =	vsub.f32 v6, v3;
	v6 =	vld [tilespmem:s2+$0x4930];
	[tilespmem:s16+$0xFFFFF020] =	vst v0  }
0xb3: {  	v0 =	vld [tilespmem:s17+$0x48B0]  }
0xb4: {  	v4 =	vmul.f32 s21, v4;
	v5 =	vsub.f32 v5, v2;
	v7 =	vld [tilespmem:s17+$0x4930];
	_ =	sdelay $0x1  }
0xb5: {  	v3 =	vadd.f32 v4, v3;
	v4 =	vmul.f32 s20, v5  }
0xb6: {  	v5 =	vsub.f32 v6, v1  }
0xb7: {  	[tilespmem:s16+$0xFFFFF0A0] =	vst v3;
	v2 =	vadd.f32 v4, v2  }
0xb8: {  	v3 =	vld [tilespmem:s18+$0x48B0];
	v4 =	vmul.f32 s1, v5;
	v5 =	vsub.f32 v7, v0  }
0xb9: {  	v6 =	vld [tilespmem:s18+$0x4930];
	[tilespmem:s16+$0xFFFFF120] =	vst v2  }
0xba: {  	v2 =	vld [tilespmem:s19+$0x48B0];
	v1 =	vadd.f32 v4, v1;
	v4 =	vmul.f32 s22, v5  }
0xbb: {  	v5 =	vld [tilespmem:s19+$0x4930]  }
0xbc: {  	[tilespmem:s16+$0xFFFFF1B0] =	vst v1;
	v0 =	vadd.f32 v4, v0  }
0xbd: {  	v1 =	vld [tilespmem:s2+$0x48C0]  }
0xbe: {  	v4 =	vsub.f32 v6, v3;
	[tilespmem:s16+$0xFFFFF030] =	vst v0;
	v0 =	vld [tilespmem:s2+$0x4940]  }
0xbf: {  	v6 =	vld [tilespmem:s17+$0x48C0]  }
0xc0: {  	v4 =	vmul.f32 s21, v4;
	v5 =	vsub.f32 v5, v2;
	v7 =	vld [tilespmem:s17+$0x4940];
	_ =	sdelay $0x1  }
0xc1: {  	v3 =	vadd.f32 v4, v3;
	v4 =	vmul.f32 s20, v5  }
0xc2: {  	v0 =	vsub.f32 v0, v1  }
0xc3: {  	[tilespmem:s16+$0xFFFFF0B0] =	vst v3;
	v2 =	vadd.f32 v4, v2  }
0xc4: {  	v3 =	vld [tilespmem:s18+$0x48C0];
	v4 =	vsub.f32 v7, v6;
	v0 =	vmul.f32 s1, v0  }
0xc5: {  	v5 =	vld [tilespmem:s18+$0x4940];
	[tilespmem:s16+$0xFFFFF130] =	vst v2  }
0xc6: {  	v2 =	vld [tilespmem:s19+$0x48C0];
	v4 =	vmul.f32 s22, v4;
	v0 =	vadd.f32 v0, v1  }
0xc7: {  	v1 =	vld [tilespmem:s19+$0x4940]  }
0xc8: {  	v4 =	vadd.f32 v4, v6;
	[tilespmem:s16+$0xFFFFF1C0] =	vst v0  }
0xc9: {  	v0 =	vld [tilespmem:s2+$0x48D0]  }
0xca: {  	v5 =	vsub.f32 v5, v3;
	[tilespmem:s16+$0xFFFFF040] =	vst v4;
	v4 =	vld [tilespmem:s2+$0x4950]  }
0xcb: {  	v6 =	vld [tilespmem:s17+$0x48D0]  }
0xcc: {  	v5 =	vmul.f32 s21, v5;
	v7 =	vld [tilespmem:s17+$0x4950];
	v1 =	vsub.f32 v1, v2;
	_ =	sdelay $0x1  }
0xcd: {  	v3 =	vadd.f32 v5, v3;
	v1 =	vmul.f32 s20, v1  }
0xce: {  	v4 =	vsub.f32 v4, v0  }
0xcf: {  	[tilespmem:s16+$0xFFFFF0C0] =	vst v3;
	v1 =	vadd.f32 v1, v2  }
0xd0: {  	v2 =	vld [tilespmem:s18+$0x48D0];
	v3 =	vsub.f32 v7, v6;
	v4 =	vmul.f32 s1, v4  }
0xd1: {  	v5 =	vld [tilespmem:s18+$0x4950];
	[tilespmem:s16+$0xFFFFF140] =	vst v1  }
0xd2: {  	v3 =	vmul.f32 s22, v3;
	v1 =	vld [tilespmem:s19+$0x48D0];
	v0 =	vadd.f32 v4, v0  }
0xd3: {  	v4 =	vld [tilespmem:s19+$0x4950]  }
0xd4: {  	v3 =	vadd.f32 v3, v6;
	[tilespmem:s16+$0xFFFFF1D0] =	vst v0  }
0xd5: {  	v0 =	vld [tilespmem:s2+$0x48E0]  }
0xd6: {  	v5 =	vsub.f32 v5, v2;
	[tilespmem:s16+$0xFFFFF050] =	vst v3;
	v3 =	vld [tilespmem:s2+$0x4960]  }
0xd7: {  	v6 =	vld [tilespmem:s17+$0x48E0]  }
0xd8: {  	v5 =	vmul.f32 s21, v5;
	v7 =	vld [tilespmem:s17+$0x4960];
	v4 =	vsub.f32 v4, v1;
	_ =	sdelay $0x1  }
0xd9: {  	v2 =	vadd.f32 v5, v2;
	v4 =	vmul.f32 s20, v4  }
0xda: {  	v3 =	vsub.f32 v3, v0  }
0xdb: {  	[tilespmem:s16+$0xFFFFF0D0] =	vst v2;
	v1 =	vadd.f32 v4, v1  }
0xdc: {  	v2 =	vld [tilespmem:s18+$0x48E0];
	v4 =	vsub.f32 v7, v6;
	v3 =	vmul.f32 s1, v3  }
0xdd: {  	v5 =	vld [tilespmem:s18+$0x4960];
	[tilespmem:s16+$0xFFFFF150] =	vst v1  }
0xde: {  	v4 =	vmul.f32 s22, v4;
	v1 =	vld [tilespmem:s19+$0x48E0];
	v0 =	vadd.f32 v3, v0  }
0xdf: {  	v3 =	vld [tilespmem:s19+$0x4960]  }
0xe0: {  	v4 =	vadd.f32 v4, v6;
	[tilespmem:s16+$0xFFFFF1E0] =	vst v0  }
0xe1: {  	v0 =	vld [tilespmem:s2+$0x48F0]  }
0xe2: {  	v5 =	vsub.f32 v5, v2;
	[tilespmem:s16+$0xFFFFF060] =	vst v4;
	v4 =	vld [tilespmem:s2+$0x4970]  }
0xe3: {  	v6 =	vld [tilespmem:s17+$0x48F0]  }
0xe4: {  	v5 =	vmul.f32 s21, v5;
	v7 =	vld [tilespmem:s17+$0x4970];
	v3 =	vsub.f32 v3, v1;
	_ =	sdelay $0x1  }
0xe5: {  	v2 =	vadd.f32 v5, v2;
	v3 =	vmul.f32 s20, v3  }
0xe6: {  	v4 =	vsub.f32 v4, v0  }
0xe7: {  	[tilespmem:s16+$0xFFFFF0E0] =	vst v2;
	v1 =	vadd.f32 v3, v1  }
0xe8: {  	v2 =	vld [tilespmem:s18+$0x48F0];
	v3 =	vsub.f32 v7, v6;
	v4 =	vmul.f32 s1, v4  }
0xe9: {  	v5 =	vld [tilespmem:s18+$0x4970];
	[tilespmem:s16+$0xFFFFF160] =	vst v1  }
0xea: {  	v3 =	vmul.f32 s22, v3;
	v1 =	vld [tilespmem:s19+$0x48F0];
	v0 =	vadd.f32 v4, v0  }
0xeb: {  	v4 =	vld [tilespmem:s19+$0x4970]  }
0xec: {  	v3 =	vadd.f32 v3, v6;
	[tilespmem:s16+$0xFFFFF1F0] =	vst v0  }
0xed: {  	v0 =	vld [tilespmem:s2+$0x8880]  }
0xee: {  	v5 =	vsub.f32 v5, v2;
	[tilespmem:s16+$0xFFFFF070] =	vst v3;
	v3 =	vld [tilespmem:s2+$0x8900]  }
0xef: {  	v6 =	vld [tilespmem:s17+$0x8880]  }
0xf0: {  	v5 =	vmul.f32 s21, v5;
	v7 =	vld [tilespmem:s17+$0x8900];
	v4 =	vsub.f32 v4, v1;
	_ =	sdelay $0x1  }
0xf1: {  	v2 =	vadd.f32 v5, v2;
	v4 =	vmul.f32 s20, v4  }
0xf2: {  	v3 =	vsub.f32 v3, v0  }
0xf3: {  	[tilespmem:s16+$0xFFFFF0F0] =	vst v2;
	v1 =	vadd.f32 v4, v1  }
0xf4: {  	v2 =	vld [tilespmem:s18+$0x8880];
	v4 =	vsub.f32 v7, v6;
	v3 =	vmul.f32 s1, v3  }
0xf5: {  	v5 =	vld [tilespmem:s18+$0x8900];
	[tilespmem:s16+$0xFFFFF170] =	vst v1  }
0xf6: {  	v4 =	vmul.f32 s22, v4;
	v1 =	vld [tilespmem:s19+$0x8880];
	v0 =	vadd.f32 v3, v0  }
0xf7: {  	v3 =	vld [tilespmem:s19+$0x8900]  }
0xf8: {  	v4 =	vadd.f32 v4, v6;
	[tilespmem:s16+$0x180] =	vst v0  }
0xf9: {  	v0 =	vld [tilespmem:s2+$0x8890]  }
0xfa: {  	s11 =	sadd.s32 $0x4, s14;
	v5 =	vsub.f32 v5, v2;
	[tilespmem:s16+$0x0] =	vst v4;
	v4 =	vld [tilespmem:s2+$0x8910]  }
0xfb: {  	v8 =	vld [tilespmem:s11+$0x1]  }
0xfc: {  	v9 =	vld [tilespmem:s11+$0x0];
	v5 =	vmul.f32 s21, v5;
	v3 =	vsub.f32 v3, v1  }
0xfd: {  	v6 =	vld [tilespmem:s17+$0x8890]  }
0xfe: {  	v7 =	vld [tilespmem:s17+$0x8910];
	v2 =	vadd.f32 v5, v2;
	v3 =	vmul.f32 s20, v3  }
0xff: {  	v5 =	vld [tilespmem:s11+$0xFFFFFFFF];
	v4 =	vsub.f32 v4, v0  }
0x100: {  	[tilespmem:s16+$0x80] =	vst v2;
	v2 =	vld [tilespmem:s11+$0xFFFFFFFE];
	v1 =	vadd.f32 v3, v1  }
0x101: {  	(v2sf) =	vpush v8, $0x0;
	v3 =	vld [tilespmem:s18+$0x8890];
	v4 =	vmul.f32 s1, v4  }
0x102: {  	[tilespmem:s16+$0x100] =	vst v1;
	v1 =	vld [tilespmem:s18+$0x8910]  }
0x103: {  	v8 =	vld [tilespmem:s19+$0x8890];
	v0 =	vadd.f32 v4, v0  }
0x104: {  	(v2sf) =	vpush v5, $0x0;
	v4 =	vld [tilespmem:s19+$0x8910]  }
0x105: {  	v5 =	vsub.f32 v7, v6;
	(v2sf) =	vpush v9, $0x0;
	[tilespmem:s16+$0x190] =	vst v0  }
0x106: {  	(v2sf) =	vpush v2, $0x0;
	v0 =	vld [tilespmem:s2+$0x88A0]  }
0x107: {  	v2 =	vmul.f32 s22, v5;
	v5 =	vld [tilespmem:s2+$0x8920];
	v1 =	vsub.f32 v1, v3;
	_ =	sdelay $0x1  }
0x108: {  	v2 =	vadd.f32 v2, v6;
	v4 =	vsub.f32 v4, v8;
	v1 =	vmul.f32 s21, v1;
	_ =	sdelay $0x1  }
0x109: {  	[tilespmem:s16+$0x10] =	vst v2;
	v2 =	vmul.f32 s20, v4;
	v1 =	vadd.f32 v1, v3  }
0x10a: {  	v3 =	vld [tilespmem:s17+$0x88A0];
	v4 =	vsub.f32 v5, v0  }
0x10b: {  	v5 =	vld [tilespmem:s17+$0x8920];
	[tilespmem:s16+$0x90] =	vst v1;
	v1 =	vadd.f32 v2, v8  }
0x10c: {  	v4 =	vmul.f32 s1, v4;
	v2 =	vld [tilespmem:s18+$0x88A0]  }
0x10d: {  	v6 =	vld [tilespmem:s18+$0x8920];
	[tilespmem:s16+$0x110] =	vst v1  }
0x10e: {  	s10 =	spop (v2sf);
	v0 =	vadd.f32 v4, v0;
	v1 =	vld [tilespmem:s19+$0x88A0]  }
0x10f: {  	s9 =	scvt.f32.s32 s10;
	v4 =	vld [tilespmem:s19+$0x8920]  }
0x110: {  	v5 =	vsub.f32 v5, v3;
	[tilespmem:s16+$0x1A0] =	vst v0  }
0x111: {  	s26 =	scvt.s32.f32 s9;
	s6 =	spop (v2sf);
	v0 =	vld [tilespmem:s2+$0x88B0]  }
0x112: {  	v5 =	vmul.f32 s22, v5;
	s3 =	spop (v2sf);
	v7 =	vld [tilespmem:s2+$0x8930];
	v6 =	vsub.f32 v6, v2  }
0x113: {  	p1 =	slt.f32 s10, s26;
	s12 =	spop (v2sf)  }
0x114: {  	s24 =	simm.s32 $0x1;
	v3 =	vadd.f32 v5, v3;
	s23 =	scvt.f32.s32 s12;
	v5 =	vmul.f32 s21, v6;
	v4 =	vsub.f32 v4, v1  }
0x115: {  	s24 =	simm.s32 @!p1 $0x0  }
0x116: {  	s0 =	ssub.s32 s9, s24;
	s4 =	scvt.f32.s32 s6;
	[tilespmem:s16+$0x20] =	vst v3;
	s25 =	scvt.s32.f32 s23;
	v2 =	vadd.f32 v5, v2;
	v3 =	vmul.f32 s20, v4  }
0x117: {  	p2 =	sgt.s32 s0, $0x0;
	s26 =	scvt.f32.s32 s3;
	v4 =	vld [tilespmem:s17+$0x88B0];
	v5 =	vsub.f32 v7, v0  }
0x118: {  	s0 =	simm.s32 @!p2 $0x0;
	s5 =	scvt.s32.f32 s4;
	v6 =	vld [tilespmem:s17+$0x8930];
	p1 =	slt.f32 s12, s25;
	[tilespmem:s16+$0xA0] =	vst v2;
	v1 =	vadd.f32 v3, v1  }
0x119: {  	s28 =	simm.s32 $0x1;
	s8 =	smin.u32 s0, $0x7E;
	v3 =	vmul.f32 s1, v5;
	v2 =	vld [tilespmem:s18+$0x88B0]  }
0x11a: {  	s7 =	scvt.s32.f32 s26;
	p2 =	slt.f32 s6, s5;
	s28 =	simm.s32 @!p1 $0x0;
	v5 =	vld [tilespmem:s18+$0x8930];
	[tilespmem:s16+$0x120] =	vst v1  }
0x11b: {  	s0 =	simm.s32 $0x1;
	s28 =	ssub.s32 s23, s28;
	s23 =	sshll.u32 s8, $0x7;
	v0 =	vadd.f32 v3, v0;
	v1 =	vld [tilespmem:s19+$0x88B0]  }
0x11c: {  	s0 =	simm.s32 @!p2 $0x0;
	p1 =	slt.f32 s3, s7;
	p2 =	sgt.s32 s28, $0x0;
	v3 =	vld [tilespmem:s23+$0x880]  }
0x11d: {  	s13 =	ssub.s32 s4, s0;
	s0 =	simm.s32 $0x1;
	v7 =	vld [tilespmem:s23+$0x900];
	s28 =	simm.s32 @!p2 $0x0;
	[tilespmem:s16+$0x1B0] =	vst v0  }
0x11e: {  	s0 =	simm.s32 @!p1 $0x0;
	p1 =	sgt.s32 s13, $0x0;
	s28 =	smin.u32 s28, $0x7E;
	v0 =	vld [tilespmem:s2+$0x88C0]  }
0x11f: {  	s25 =	ssub.s32 s26, s0;
	s13 =	simm.s32 @!p1 $0x0;
	v8 =	vld [tilespmem:s2+$0x8940];
	s0 =	sshll.u32 s28, $0x7  }
0x120: {  	s24 =	scvt.s32.f32 s8;
	v6 =	vsub.f32 v6, v4;
	p1 =	sgt.s32 s25, $0x0;
	s13 =	smin.u32 s13, $0x7E;
	v9 =	vld [tilespmem:s0+$0x880]  }
0x121: {  	s25 =	simm.s32 @!p1 $0x0;
	s31 =	sshll.u32 s13, $0x7;
	v10 =	vld [tilespmem:s0+$0x900]  }
0x122: {  	v6 =	vmul.f32 s22, v6;
	s29 =	smin.u32 s25, $0x7E;
	v11 =	vld [tilespmem:s31+$0x880];
	s25 =	ssub.f32 s10, s24;
	v7 =	vsub.f32 v7, v3  }
0x123: {  	v12 =	vld [tilespmem:s31+$0x900];
	s30 =	sshll.u32 s29, $0x7  }
0x124: {  	s9 =	scvt.s32.f32 s28;
	v4 =	vadd.f32 v6, v4;
	v6 =	vld [tilespmem:s30+$0x880];
	v7 =	vmul.f32 s25, v7;
	v8 =	vsub.f32 v8, v0  }
0x125: {  	v13 =	vld [tilespmem:s30+$0x900]  }
0x126: {  	s13 =	scvt.s32.f32 s13;
	s26 =	ssub.f32 s12, s9;
	[tilespmem:s16+$0x30] =	vst v4;
	v4 =	vsub.f32 v10, v9;
	v3 =	vadd.f32 v7, v3;
	v7 =	vld [tilespmem:s19+$0x8930];
	v8 =	vmul.f32 s1, v8  }
0x127: {  	s24 =	sadd.s32 $0x200, s16;
	v10 =	vld [tilespmem:s17+$0x88C0]  }
0x128: {  	s12 =	scvt.s32.f32 s29;
	s28 =	ssub.f32 s6, s13;
	v12 =	vsub.f32 v12, v11;
	v4 =	vmul.f32 s26, v4;
	[tilespmem:s24+$0xFFFFE180] =	vst v3;
	v3 =	vld [tilespmem:s17+$0x8940];
	v0 =	vadd.f32 v8, v0  }
0x129: {  	v8 =	vld [tilespmem:s23+$0x890]  }
0x12a: {  	s29 =	ssub.f32 s3, s12;
	v25 =	vsub.f32 v13, v6;
	v26 =	vld [tilespmem:s23+$0x910];
	v4 =	vadd.f32 v4, v9;
	v9 =	vmul.f32 s28, v12;
	[tilespmem:s16+$0x1C0] =	vst v0  }
0x12b: {  	v5 =	vsub.f32 v5, v2;
	v0 =	vld [tilespmem:s2+$0x88D0]  }
0x12c: {  	[tilespmem:s24+$0xFFFFE000] =	vst v4;
	v4 =	vadd.f32 v9, v11;
	v9 =	vmul.f32 s29, v25;
	v11 =	vld [tilespmem:s2+$0x8950]  }
0x12d: {  	v5 =	vmul.f32 s21, v5;
	v7 =	vsub.f32 v7, v1;
	v27 =	vld [tilespmem:s0+$0x890]  }
0x12e: {  	[tilespmem:s24+$0xFFFFE080] =	vst v4;
	v4 =	vld [tilespmem:s0+$0x910];
	v6 =	vadd.f32 v9, v6  }
0x12f: {  	v2 =	vadd.f32 v5, v2;
	v5 =	vmul.f32 s20, v7;
	v13 =	vsub.f32 v26, v8;
	v9 =	vld [tilespmem:s31+$0x890]  }
0x130: {  	v7 =	vld [tilespmem:s31+$0x910];
	[tilespmem:s24+$0xFFFFE100] =	vst v6  }
0x131: {  	v1 =	vadd.f32 v5, v1;
	v13 =	vmul.f32 s25, v13;
	v6 =	vld [tilespmem:s30+$0x890];
	v11 =	vsub.f32 v11, v0  }
0x132: {  	[tilespmem:s16+$0xB0] =	vst v2;
	v2 =	vld [tilespmem:s30+$0x910]  }
0x133: {  	[tilespmem:s16+$0x130] =	vst v1;
	v1 =	vld [tilespmem:s18+$0x8940];
	v5 =	vadd.f32 v13, v8;
	v4 =	vsub.f32 v4, v27;
	v11 =	vmul.f32 s1, v11  }
0x134: {  	v8 =	vld [tilespmem:s18+$0x88C0]  }
0x135: {  	v7 =	vsub.f32 v7, v9;
	[tilespmem:s24+$0xFFFFE190] =	vst v5;
	v5 =	vld [tilespmem:s19+$0x88C0];
	v4 =	vmul.f32 s26, v4;
	v0 =	vadd.f32 v11, v0  }
0x136: {  	v11 =	vld [tilespmem:s23+$0x8A0]  }
0x137: {  	v28 =	vld [tilespmem:s23+$0x920];
	v7 =	vmul.f32 s28, v7;
	v2 =	vsub.f32 v2, v6;
	v4 =	vadd.f32 v4, v27;
	[tilespmem:s16+$0x1D0] =	vst v0  }
0x138: {  	v0 =	vld [tilespmem:s2+$0x88E0]  }
0x139: {  	v2 =	vmul.f32 s29, v2;
	[tilespmem:s24+$0xFFFFE010] =	vst v4;
	v4 =	vadd.f32 v7, v9;
	v7 =	vld [tilespmem:s2+$0x8960]  }
0x13a: {  	v3 =	vsub.f32 v3, v10;
	v9 =	vld [tilespmem:s0+$0x8A0]  }
0x13b: {  	v29 =	vld [tilespmem:s0+$0x920];
	v2 =	vadd.f32 v2, v6;
	[tilespmem:s24+$0xFFFFE090] =	vst v4  }
0x13c: {  	v3 =	vmul.f32 s22, v3;
	v6 =	vsub.f32 v28, v11;
	v4 =	vld [tilespmem:s31+$0x8A0]  }
0x13d: {  	v30 =	vld [tilespmem:s31+$0x920];
	[tilespmem:s24+$0xFFFFE110] =	vst v2  }
0x13e: {  	v2 =	vadd.f32 v3, v10;
	v6 =	vmul.f32 s25, v6;
	v3 =	vld [tilespmem:s30+$0x8A0];
	v7 =	vsub.f32 v7, v0  }
0x13f: {  	v10 =	vld [tilespmem:s30+$0x920]  }
0x140: {  	[tilespmem:s16+$0x40] =	vst v2;
	v6 =	vadd.f32 v6, v11;
	v11 =	vld [tilespmem:s19+$0x8940];
	v2 =	vsub.f32 v29, v9;
	v7 =	vmul.f32 s1, v7  }
0x141: {  	v31 =	vld [tilespmem:s17+$0x88D0]  }
0x142: {  	[tilespmem:s24+$0xFFFFE1A0] =	vst v6;
	v6 =	vld [tilespmem:s17+$0x8950];
	v2 =	vmul.f32 s26, v2;
	v12 =	vsub.f32 v30, v4;
	v0 =	vadd.f32 v7, v0  }
0x143: {  	v32 =	vld [tilespmem:s23+$0x930]  }
0x144: {  	v7 =	vld [tilespmem:s23+$0x8B0];
	v10 =	vsub.f32 v10, v3;
	v2 =	vadd.f32 v2, v9;
	v9 =	vmul.f32 s28, v12;
	[tilespmem:s16+$0x1E0] =	vst v0  }
0x145: {  	v0 =	vld [tilespmem:s2+$0x88F0]  }
0x146: {  	v1 =	vsub.f32 v1, v8;
	[tilespmem:s24+$0xFFFFE020] =	vst v2;
	v2 =	vadd.f32 v9, v4;
	v4 =	vmul.f32 s29, v10;
	v9 =	vld [tilespmem:s2+$0x8970]  }
0x147: {  	v10 =	vld [tilespmem:s0+$0x8B0]  }
0x148: {  	v1 =	vmul.f32 s21, v1;
	v11 =	vsub.f32 v11, v5;
	[tilespmem:s24+$0xFFFFE0A0] =	vst v2;
	v2 =	vld [tilespmem:s0+$0x930];
	v3 =	vadd.f32 v4, v3  }
0x149: {  	v12 =	vsub.f32 v32, v7;
	v4 =	vld [tilespmem:s31+$0x8B0]  }
0x14a: {  	v1 =	vadd.f32 v1, v8;
	v8 =	vmul.f32 s20, v11;
	v11 =	vld [tilespmem:s31+$0x930];
	[tilespmem:s24+$0xFFFFE120] =	vst v3  }
0x14b: {  	v12 =	vmul.f32 s25, v12;
	v3 =	vld [tilespmem:s30+$0x8B0];
	v9 =	vsub.f32 v9, v0  }
0x14c: {  	[tilespmem:s16+$0xC0] =	vst v1;
	v1 =	vadd.f32 v8, v5;
	v5 =	vld [tilespmem:s30+$0x930]  }
0x14d: {  	v8 =	vld [tilespmem:s18+$0x88D0];
	v7 =	vadd.f32 v12, v7;
	v2 =	vsub.f32 v2, v10;
	v9 =	vmul.f32 s1, v9  }
0x14e: {  	[tilespmem:s16+$0x140] =	vst v1;
	v1 =	vld [tilespmem:s18+$0x8950]  }
0x14f: {  	v11 =	vsub.f32 v11, v4;
	[tilespmem:s24+$0xFFFFE1B0] =	vst v7;
	v7 =	vld [tilespmem:s19+$0x88D0];
	v2 =	vmul.f32 s26, v2;
	v0 =	vadd.f32 v9, v0  }
0x150: {  	v9 =	vld [tilespmem:s23+$0x8C0]  }
0x151: {  	v5 =	vsub.f32 v5, v3;
	v2 =	vadd.f32 v2, v10;
	v10 =	vmul.f32 s28, v11;
	v11 =	vld [tilespmem:s23+$0x940];
	[tilespmem:s16+$0x1F0] =	vst v0  }
0x152: {  	v0 =	vld [tilespmem:s2+$0xC880]  }
0x153: {  	[tilespmem:s24+$0xFFFFE030] =	vst v2;
	v2 =	vadd.f32 v10, v4;
	v4 =	vmul.f32 s29, v5;
	v5 =	vld [tilespmem:s2+$0xC900]  }
0x154: {  	v6 =	vsub.f32 v6, v31;
	v10 =	vld [tilespmem:s0+$0x8C0]  }
0x155: {  	v33 =	vld [tilespmem:s0+$0x940];
	[tilespmem:s24+$0xFFFFE0B0] =	vst v2;
	v2 =	vadd.f32 v4, v3  }
0x156: {  	v3 =	vmul.f32 s22, v6;
	v4 =	vld [tilespmem:s31+$0x8C0];
	v6 =	vsub.f32 v11, v9  }
0x157: {  	v11 =	vld [tilespmem:s31+$0x940];
	[tilespmem:s24+$0xFFFFE130] =	vst v2  }
0x158: {  	v2 =	vadd.f32 v3, v31;
	v3 =	vld [tilespmem:s30+$0x8C0];
	v6 =	vmul.f32 s25, v6;
	v5 =	vsub.f32 v5, v0  }
0x159: {  	v34 =	vld [tilespmem:s30+$0x940]  }
0x15a: {  	[tilespmem:s16+$0x50] =	vst v2;
	v2 =	vsub.f32 v33, v10;
	v6 =	vadd.f32 v6, v9;
	v9 =	vld [tilespmem:s19+$0x8950];
	v5 =	vmul.f32 s1, v5  }
0x15b: {  	v35 =	vld [tilespmem:s17+$0x88E0]  }
0x15c: {  	v2 =	vmul.f32 s26, v2;
	v11 =	vsub.f32 v11, v4;
	[tilespmem:s24+$0xFFFFE1C0] =	vst v6;
	v6 =	vld [tilespmem:s17+$0x8960];
	v0 =	vadd.f32 v5, v0  }
0x15d: {  	v5 =	vld [tilespmem:s23+$0x8D0]  }
0x15e: {  	v2 =	vadd.f32 v2, v10;
	v10 =	vmul.f32 s28, v11;
	v11 =	vsub.f32 v34, v3;
	v36 =	vld [tilespmem:s23+$0x950];
	[tilespmem:s16+$0x1180] =	vst v0  }
0x15f: {  	v0 =	vld [tilespmem:s2+$0xC890]  }
0x160: {  	v1 =	vsub.f32 v1, v8;
	[tilespmem:s24+$0xFFFFE040] =	vst v2;
	v2 =	vadd.f32 v10, v4;
	v4 =	vmul.f32 s29, v11;
	v10 =	vld [tilespmem:s2+$0xC910]  }
0x161: {  	v11 =	vld [tilespmem:s0+$0x8D0]  }
0x162: {  	v1 =	vmul.f32 s21, v1;
	v9 =	vsub.f32 v9, v7;
	[tilespmem:s24+$0xFFFFE0C0] =	vst v2;
	v2 =	vld [tilespmem:s0+$0x950];
	v3 =	vadd.f32 v4, v3  }
0x163: {  	v4 =	vld [tilespmem:s31+$0x8D0];
	v13 =	vsub.f32 v36, v5  }
0x164: {  	v1 =	vadd.f32 v1, v8;
	v8 =	vmul.f32 s20, v9;
	v9 =	vld [tilespmem:s31+$0x950];
	[tilespmem:s24+$0xFFFFE140] =	vst v3  }
0x165: {  	v3 =	vld [tilespmem:s30+$0x8D0];
	v13 =	vmul.f32 s25, v13;
	v10 =	vsub.f32 v10, v0  }
0x166: {  	[tilespmem:s16+$0xD0] =	vst v1;
	v1 =	vadd.f32 v8, v7;
	v7 =	vld [tilespmem:s30+$0x950]  }
0x167: {  	v8 =	vld [tilespmem:s18+$0x88E0];
	v2 =	vsub.f32 v2, v11;
	v5 =	vadd.f32 v13, v5;
	v10 =	vmul.f32 s1, v10  }
0x168: {  	[tilespmem:s16+$0x150] =	vst v1;
	v1 =	vld [tilespmem:s18+$0x8960]  }
0x169: {  	v9 =	vsub.f32 v9, v4;
	v2 =	vmul.f32 s26, v2;
	[tilespmem:s24+$0xFFFFE1D0] =	vst v5;
	v5 =	vld [tilespmem:s19+$0x88E0];
	v0 =	vadd.f32 v10, v0  }
0x16a: {  	v10 =	vld [tilespmem:s23+$0x8E0]  }
0x16b: {  	v9 =	vmul.f32 s28, v9;
	v7 =	vsub.f32 v7, v3;
	v2 =	vadd.f32 v2, v11;
	v11 =	vld [tilespmem:s23+$0x960];
	[tilespmem:s16+$0x1190] =	vst v0  }
0x16c: {  	v0 =	vld [tilespmem:s2+$0xC8A0]  }
0x16d: {  	[tilespmem:s24+$0xFFFFE050] =	vst v2;
	v2 =	vadd.f32 v9, v4;
	v4 =	vmul.f32 s29, v7;
	v7 =	vld [tilespmem:s2+$0xC920]  }
0x16e: {  	v6 =	vsub.f32 v6, v35;
	v9 =	vld [tilespmem:s0+$0x8E0]  }
0x16f: {  	v37 =	vld [tilespmem:s0+$0x960];
	[tilespmem:s24+$0xFFFFE0D0] =	vst v2;
	v2 =	vadd.f32 v4, v3  }
0x170: {  	v3 =	vmul.f32 s22, v6;
	v4 =	vld [tilespmem:s31+$0x8E0];
	v6 =	vsub.f32 v11, v10  }
0x171: {  	v11 =	vld [tilespmem:s31+$0x960];
	[tilespmem:s24+$0xFFFFE150] =	vst v2  }
0x172: {  	v2 =	vadd.f32 v3, v35;
	v3 =	vld [tilespmem:s30+$0x8E0];
	v6 =	vmul.f32 s25, v6;
	v7 =	vsub.f32 v7, v0  }
0x173: {  	v38 =	vld [tilespmem:s30+$0x960]  }
0x174: {  	[tilespmem:s16+$0x60] =	vst v2;
	v2 =	vsub.f32 v37, v9;
	v6 =	vadd.f32 v6, v10;
	v10 =	vld [tilespmem:s19+$0x8960];
	v7 =	vmul.f32 s1, v7  }
0x175: {  	v39 =	vld [tilespmem:s17+$0x88F0]  }
0x176: {  	v2 =	vmul.f32 s26, v2;
	v11 =	vsub.f32 v11, v4;
	[tilespmem:s24+$0xFFFFE1E0] =	vst v6;
	v6 =	vld [tilespmem:s17+$0x8970];
	v0 =	vadd.f32 v7, v0  }
0x177: {  	v7 =	vld [tilespmem:s23+$0x8F0]  }
0x178: {  	v2 =	vadd.f32 v2, v9;
	v9 =	vmul.f32 s28, v11;
	v11 =	vsub.f32 v38, v3;
	v40 =	vld [tilespmem:s23+$0x970];
	[tilespmem:s16+$0x11A0] =	vst v0  }
0x179: {  	v0 =	vld [tilespmem:s2+$0xC8B0]  }
0x17a: {  	v1 =	vsub.f32 v1, v8;
	[tilespmem:s24+$0xFFFFE060] =	vst v2;
	v2 =	vadd.f32 v9, v4;
	v4 =	vmul.f32 s29, v11;
	v9 =	vld [tilespmem:s2+$0xC930]  }
0x17b: {  	v11 =	vld [tilespmem:s0+$0x8F0]  }
0x17c: {  	v1 =	vmul.f32 s21, v1;
	v10 =	vsub.f32 v10, v5;
	[tilespmem:s24+$0xFFFFE0E0] =	vst v2;
	v2 =	vld [tilespmem:s0+$0x970];
	v3 =	vadd.f32 v4, v3  }
0x17d: {  	v4 =	vld [tilespmem:s31+$0x8F0];
	v12 =	vsub.f32 v40, v7  }
0x17e: {  	v1 =	vadd.f32 v1, v8;
	v8 =	vmul.f32 s20, v10;
	v10 =	vld [tilespmem:s31+$0x970];
	[tilespmem:s24+$0xFFFFE160] =	vst v3  }
0x17f: {  	v3 =	vld [tilespmem:s30+$0x8F0];
	v12 =	vmul.f32 s25, v12;
	v9 =	vsub.f32 v9, v0  }
0x180: {  	[tilespmem:s16+$0xE0] =	vst v1;
	v1 =	vadd.f32 v8, v5;
	v5 =	vld [tilespmem:s30+$0x970]  }
0x181: {  	v8 =	vld [tilespmem:s18+$0x88F0];
	v2 =	vsub.f32 v2, v11;
	v7 =	vadd.f32 v12, v7;
	v9 =	vmul.f32 s1, v9  }
0x182: {  	[tilespmem:s16+$0x160] =	vst v1;
	v1 =	vld [tilespmem:s18+$0x8970]  }
0x183: {  	v10 =	vsub.f32 v10, v4;
	v2 =	vmul.f32 s26, v2;
	[tilespmem:s24+$0xFFFFE1F0] =	vst v7;
	v7 =	vld [tilespmem:s19+$0x88F0];
	v0 =	vadd.f32 v9, v0  }
0x184: {  	v9 =	vld [tilespmem:s23+$0x4880]  }
0x185: {  	v10 =	vmul.f32 s28, v10;
	v5 =	vsub.f32 v5, v3;
	v2 =	vadd.f32 v2, v11;
	v11 =	vld [tilespmem:s23+$0x4900];
	[tilespmem:s16+$0x11B0] =	vst v0  }
0x186: {  	v0 =	vld [tilespmem:s2+$0xC8C0]  }
0x187: {  	[tilespmem:s24+$0xFFFFE070] =	vst v2;
	v2 =	vadd.f32 v10, v4;
	v4 =	vmul.f32 s29, v5;
	v5 =	vld [tilespmem:s2+$0xC940]  }
0x188: {  	v6 =	vsub.f32 v6, v39;
	v10 =	vld [tilespmem:s0+$0x4880]  }
0x189: {  	v41 =	vld [tilespmem:s0+$0x4900];
	[tilespmem:s24+$0xFFFFE0F0] =	vst v2;
	v2 =	vadd.f32 v4, v3  }
0x18a: {  	v3 =	vmul.f32 s22, v6;
	v4 =	vld [tilespmem:s31+$0x4880];
	v6 =	vsub.f32 v11, v9  }
0x18b: {  	v11 =	vld [tilespmem:s31+$0x4900];
	[tilespmem:s24+$0xFFFFE170] =	vst v2  }
0x18c: {  	v2 =	vadd.f32 v3, v39;
	v3 =	vld [tilespmem:s30+$0x4880];
	v6 =	vmul.f32 s25, v6;
	v5 =	vsub.f32 v5, v0  }
0x18d: {  	v42 =	vld [tilespmem:s30+$0x4900]  }
0x18e: {  	[tilespmem:s16+$0x70] =	vst v2;
	v2 =	vsub.f32 v41, v10;
	v6 =	vadd.f32 v6, v9;
	v9 =	vld [tilespmem:s19+$0x8970];
	v5 =	vmul.f32 s1, v5  }
0x18f: {  	v43 =	vld [tilespmem:s17+$0xC880]  }
0x190: {  	v2 =	vmul.f32 s26, v2;
	v11 =	vsub.f32 v11, v4;
	[tilespmem:s24+$0xFFFFF180] =	vst v6;
	v6 =	vld [tilespmem:s17+$0xC900];
	v0 =	vadd.f32 v5, v0  }
0x191: {  	v5 =	vld [tilespmem:s23+$0x4890]  }
0x192: {  	v2 =	vadd.f32 v2, v10;
	v10 =	vmul.f32 s28, v11;
	v11 =	vsub.f32 v42, v3;
	v44 =	vld [tilespmem:s23+$0x4910];
	[tilespmem:s16+$0x11C0] =	vst v0  }
0x193: {  	v0 =	vld [tilespmem:s2+$0xC8D0]  }
0x194: {  	v1 =	vsub.f32 v1, v8;
	[tilespmem:s24+$0xFFFFF000] =	vst v2;
	v2 =	vadd.f32 v10, v4;
	v4 =	vmul.f32 s29, v11;
	v10 =	vld [tilespmem:s2+$0xC950]  }
0x195: {  	v11 =	vld [tilespmem:s0+$0x4890]  }
0x196: {  	v1 =	vmul.f32 s21, v1;
	v9 =	vsub.f32 v9, v7;
	[tilespmem:s24+$0xFFFFF080] =	vst v2;
	v2 =	vld [tilespmem:s0+$0x4910];
	v3 =	vadd.f32 v4, v3  }
0x197: {  	v4 =	vld [tilespmem:s31+$0x4890];
	v13 =	vsub.f32 v44, v5  }
0x198: {  	v1 =	vadd.f32 v1, v8;
	v8 =	vmul.f32 s20, v9;
	v9 =	vld [tilespmem:s31+$0x4910];
	[tilespmem:s24+$0xFFFFF100] =	vst v3  }
0x199: {  	v3 =	vld [tilespmem:s30+$0x4890];
	v13 =	vmul.f32 s25, v13;
	v10 =	vsub.f32 v10, v0  }
0x19a: {  	[tilespmem:s16+$0xF0] =	vst v1;
	v1 =	vadd.f32 v8, v7;
	v7 =	vld [tilespmem:s30+$0x4910]  }
0x19b: {  	v8 =	vld [tilespmem:s18+$0xC880];
	v2 =	vsub.f32 v2, v11;
	v5 =	vadd.f32 v13, v5;
	v10 =	vmul.f32 s1, v10  }
0x19c: {  	[tilespmem:s16+$0x170] =	vst v1;
	v1 =	vld [tilespmem:s18+$0xC900]  }
0x19d: {  	v9 =	vsub.f32 v9, v4;
	v2 =	vmul.f32 s26, v2;
	[tilespmem:s24+$0xFFFFF190] =	vst v5;
	v5 =	vld [tilespmem:s19+$0xC880];
	v0 =	vadd.f32 v10, v0  }
0x19e: {  	v10 =	vld [tilespmem:s23+$0x48A0]  }
0x19f: {  	v9 =	vmul.f32 s28, v9;
	v7 =	vsub.f32 v7, v3;
	v2 =	vadd.f32 v2, v11;
	v11 =	vld [tilespmem:s23+$0x4920];
	[tilespmem:s16+$0x11D0] =	vst v0  }
0x1a0: {  	v0 =	vld [tilespmem:s2+$0xC8E0]  }
0x1a1: {  	[tilespmem:s24+$0xFFFFF010] =	vst v2;
	v2 =	vadd.f32 v9, v4;
	v4 =	vmul.f32 s29, v7;
	v7 =	vld [tilespmem:s2+$0xC960]  }
0x1a2: {  	v6 =	vsub.f32 v6, v43;
	v9 =	vld [tilespmem:s0+$0x48A0]  }
0x1a3: {  	v45 =	vld [tilespmem:s0+$0x4920];
	[tilespmem:s24+$0xFFFFF090] =	vst v2;
	v2 =	vadd.f32 v4, v3  }
0x1a4: {  	v3 =	vmul.f32 s22, v6;
	v6 =	vld [tilespmem:s31+$0x48A0];
	v4 =	vsub.f32 v11, v10  }
0x1a5: {  	v11 =	vld [tilespmem:s31+$0x4920];
	[tilespmem:s24+$0xFFFFF110] =	vst v2  }
0x1a6: {  	v2 =	vadd.f32 v3, v43;
	v3 =	vld [tilespmem:s30+$0x48A0];
	v4 =	vmul.f32 s25, v4;
	v7 =	vsub.f32 v7, v0  }
0x1a7: {  	v46 =	vld [tilespmem:s30+$0x4920]  }
0x1a8: {  	[tilespmem:s16+$0x1000] =	vst v2;
	v2 =	vsub.f32 v45, v9;
	v4 =	vadd.f32 v4, v10;
	v10 =	vld [tilespmem:s19+$0xC900];
	v7 =	vmul.f32 s1, v7  }
0x1a9: {  	v47 =	vld [tilespmem:s17+$0xC890]  }
0x1aa: {  	v14 =	vld [tilespmem:s17+$0xC910];
	v2 =	vmul.f32 s26, v2;
	v11 =	vsub.f32 v11, v6;
	[tilespmem:s24+$0xFFFFF1A0] =	vst v4;
	v0 =	vadd.f32 v7, v0  }
0x1ab: {  	v7 =	vld [tilespmem:s23+$0x48B0]  }
0x1ac: {  	v2 =	vadd.f32 v2, v9;
	v9 =	vmul.f32 s28, v11;
	v11 =	vsub.f32 v46, v3;
	v48 =	vld [tilespmem:s23+$0x4930];
	[tilespmem:s16+$0x11E0] =	vst v0  }
0x1ad: {  	v4 =	vld [tilespmem:s2+$0xC8F0]  }
0x1ae: {  	v0 =	vsub.f32 v1, v8;
	[tilespmem:s24+$0xFFFFF020] =	vst v2;
	v2 =	vadd.f32 v9, v6;
	v6 =	vmul.f32 s29, v11;
	v1 =	vld [tilespmem:s2+$0xC970]  }
0x1af: {  	v9 =	vld [tilespmem:s0+$0x48B0]  }
0x1b0: {  	v10 =	vsub.f32 v10, v5;
	v0 =	vmul.f32 s21, v0;
	[tilespmem:s24+$0xFFFFF0A0] =	vst v2;
	v2 =	vld [tilespmem:s0+$0x4930];
	v3 =	vadd.f32 v6, v3  }
0x1b1: {  	v6 =	vld [tilespmem:s31+$0x48B0]  }
0x1b2: {  	v10 =	vmul.f32 s20, v10;
	v0 =	vadd.f32 v0, v8;
	v8 =	vsub.f32 v14, v47;
	v11 =	vld [tilespmem:s31+$0x4930];
	[tilespmem:s24+$0xFFFFF120] =	vst v3  }
0x1b3: {  	v3 =	vsub.f32 v48, v7;
	v49 =	vld [tilespmem:s30+$0x48B0]  }
0x1b4: {  	v5 =	vadd.f32 v10, v5;
	[tilespmem:s16+$0x1080] =	vst v0;
	v0 =	vmul.f32 s22, v8;
	v8 =	vld [tilespmem:s30+$0x4930]  }
0x1b5: {  	v3 =	vmul.f32 s25, v3;
	v10 =	vld [tilespmem:s18+$0xC890];
	v2 =	vsub.f32 v2, v9  }
0x1b6: {  	[tilespmem:s16+$0x1100] =	vst v5;
	v5 =	vld [tilespmem:s18+$0xC910];
	v0 =	vadd.f32 v0, v47  }
0x1b7: {  	v3 =	vadd.f32 v3, v7;
	v7 =	vsub.f32 v11, v6;
	v11 =	vld [tilespmem:s19+$0xC890];
	v2 =	vmul.f32 s26, v2  }
0x1b8: {  	[tilespmem:s16+$0x1010] =	vst v0;
	v0 =	vld [tilespmem:s19+$0xC910]  }
0x1b9: {  	[tilespmem:s24+$0xFFFFF1B0] =	vst v3;
	v3 =	vmul.f32 s28, v7;
	v7 =	vsub.f32 v8, v49;
	v8 =	vld [tilespmem:s17+$0xC8A0];
	v2 =	vadd.f32 v2, v9  }
0x1ba: {  	v9 =	vld [tilespmem:s23+$0x48C0]  }
0x1bb: {  	[tilespmem:s24+$0xFFFFF030] =	vst v2;
	v2 =	vadd.f32 v3, v6;
	v3 =	vmul.f32 s29, v7;
	v6 =	vld [tilespmem:s23+$0x4940]  }
0x1bc: {  	v5 =	vsub.f32 v5, v10;
	v7 =	vld [tilespmem:s0+$0x48C0]  }
0x1bd: {  	v50 =	vld [tilespmem:s0+$0x4940];
	v0 =	vsub.f32 v0, v11;
	[tilespmem:s24+$0xFFFFF0B0] =	vst v2;
	v2 =	vadd.f32 v3, v49  }
0x1be: {  	v3 =	vmul.f32 s21, v5;
	v5 =	vld [tilespmem:s31+$0x48C0]  }
0x1bf: {  	v51 =	vld [tilespmem:s31+$0x4940];
	v0 =	vmul.f32 s20, v0;
	[tilespmem:s24+$0xFFFFF130] =	vst v2  }
0x1c0: {  	v2 =	vadd.f32 v3, v10;
	v3 =	vld [tilespmem:s30+$0x48C0];
	v6 =	vsub.f32 v6, v9  }
0x1c1: {  	v10 =	vld [tilespmem:s30+$0x4940];
	v0 =	vadd.f32 v0, v11  }
0x1c2: {  	v11 =	vld [tilespmem:s17+$0xC920];
	[tilespmem:s16+$0x1090] =	vst v2;
	v2 =	vsub.f32 v50, v7;
	v6 =	vmul.f32 s25, v6  }
0x1c3: {  	v52 =	vld [tilespmem:s18+$0xC8A0];
	[tilespmem:s16+$0x1110] =	vst v0  }
0x1c4: {  	v0 =	vmul.f32 s26, v2;
	v2 =	vsub.f32 v51, v5;
	v53 =	vld [tilespmem:s19+$0xC8A0];
	v6 =	vadd.f32 v6, v9  }
0x1c5: {  	v9 =	vld [tilespmem:s18+$0xC920]  }
0x1c6: {  	v0 =	vadd.f32 v0, v7;
	v2 =	vmul.f32 s28, v2;
	v7 =	vsub.f32 v10, v3;
	[tilespmem:s24+$0xFFFFF1C0] =	vst v6;
	v6 =	vld [tilespmem:s19+$0xC920]  }
0x1c7: {  	v10 =	vld [tilespmem:s23+$0x48D0]  }
0x1c8: {  	v11 =	vsub.f32 v11, v8;
	[tilespmem:s24+$0xFFFFF040] =	vst v0;
	v0 =	vadd.f32 v2, v5;
	v2 =	vmul.f32 s29, v7;
	v5 =	vld [tilespmem:s23+$0x4950]  }
0x1c9: {  	v7 =	vld [tilespmem:s0+$0x48D0]  }
0x1ca: {  	v11 =	vmul.f32 s22, v11;
	v9 =	vsub.f32 v9, v52;
	[tilespmem:s24+$0xFFFFF0C0] =	vst v0;
	v0 =	vld [tilespmem:s0+$0x4950];
	v2 =	vadd.f32 v2, v3  }
0x1cb: {  	v3 =	vld [tilespmem:s31+$0x48D0]  }
0x1cc: {  	v8 =	vadd.f32 v11, v8;
	v11 =	vld [tilespmem:s31+$0x4950];
	v9 =	vmul.f32 s21, v9;
	v6 =	vsub.f32 v6, v53;
	[tilespmem:s24+$0xFFFFF140] =	vst v2  }
0x1cd: {  	v2 =	vld [tilespmem:s30+$0x48D0];
	v5 =	vsub.f32 v5, v10  }
0x1ce: {  	[tilespmem:s16+$0x1020] =	vst v8;
	v8 =	vadd.f32 v9, v52;
	v6 =	vmul.f32 s20, v6;
	v9 =	vld [tilespmem:s30+$0x4950]  }
0x1cf: {  	v54 =	vld [tilespmem:s17+$0xC8B0];
	v0 =	vsub.f32 v0, v7;
	v5 =	vmul.f32 s25, v5  }
0x1d0: {  	[tilespmem:s16+$0x10A0] =	vst v8;
	v6 =	vadd.f32 v6, v53;
	v8 =	vld [tilespmem:s17+$0xC930]  }
0x1d1: {  	v11 =	vsub.f32 v11, v3;
	v0 =	vmul.f32 s26, v0;
	v5 =	vadd.f32 v5, v10;
	v10 =	vld [tilespmem:s18+$0xC8B0]  }
0x1d2: {  	[tilespmem:s16+$0x1120] =	vst v6;
	v6 =	vld [tilespmem:s18+$0xC930]  }
0x1d3: {  	v0 =	vadd.f32 v0, v7;
	v7 =	vmul.f32 s28, v11;
	v9 =	vsub.f32 v9, v2;
	[tilespmem:s24+$0xFFFFF1D0] =	vst v5;
	v5 =	vld [tilespmem:s19+$0xC8B0]  }
0x1d4: {  	v11 =	vld [tilespmem:s23+$0x48E0]  }
0x1d5: {  	[tilespmem:s24+$0xFFFFF050] =	vst v0;
	v0 =	vadd.f32 v7, v3;
	v3 =	vmul.f32 s29, v9;
	v7 =	vld [tilespmem:s23+$0x4960]  }
0x1d6: {  	v8 =	vsub.f32 v8, v54;
	v9 =	vld [tilespmem:s0+$0x48E0]  }
0x1d7: {  	v55 =	vld [tilespmem:s0+$0x4960];
	[tilespmem:s24+$0xFFFFF0D0] =	vst v0;
	v0 =	vadd.f32 v3, v2  }
0x1d8: {  	v2 =	vmul.f32 s22, v8;
	v3 =	vsub.f32 v6, v10;
	v6 =	vld [tilespmem:s31+$0x48E0]  }
0x1d9: {  	v8 =	vld [tilespmem:s31+$0x4960];
	[tilespmem:s24+$0xFFFFF150] =	vst v0  }
0x1da: {  	v0 =	vadd.f32 v2, v54;
	v2 =	vmul.f32 s21, v3;
	v3 =	vld [tilespmem:s30+$0x48E0];
	v7 =	vsub.f32 v7, v11  }
0x1db: {  	v56 =	vld [tilespmem:s30+$0x4960]  }
0x1dc: {  	[tilespmem:s16+$0x1030] =	vst v0;
	v0 =	vadd.f32 v2, v10;
	v2 =	vsub.f32 v55, v9;
	v10 =	vld [tilespmem:s19+$0xC930];
	v7 =	vmul.f32 s25, v7  }
0x1dd: {  	v57 =	vld [tilespmem:s17+$0xC8C0]  }
0x1de: {  	[tilespmem:s16+$0x10B0] =	vst v0;
	v0 =	vmul.f32 s26, v2;
	v2 =	vsub.f32 v8, v6;
	v8 =	vld [tilespmem:s17+$0xC940];
	v7 =	vadd.f32 v7, v11  }
0x1df: {  	v11 =	vld [tilespmem:s18+$0xC8C0]  }
0x1e0: {  	v0 =	vadd.f32 v0, v9;
	v2 =	vmul.f32 s28, v2;
	v9 =	vsub.f32 v56, v3;
	[tilespmem:s24+$0xFFFFF1E0] =	vst v7;
	v7 =	vld [tilespmem:s18+$0xC940]  }
0x1e1: {  	v58 =	vld [tilespmem:s23+$0x48F0]  }
0x1e2: {  	v10 =	vsub.f32 v10, v5;
	[tilespmem:s24+$0xFFFFF060] =	vst v0;
	v0 =	vadd.f32 v2, v6;
	v2 =	vmul.f32 s29, v9;
	v6 =	vld [tilespmem:s23+$0x4970]  }
0x1e3: {  	v9 =	vld [tilespmem:s0+$0x48F0]  }
0x1e4: {  	v8 =	vsub.f32 v8, v57;
	v10 =	vmul.f32 s20, v10;
	[tilespmem:s24+$0xFFFFF0E0] =	vst v0;
	v0 =	vld [tilespmem:s0+$0x4970];
	v2 =	vadd.f32 v2, v3  }
0x1e5: {  	v3 =	vld [tilespmem:s31+$0x48F0]  }
0x1e6: {  	v8 =	vmul.f32 s22, v8;
	v5 =	vadd.f32 v10, v5;
	v10 =	vld [tilespmem:s31+$0x4970];
	v7 =	vsub.f32 v7, v11;
	[tilespmem:s24+$0xFFFFF160] =	vst v2  }
0x1e7: {  	v2 =	vld [tilespmem:s30+$0x48F0];
	v6 =	vsub.f32 v6, v58  }
0x1e8: {  	v8 =	vadd.f32 v8, v57;
	[tilespmem:s16+$0x1130] =	vst v5;
	v5 =	vld [tilespmem:s30+$0x4970];
	v7 =	vmul.f32 s21, v7  }
0x1e9: {  	v59 =	vld [tilespmem:s19+$0xC8C0];
	v0 =	vsub.f32 v0, v9;
	v6 =	vmul.f32 s25, v6  }
0x1ea: {  	[tilespmem:s16+$0x1040] =	vst v8;
	v8 =	vld [tilespmem:s19+$0xC940];
	v7 =	vadd.f32 v7, v11  }
0x1eb: {  	v10 =	vsub.f32 v10, v3;
	v11 =	vld [tilespmem:s17+$0xC8D0];
	v0 =	vmul.f32 s26, v0;
	v6 =	vadd.f32 v6, v58  }
0x1ec: {  	[tilespmem:s16+$0x10C0] =	vst v7;
	v7 =	vld [tilespmem:s17+$0xC950]  }
0x1ed: {  	v10 =	vmul.f32 s28, v10;
	v5 =	vsub.f32 v5, v2;
	v9 =	vadd.f32 v0, v9;
	[tilespmem:s24+$0xFFFFF1F0] =	vst v6;
	v0 =	vld [tilespmem:s18+$0xC8D0]  }
0x1ee: {  	v6 =	vld [tilespmem:s23+$0x8880]  }
0x1ef: {  	v3 =	vadd.f32 v10, v3;
	v5 =	vmul.f32 s29, v5;
	[tilespmem:s24+$0xFFFFF070] =	vst v9;
	v9 =	vld [tilespmem:s23+$0x8900]  }
0x1f0: {  	v8 =	vsub.f32 v8, v59;
	v10 =	vld [tilespmem:s0+$0x8880]  }
0x1f1: {  	v60 =	vld [tilespmem:s0+$0x8900];
	[tilespmem:s24+$0xFFFFF0F0] =	vst v3;
	v2 =	vadd.f32 v5, v2  }
0x1f2: {  	v5 =	vmul.f32 s20, v8;
	v3 =	vsub.f32 v7, v11;
	v7 =	vld [tilespmem:s31+$0x8880]  }
0x1f3: {  	v8 =	vld [tilespmem:s31+$0x8900];
	[tilespmem:s24+$0xFFFFF170] =	vst v2  }
0x1f4: {  	v2 =	vmul.f32 s22, v3;
	v3 =	vadd.f32 v5, v59;
	v61 =	vld [tilespmem:s30+$0x8880];
	v5 =	vsub.f32 v9, v6  }
0x1f5: {  	v9 =	vld [tilespmem:s30+$0x8900]  }
0x1f6: {  	v2 =	vadd.f32 v2, v11;
	[tilespmem:s16+$0x1140] =	vst v3;
	v3 =	vsub.f32 v60, v10;
	v11 =	vld [tilespmem:s18+$0xC950];
	v5 =	vmul.f32 s25, v5  }
0x1f7: {  	v62 =	vsub.f32 v1, v4;
	v1 =	vld [tilespmem:s19+$0xC8D0]  }
0x1f8: {  	v8 =	vsub.f32 v8, v7;
	v63 =	vld [tilespmem:s19+$0xC950];
	[tilespmem:s16+$0x1050] =	vst v2;
	v3 =	vmul.f32 s26, v3;
	v5 =	vadd.f32 v5, v6  }
0x1f9: {  	v6 =	vmul.f32 s1, v62;
	v2 =	vld [tilespmem:s17+$0xC8E0]  }
0x1fa: {  	v8 =	vmul.f32 s28, v8;
	v10 =	vadd.f32 v3, v10;
	v9 =	vsub.f32 v9, v61;
	v3 =	vld [tilespmem:s17+$0xC960];
	[tilespmem:s24+$0x180] =	vst v5  }
0x1fb: {  	v4 =	vadd.f32 v6, v4;
	v5 =	vsub.f32 v11, v0;
	v6 =	vld [tilespmem:s23+$0x8890]  }
0x1fc: {  	[tilespmem:s24+$0x0] =	vst v10;
	v10 =	vadd.f32 v8, v7;
	v11 =	vmul.f32 s29, v9;
	v8 =	vld [tilespmem:s23+$0x8910]  }
0x1fd: {  	[tilespmem:s16+$0x11F0] =	vst v4;
	v7 =	vld [tilespmem:s0+$0x8890];
	v4 =	vmul.f32 s21, v5;
	v5 =	vsub.f32 v63, v1  }
0x1fe: {  	s11 =	sadd.s32 $0x4, s11;
	s2 =	simm.s32 $0x4;
	s1 =	sand.u32 $0x1, s15;
	v9 =	vld [tilespmem:s0+$0x8910];
	[tilespmem:s24+$0x80] =	vst v10;
	v10 =	vadd.f32 v11, v61  }
.LBB2_3:
0x1ff: {  	v11 =	vld [tilespmem:s11+$0x1];
	v3 =	vsub.f32 v3, v2;
	v0 =	vadd.f32 v4, v0;
	v4 =	vmul.f32 s20, v5  }
0x200: {  	v5 =	vld [tilespmem:s11+$0xFFFFFFFF];
	[tilespmem:s24+$0x100] =	vst v10  }
0x201: {  	v10 =	vld [tilespmem:s11+$0x0];
	v8 =	vsub.f32 v8, v6;
	v3 =	vmul.f32 s22, v3;
	[tilespmem:s16+$0x10D0] =	vst v0;
	v0 =	vadd.f32 v4, v1  }
0x202: {  	v1 =	vld [tilespmem:s11+$0xFFFFFFFE]  }
0x203: {  	v4 =	vsub.f32 v9, v7;
	v9 =	vld [tilespmem:s31+$0x8890];
	v8 =	vmul.f32 s25, v8;
	v2 =	vadd.f32 v3, v2;
	[tilespmem:s16+$0x1150] =	vst v0  }
0x204: {  	(v2sf) =	vpush v11, $0x0;
	v0 =	vld [tilespmem:s31+$0x8910]  }
0x205: {  	(v2sf) =	vpush v5, $0x0;
	v3 =	vmul.f32 s26, v4;
	v4 =	vld [tilespmem:s30+$0x8890];
	v5 =	vadd.f32 v8, v6;
	[tilespmem:s16+$0x1060] =	vst v2  }
0x206: {  	(v2sf) =	vpush v10, $0x0;
	v2 =	vld [tilespmem:s30+$0x8910]  }
0x207: {  	(v2sf) =	vpush v1, $0x0;
	v1 =	vadd.f32 v3, v7;
	[tilespmem:s24+$0x190] =	vst v5;
	v3 =	vld [tilespmem:s18+$0xC8E0]  }
0x208: {  	v5 =	vld [tilespmem:s23+$0x88A0]  }
0x209: {  	[tilespmem:s24+$0x10] =	vst v1;
	v0 =	vsub.f32 v0, v9;
	v1 =	vld [tilespmem:s23+$0x8920]  }
0x20a: {  	v6 =	vld [tilespmem:s0+$0x88A0]  }
0x20b: {  	v7 =	vld [tilespmem:s0+$0x8920];
	v0 =	vmul.f32 s28, v0;
	v2 =	vsub.f32 v2, v4  }
0x20c: {  	v8 =	vld [tilespmem:s18+$0xC960]  }
0x20d: {  	v0 =	vadd.f32 v0, v9;
	v2 =	vmul.f32 s29, v2;
	v9 =	vld [tilespmem:s19+$0xC8E0]  }
0x20e: {  	v1 =	vsub.f32 v1, v5;
	v10 =	vld [tilespmem:s19+$0xC960]  }
0x20f: {  	[tilespmem:s24+$0x90] =	vst v0;
	v0 =	vadd.f32 v2, v4;
	v2 =	vld [tilespmem:s17+$0xC8F0]  }
0x210: {  	v4 =	vsub.f32 v7, v6;
	v7 =	vld [tilespmem:s31+$0x88A0];
	v1 =	vmul.f32 s25, v1  }
0x211: {  	v11 =	vld [tilespmem:s31+$0x8920];
	[tilespmem:s24+$0x110] =	vst v0;
	v0 =	vsub.f32 v8, v3  }
0x212: {  	v4 =	vmul.f32 s26, v4;
	v8 =	vld [tilespmem:s30+$0x88A0];
	v1 =	vadd.f32 v1, v5  }
0x213: {  	s10 =	spop (v2sf);
	v5 =	vld [tilespmem:s30+$0x8920];
	v0 =	vmul.f32 s21, v0;
	v10 =	vsub.f32 v10, v9  }
0x214: {  	s6 =	scvt.f32.s32 s10;
	s12 =	spop (v2sf)  }
0x215: {  	v4 =	vadd.f32 v4, v6;
	[tilespmem:s24+$0x1A0] =	vst v1;
	v1 =	vld [tilespmem:s17+$0xC970];
	s17 =	smov.u32 s0;
	s0 =	scvt.f32.s32 s12  }
0x216: {  	s13 =	spop (v2sf);
	v6 =	vld [tilespmem:s23+$0x88B0];
	v0 =	vadd.f32 v0, v3;
	v3 =	vmul.f32 s20, v10;
	s5 =	scvt.s32.f32 s6  }
0x217: {  	s3 =	spop (v2sf);
	[tilespmem:s24+$0x20] =	vst v4;
	v4 =	vsub.f32 v11, v7;
	v10 =	vld [tilespmem:s23+$0x8930];
	s8 =	scvt.f32.s32 s13  }
0x218: {  	s7 =	scvt.f32.s32 s3;
	v11 =	vld [tilespmem:s17+$0x88B0];
	[tilespmem:s16+$0x10E0] =	vst v0;
	v0 =	vadd.f32 v3, v9;
	s9 =	scvt.s32.f32 s0  }
0x219: {  	p1 =	slt.f32 s10, s5;
	v3 =	vld [tilespmem:s17+$0x8930];
	v4 =	vmul.f32 s28, v4;
	v5 =	vsub.f32 v5, v8;
	s4 =	scvt.s32.f32 s8  }
0x21a: {  	s5 =	scvt.s32.f32 s7;
	v1 =	vsub.f32 v1, v2;
	v9 =	vld [tilespmem:s18+$0xC8F0];
	[tilespmem:s16+$0x1160] =	vst v0;
	p3 =	slt.f32 s12, s9;
	s9 =	simm.s32 $0x1  }
0x21b: {  	s9 =	simm.s32 @!p1 $0x0;
	v0 =	vadd.f32 v4, v7;
	v4 =	vmul.f32 s29, v5;
	v5 =	vld [tilespmem:s18+$0xC970];
	s18 =	smov.u32 s31;
	p1 =	slt.f32 s13, s4  }
0x21c: {  	p2 =	slt.f32 s3, s5;
	s4 =	ssub.s32 s6, s9;
	s5 =	simm.s32 $0x1  }
0x21d: {  	v7 =	vsub.f32 v10, v6;
	v1 =	vmul.f32 s22, v1;
	v10 =	vld [tilespmem:s19+$0xC8F0];
	s6 =	simm.s32 $0x1;
	s5 =	simm.s32 @!p3 $0x0;
	p3 =	sgt.s32 s4, $0x0  }
0x21e: {  	[tilespmem:s24+$0xA0] =	vst v0;
	v0 =	vadd.f32 v4, v8;
	v4 =	vld [tilespmem:s19+$0xC970];
	s19 =	smov.u32 s30;
	s6 =	simm.s32 @!p2 $0x0;
	s0 =	ssub.s32 s0, s5  }
0x21f: {  	s4 =	simm.s32 @!p3 $0x0;
	v3 =	vsub.f32 v3, v11;
	v8 =	vld [tilespmem:s18+$0x88B0];
	v7 =	vmul.f32 s25, v7;
	v1 =	vadd.f32 v1, v2;
	s5 =	ssub.s32 s7, s6;
	s6 =	simm.s32 $0x1  }
0x220: {  	s4 =	smin.u32 s4, $0x7E;
	v2 =	vld [tilespmem:s18+$0x8930];
	[tilespmem:s24+$0x120] =	vst v0;
	s6 =	simm.s32 @!p1 $0x0  }
0x221: {  	p1 =	sgt.s32 s5, $0x0;
	v0 =	vmul.f32 s26, v3;
	v6 =	vadd.f32 v7, v6;
	s7 =	ssub.s32 s8, s6;
	s6 =	sshll.u32 s4, $0x7;
	v3 =	vld [tilespmem:s19+$0x88B0];
	[tilespmem:s16+$0x1070] =	vst v1;
	v1 =	vsub.f32 v5, v9  }
0x222: {  	s5 =	simm.s32 @!p1 $0x0;
	p1 =	sgt.s32 s0, $0x0;
	p2 =	sgt.s32 s7, $0x0;
	v5 =	vld [tilespmem:s6+$0x880]  }
0x223: {  	s2 =	sadd.s32 $0x4, s2;
	s0 =	simm.s32 @!p1 $0x0;
	v0 =	vadd.f32 v0, v11;
	v4 =	vsub.f32 v4, v10;
	s7 =	simm.s32 @!p2 $0x0;
	v7 =	vld [tilespmem:s6+$0x900];
	[tilespmem:s24+$0x1B0] =	vst v6;
	v1 =	vmul.f32 s21, v1  }
0x224: {  	s5 =	smin.u32 s5, $0x7E;
	p1 =	slt.u32 s2, $0x1C;
	s8 =	smin.u32 s0, $0x7E;
	v6 =	vld [tilespmem:s23+$0x88C0]  }
0x225: {  	s0 =	sshll.u32 s5, $0x7;
	s31 =	sshll.u32 s8, $0x7;
	s7 =	smin.u32 s7, $0x7E;
	v4 =	vmul.f32 s20, v4;
	[tilespmem:s24+$0x30] =	vst v0;
	v0 =	vsub.f32 v2, v8;
	v2 =	vld [tilespmem:s23+$0x8940];
	v1 =	vadd.f32 v1, v9  }
0x226: {  	s4 =	scvt.s32.f32 s4;
	s5 =	scvt.s32.f32 s5;
	s30 =	sshll.u32 s7, $0x7;
	v9 =	vld [tilespmem:s0+$0x880]  }
0x227: {  	s22 =	smov.u32 s26;
	s8 =	scvt.s32.f32 s8;
	s7 =	scvt.s32.f32 s7;
	v11 =	vld [tilespmem:s0+$0x900];
	v0 =	vmul.f32 s28, v0;
	[tilespmem:s16+$0x10F0] =	vst v1;
	v1 =	vadd.f32 v4, v10  }
0x228: {  	s10 =	ssub.f32 s10, s4;
	s21 =	smov.u32 s28;
	s20 =	smov.u32 s29;
	v4 =	vld [tilespmem:s31+$0x880];
	v7 =	vsub.f32 v7, v5  }
0x229: {  	s26 =	ssub.f32 s3, s5;
	v10 =	vld [tilespmem:s31+$0x900];
	v0 =	vadd.f32 v0, v8;
	[tilespmem:s16+$0x1170] =	vst v1;
	s16 =	smov.u32 s24  }
0x22a: {  	s28 =	ssub.f32 s12, s8;
	v1 =	vld [tilespmem:s30+$0x880];
	v7 =	vmul.f32 s10, v7;
	v2 =	vsub.f32 v2, v6  }
0x22b: {  	s29 =	ssub.f32 s13, s7;
	v8 =	vld [tilespmem:s30+$0x900];
	[tilespmem:s24+$0xB0] =	vst v0  }
0x22c: {  	v0 =	vsub.f32 v11, v9;
	v5 =	vadd.f32 v7, v5;
	v7 =	vld [tilespmem:s19+$0x8930];
	v2 =	vmul.f32 s25, v2  }
0x22d: {  	s24 =	sadd.s32 $0x200, s24;
	v11 =	vld [tilespmem:s17+$0x88C0]  }
0x22e: {  	v0 =	vmul.f32 s26, v0;
	v10 =	vsub.f32 v10, v4;
	[tilespmem:s24+$0xFFFFE180] =	vst v5;
	v5 =	vld [tilespmem:s17+$0x8940];
	v2 =	vadd.f32 v2, v6  }
0x22f: {  	v6 =	vld [tilespmem:s6+$0x890]  }
0x230: {  	v0 =	vadd.f32 v0, v9;
	v9 =	vmul.f32 s28, v10;
	v8 =	vsub.f32 v8, v1;
	v10 =	vld [tilespmem:s6+$0x910];
	[tilespmem:s16+$0x1C0] =	vst v2  }
0x231: {  	v2 =	vsub.f32 v7, v3;
	v7 =	vld [tilespmem:s23+$0x88D0]  }
0x232: {  	[tilespmem:s24+$0xFFFFE000] =	vst v0;
	v0 =	vadd.f32 v9, v4;
	v4 =	vmul.f32 s29, v8;
	v8 =	vld [tilespmem:s23+$0x8950]  }
0x233: {  	v9 =	vld [tilespmem:s0+$0x890];
	v5 =	vsub.f32 v5, v11;
	v2 =	vmul.f32 s20, v2  }
0x234: {  	v12 =	vld [tilespmem:s0+$0x910];
	[tilespmem:s24+$0xFFFFE080] =	vst v0;
	v0 =	vadd.f32 v4, v1  }
0x235: {  	v1 =	vld [tilespmem:s31+$0x890];
	v4 =	vsub.f32 v10, v6;
	v5 =	vmul.f32 s22, v5;
	v2 =	vadd.f32 v2, v3  }
0x236: {  	v3 =	vld [tilespmem:s31+$0x910];
	[tilespmem:s24+$0xFFFFE100] =	vst v0  }
0x237: {  	v0 =	vld [tilespmem:s30+$0x890];
	v4 =	vmul.f32 s10, v4;
	v5 =	vadd.f32 v5, v11;
	[tilespmem:s16+$0x130] =	vst v2;
	v2 =	vsub.f32 v8, v7  }
0x238: {  	v8 =	vld [tilespmem:s30+$0x910]  }
0x239: {  	v10 =	vsub.f32 v12, v9;
	v4 =	vadd.f32 v4, v6;
	[tilespmem:s16+$0x40] =	vst v5;
	v5 =	vld [tilespmem:s18+$0x88C0];
	v2 =	vmul.f32 s25, v2  }
0x23a: {  	v6 =	vld [tilespmem:s18+$0x8940]  }
0x23b: {  	v10 =	vmul.f32 s26, v10;
	v3 =	vsub.f32 v3, v1;
	[tilespmem:s24+$0xFFFFE190] =	vst v4;
	v4 =	vld [tilespmem:s19+$0x88C0];
	v2 =	vadd.f32 v2, v7  }
0x23c: {  	v7 =	vld [tilespmem:s6+$0x8A0]  }
0x23d: {  	v9 =	vadd.f32 v10, v9;
	v3 =	vmul.f32 s28, v3;
	v8 =	vsub.f32 v8, v0;
	v10 =	vld [tilespmem:s6+$0x920];
	[tilespmem:s16+$0x1D0] =	vst v2  }
0x23e: {  	v2 =	vld [tilespmem:s23+$0x88E0]  }
0x23f: {  	[tilespmem:s24+$0xFFFFE010] =	vst v9;
	v1 =	vadd.f32 v3, v1;
	v3 =	vmul.f32 s29, v8;
	v6 =	vsub.f32 v6, v5;
	v8 =	vld [tilespmem:s23+$0x8960]  }
0x240: {  	v9 =	vld [tilespmem:s0+$0x8A0]  }
0x241: {  	v11 =	vld [tilespmem:s0+$0x920];
	[tilespmem:s24+$0xFFFFE090] =	vst v1;
	v0 =	vadd.f32 v3, v0;
	v1 =	vmul.f32 s21, v6  }
0x242: {  	v3 =	vld [tilespmem:s31+$0x8A0];
	v6 =	vsub.f32 v10, v7  }
0x243: {  	v10 =	vld [tilespmem:s31+$0x920];
	[tilespmem:s24+$0xFFFFE110] =	vst v0;
	v0 =	vadd.f32 v1, v5  }
0x244: {  	v1 =	vld [tilespmem:s30+$0x8A0];
	v5 =	vmul.f32 s10, v6;
	v6 =	vsub.f32 v8, v2  }
0x245: {  	v8 =	vld [tilespmem:s30+$0x920];
	[tilespmem:s16+$0xC0] =	vst v0  }
0x246: {  	v0 =	vsub.f32 v11, v9;
	v5 =	vadd.f32 v5, v7;
	v7 =	vld [tilespmem:s19+$0x8940];
	v6 =	vmul.f32 s25, v6  }
0x247: {  	v11 =	vld [tilespmem:s17+$0x88D0]  }
0x248: {  	v0 =	vmul.f32 s26, v0;
	v10 =	vsub.f32 v10, v3;
	[tilespmem:s24+$0xFFFFE1A0] =	vst v5;
	v5 =	vld [tilespmem:s17+$0x8950];
	v2 =	vadd.f32 v6, v2  }
0x249: {  	v6 =	vld [tilespmem:s6+$0x8B0]  }
0x24a: {  	v0 =	vadd.f32 v0, v9;
	v9 =	vmul.f32 s28, v10;
	v8 =	vsub.f32 v8, v1;
	v10 =	vld [tilespmem:s6+$0x930];
	[tilespmem:s16+$0x1E0] =	vst v2  }
0x24b: {  	v2 =	vsub.f32 v7, v4;
	v7 =	vld [tilespmem:s23+$0x88F0]  }
0x24c: {  	[tilespmem:s24+$0xFFFFE020] =	vst v0;
	v0 =	vadd.f32 v9, v3;
	v3 =	vmul.f32 s29, v8;
	v8 =	vld [tilespmem:s23+$0x8970]  }
0x24d: {  	v9 =	vld [tilespmem:s0+$0x8B0];
	v5 =	vsub.f32 v5, v11;
	v2 =	vmul.f32 s20, v2  }
0x24e: {  	v12 =	vld [tilespmem:s0+$0x930];
	[tilespmem:s24+$0xFFFFE0A0] =	vst v0;
	v0 =	vadd.f32 v3, v1  }
0x24f: {  	v1 =	vld [tilespmem:s31+$0x8B0];
	v3 =	vsub.f32 v10, v6;
	v5 =	vmul.f32 s22, v5;
	v2 =	vadd.f32 v2, v4  }
0x250: {  	v4 =	vld [tilespmem:s31+$0x930];
	[tilespmem:s24+$0xFFFFE120] =	vst v0  }
0x251: {  	v0 =	vld [tilespmem:s30+$0x8B0];
	v3 =	vmul.f32 s10, v3;
	v5 =	vadd.f32 v5, v11;
	[tilespmem:s16+$0x140] =	vst v2;
	v2 =	vsub.f32 v8, v7  }
0x252: {  	v8 =	vld [tilespmem:s30+$0x930]  }
0x253: {  	v10 =	vsub.f32 v12, v9;
	v3 =	vadd.f32 v3, v6;
	[tilespmem:s16+$0x50] =	vst v5;
	v5 =	vld [tilespmem:s18+$0x88D0];
	v2 =	vmul.f32 s25, v2  }
0x254: {  	v6 =	vld [tilespmem:s18+$0x8950]  }
0x255: {  	v10 =	vmul.f32 s26, v10;
	v4 =	vsub.f32 v4, v1;
	[tilespmem:s24+$0xFFFFE1B0] =	vst v3;
	v3 =	vld [tilespmem:s19+$0x88D0];
	v2 =	vadd.f32 v2, v7  }
0x256: {  	v7 =	vld [tilespmem:s6+$0x8C0]  }
0x257: {  	v9 =	vadd.f32 v10, v9;
	v4 =	vmul.f32 s28, v4;
	v8 =	vsub.f32 v8, v0;
	v10 =	vld [tilespmem:s6+$0x940];
	[tilespmem:s16+$0x1F0] =	vst v2  }
0x258: {  	v2 =	vld [tilespmem:s23+$0xC880]  }
0x259: {  	[tilespmem:s24+$0xFFFFE030] =	vst v9;
	v1 =	vadd.f32 v4, v1;
	v4 =	vmul.f32 s29, v8;
	v6 =	vsub.f32 v6, v5;
	v8 =	vld [tilespmem:s23+$0xC900]  }
0x25a: {  	v9 =	vld [tilespmem:s0+$0x8C0]  }
0x25b: {  	v11 =	vld [tilespmem:s0+$0x940];
	[tilespmem:s24+$0xFFFFE0B0] =	vst v1;
	v0 =	vadd.f32 v4, v0;
	v1 =	vmul.f32 s21, v6  }
0x25c: {  	v4 =	vld [tilespmem:s31+$0x8C0];
	v6 =	vsub.f32 v10, v7  }
0x25d: {  	v10 =	vld [tilespmem:s31+$0x940];
	[tilespmem:s24+$0xFFFFE130] =	vst v0;
	v0 =	vadd.f32 v1, v5  }
0x25e: {  	v1 =	vld [tilespmem:s30+$0x8C0];
	v5 =	vmul.f32 s10, v6;
	v6 =	vsub.f32 v8, v2  }
0x25f: {  	v8 =	vld [tilespmem:s30+$0x940];
	[tilespmem:s16+$0xD0] =	vst v0  }
0x260: {  	v0 =	vsub.f32 v11, v9;
	v5 =	vadd.f32 v5, v7;
	v7 =	vld [tilespmem:s19+$0x8950];
	v6 =	vmul.f32 s25, v6  }
0x261: {  	v11 =	vld [tilespmem:s17+$0x88E0]  }
0x262: {  	v0 =	vmul.f32 s26, v0;
	v10 =	vsub.f32 v10, v4;
	[tilespmem:s24+$0xFFFFE1C0] =	vst v5;
	v5 =	vld [tilespmem:s17+$0x8960];
	v2 =	vadd.f32 v6, v2  }
0x263: {  	v6 =	vld [tilespmem:s6+$0x8D0]  }
0x264: {  	v0 =	vadd.f32 v0, v9;
	v9 =	vmul.f32 s28, v10;
	v8 =	vsub.f32 v8, v1;
	v10 =	vld [tilespmem:s6+$0x950];
	[tilespmem:s16+$0x1180] =	vst v2  }
0x265: {  	v2 =	vsub.f32 v7, v3;
	v7 =	vld [tilespmem:s23+$0xC890]  }
0x266: {  	[tilespmem:s24+$0xFFFFE040] =	vst v0;
	v0 =	vadd.f32 v9, v4;
	v4 =	vmul.f32 s29, v8;
	v8 =	vld [tilespmem:s23+$0xC910]  }
0x267: {  	v9 =	vld [tilespmem:s0+$0x8D0];
	v5 =	vsub.f32 v5, v11;
	v2 =	vmul.f32 s20, v2  }
0x268: {  	v12 =	vld [tilespmem:s0+$0x950];
	[tilespmem:s24+$0xFFFFE0C0] =	vst v0;
	v0 =	vadd.f32 v4, v1  }
0x269: {  	v1 =	vld [tilespmem:s31+$0x8D0];
	v4 =	vsub.f32 v10, v6;
	v5 =	vmul.f32 s22, v5;
	v2 =	vadd.f32 v2, v3  }
0x26a: {  	v3 =	vld [tilespmem:s31+$0x950];
	[tilespmem:s24+$0xFFFFE140] =	vst v0  }
0x26b: {  	v0 =	vld [tilespmem:s30+$0x8D0];
	v4 =	vmul.f32 s10, v4;
	v5 =	vadd.f32 v5, v11;
	[tilespmem:s16+$0x150] =	vst v2;
	v2 =	vsub.f32 v8, v7  }
0x26c: {  	v8 =	vld [tilespmem:s30+$0x950]  }
0x26d: {  	v10 =	vsub.f32 v12, v9;
	v4 =	vadd.f32 v4, v6;
	[tilespmem:s16+$0x60] =	vst v5;
	v5 =	vld [tilespmem:s18+$0x88E0];
	v2 =	vmul.f32 s25, v2  }
0x26e: {  	v6 =	vld [tilespmem:s18+$0x8960]  }
0x26f: {  	v10 =	vmul.f32 s26, v10;
	v3 =	vsub.f32 v3, v1;
	[tilespmem:s24+$0xFFFFE1D0] =	vst v4;
	v4 =	vld [tilespmem:s19+$0x88E0];
	v2 =	vadd.f32 v2, v7  }
0x270: {  	v7 =	vld [tilespmem:s6+$0x8E0]  }
0x271: {  	v9 =	vadd.f32 v10, v9;
	v3 =	vmul.f32 s28, v3;
	v8 =	vsub.f32 v8, v0;
	v10 =	vld [tilespmem:s6+$0x960];
	[tilespmem:s16+$0x1190] =	vst v2  }
0x272: {  	v2 =	vld [tilespmem:s23+$0xC8A0]  }
0x273: {  	[tilespmem:s24+$0xFFFFE050] =	vst v9;
	v1 =	vadd.f32 v3, v1;
	v3 =	vmul.f32 s29, v8;
	v6 =	vsub.f32 v6, v5;
	v8 =	vld [tilespmem:s23+$0xC920]  }
0x274: {  	v9 =	vld [tilespmem:s0+$0x8E0]  }
0x275: {  	v11 =	vld [tilespmem:s0+$0x960];
	[tilespmem:s24+$0xFFFFE0D0] =	vst v1;
	v0 =	vadd.f32 v3, v0;
	v1 =	vmul.f32 s21, v6  }
0x276: {  	v3 =	vld [tilespmem:s31+$0x8E0];
	v6 =	vsub.f32 v10, v7  }
0x277: {  	v10 =	vld [tilespmem:s31+$0x960];
	[tilespmem:s24+$0xFFFFE150] =	vst v0;
	v0 =	vadd.f32 v1, v5  }
0x278: {  	v1 =	vld [tilespmem:s30+$0x8E0];
	v5 =	vmul.f32 s10, v6;
	v6 =	vsub.f32 v8, v2  }
0x279: {  	v8 =	vld [tilespmem:s30+$0x960];
	[tilespmem:s16+$0xE0] =	vst v0  }
0x27a: {  	v0 =	vsub.f32 v11, v9;
	v5 =	vadd.f32 v5, v7;
	v7 =	vld [tilespmem:s19+$0x8960];
	v6 =	vmul.f32 s25, v6  }
0x27b: {  	v11 =	vld [tilespmem:s17+$0x88F0]  }
0x27c: {  	v0 =	vmul.f32 s26, v0;
	v10 =	vsub.f32 v10, v3;
	[tilespmem:s24+$0xFFFFE1E0] =	vst v5;
	v5 =	vld [tilespmem:s17+$0x8970];
	v2 =	vadd.f32 v6, v2  }
0x27d: {  	v6 =	vld [tilespmem:s6+$0x8F0]  }
0x27e: {  	v0 =	vadd.f32 v0, v9;
	v9 =	vmul.f32 s28, v10;
	v8 =	vsub.f32 v8, v1;
	v10 =	vld [tilespmem:s6+$0x970];
	[tilespmem:s16+$0x11A0] =	vst v2  }
0x27f: {  	v2 =	vsub.f32 v7, v4;
	v7 =	vld [tilespmem:s23+$0xC8B0]  }
0x280: {  	[tilespmem:s24+$0xFFFFE060] =	vst v0;
	v0 =	vadd.f32 v9, v3;
	v3 =	vmul.f32 s29, v8;
	v8 =	vld [tilespmem:s23+$0xC930]  }
0x281: {  	v9 =	vld [tilespmem:s0+$0x8F0];
	v5 =	vsub.f32 v5, v11;
	v2 =	vmul.f32 s20, v2  }
0x282: {  	v12 =	vld [tilespmem:s0+$0x970];
	[tilespmem:s24+$0xFFFFE0E0] =	vst v0;
	v0 =	vadd.f32 v3, v1  }
0x283: {  	v1 =	vld [tilespmem:s31+$0x8F0];
	v3 =	vsub.f32 v10, v6;
	v5 =	vmul.f32 s22, v5;
	v2 =	vadd.f32 v2, v4  }
0x284: {  	v4 =	vld [tilespmem:s31+$0x970];
	[tilespmem:s24+$0xFFFFE160] =	vst v0  }
0x285: {  	v0 =	vld [tilespmem:s30+$0x8F0];
	v3 =	vmul.f32 s10, v3;
	v5 =	vadd.f32 v5, v11;
	[tilespmem:s16+$0x160] =	vst v2;
	v2 =	vsub.f32 v8, v7  }
0x286: {  	v8 =	vld [tilespmem:s30+$0x970]  }
0x287: {  	v10 =	vsub.f32 v12, v9;
	v3 =	vadd.f32 v3, v6;
	[tilespmem:s16+$0x70] =	vst v5;
	v5 =	vld [tilespmem:s18+$0x88F0];
	v2 =	vmul.f32 s25, v2  }
0x288: {  	v6 =	vld [tilespmem:s18+$0x8970]  }
0x289: {  	v10 =	vmul.f32 s26, v10;
	v4 =	vsub.f32 v4, v1;
	[tilespmem:s24+$0xFFFFE1F0] =	vst v3;
	v3 =	vld [tilespmem:s19+$0x88F0];
	v2 =	vadd.f32 v2, v7  }
0x28a: {  	v7 =	vld [tilespmem:s6+$0x4880]  }
0x28b: {  	v9 =	vadd.f32 v10, v9;
	v4 =	vmul.f32 s28, v4;
	v8 =	vsub.f32 v8, v0;
	v10 =	vld [tilespmem:s6+$0x4900];
	[tilespmem:s16+$0x11B0] =	vst v2  }
0x28c: {  	v2 =	vld [tilespmem:s23+$0xC8C0]  }
0x28d: {  	[tilespmem:s24+$0xFFFFE070] =	vst v9;
	v1 =	vadd.f32 v4, v1;
	v4 =	vmul.f32 s29, v8;
	v6 =	vsub.f32 v6, v5;
	v8 =	vld [tilespmem:s23+$0xC940]  }
0x28e: {  	v9 =	vld [tilespmem:s0+$0x4880]  }
0x28f: {  	v11 =	vld [tilespmem:s0+$0x4900];
	[tilespmem:s24+$0xFFFFE0F0] =	vst v1;
	v0 =	vadd.f32 v4, v0;
	v1 =	vmul.f32 s21, v6  }
0x290: {  	v4 =	vld [tilespmem:s31+$0x4880];
	v6 =	vsub.f32 v10, v7  }
0x291: {  	v10 =	vld [tilespmem:s31+$0x4900];
	[tilespmem:s24+$0xFFFFE170] =	vst v0;
	v0 =	vadd.f32 v1, v5  }
0x292: {  	v1 =	vld [tilespmem:s30+$0x4880];
	v5 =	vmul.f32 s10, v6;
	v6 =	vsub.f32 v8, v2  }
0x293: {  	v8 =	vld [tilespmem:s30+$0x4900];
	[tilespmem:s16+$0xF0] =	vst v0  }
0x294: {  	v0 =	vsub.f32 v11, v9;
	v5 =	vadd.f32 v5, v7;
	v7 =	vld [tilespmem:s19+$0x8970];
	v6 =	vmul.f32 s25, v6  }
0x295: {  	v11 =	vld [tilespmem:s17+$0xC880]  }
0x296: {  	v0 =	vmul.f32 s26, v0;
	v10 =	vsub.f32 v10, v4;
	[tilespmem:s24+$0xFFFFF180] =	vst v5;
	v5 =	vld [tilespmem:s17+$0xC900];
	v2 =	vadd.f32 v6, v2  }
0x297: {  	v6 =	vld [tilespmem:s6+$0x4890]  }
0x298: {  	v0 =	vadd.f32 v0, v9;
	v9 =	vmul.f32 s28, v10;
	v8 =	vsub.f32 v8, v1;
	v10 =	vld [tilespmem:s6+$0x4910];
	[tilespmem:s16+$0x11C0] =	vst v2  }
0x299: {  	v2 =	vsub.f32 v7, v3;
	v7 =	vld [tilespmem:s23+$0xC8D0]  }
0x29a: {  	[tilespmem:s24+$0xFFFFF000] =	vst v0;
	v0 =	vadd.f32 v9, v4;
	v4 =	vmul.f32 s29, v8;
	v8 =	vld [tilespmem:s23+$0xC950]  }
0x29b: {  	v9 =	vld [tilespmem:s0+$0x4890];
	v5 =	vsub.f32 v5, v11;
	v2 =	vmul.f32 s20, v2  }
0x29c: {  	v12 =	vld [tilespmem:s0+$0x4910];
	[tilespmem:s24+$0xFFFFF080] =	vst v0;
	v0 =	vadd.f32 v4, v1  }
0x29d: {  	v1 =	vld [tilespmem:s31+$0x4890];
	v4 =	vsub.f32 v10, v6;
	v5 =	vmul.f32 s22, v5;
	v2 =	vadd.f32 v2, v3  }
0x29e: {  	v3 =	vld [tilespmem:s31+$0x4910];
	[tilespmem:s24+$0xFFFFF100] =	vst v0  }
0x29f: {  	v0 =	vld [tilespmem:s30+$0x4890];
	v4 =	vmul.f32 s10, v4;
	v5 =	vadd.f32 v5, v11;
	[tilespmem:s16+$0x170] =	vst v2;
	v2 =	vsub.f32 v8, v7  }
0x2a0: {  	v8 =	vld [tilespmem:s30+$0x4910]  }
0x2a1: {  	v10 =	vsub.f32 v12, v9;
	v4 =	vadd.f32 v4, v6;
	[tilespmem:s16+$0x1000] =	vst v5;
	v5 =	vld [tilespmem:s18+$0xC880];
	v2 =	vmul.f32 s25, v2  }
0x2a2: {  	v6 =	vld [tilespmem:s18+$0xC900]  }
0x2a3: {  	v10 =	vmul.f32 s26, v10;
	v3 =	vsub.f32 v3, v1;
	[tilespmem:s24+$0xFFFFF190] =	vst v4;
	v4 =	vld [tilespmem:s19+$0xC880];
	v2 =	vadd.f32 v2, v7  }
0x2a4: {  	v7 =	vld [tilespmem:s6+$0x48A0]  }
0x2a5: {  	v9 =	vadd.f32 v10, v9;
	v3 =	vmul.f32 s28, v3;
	v8 =	vsub.f32 v8, v0;
	v10 =	vld [tilespmem:s6+$0x4920];
	[tilespmem:s16+$0x11D0] =	vst v2  }
0x2a6: {  	v2 =	vld [tilespmem:s23+$0xC8E0]  }
0x2a7: {  	[tilespmem:s24+$0xFFFFF010] =	vst v9;
	v1 =	vadd.f32 v3, v1;
	v3 =	vmul.f32 s29, v8;
	v6 =	vsub.f32 v6, v5;
	v8 =	vld [tilespmem:s23+$0xC960]  }
0x2a8: {  	v9 =	vld [tilespmem:s0+$0x48A0]  }
0x2a9: {  	v11 =	vld [tilespmem:s0+$0x4920];
	[tilespmem:s24+$0xFFFFF090] =	vst v1;
	v0 =	vadd.f32 v3, v0;
	v1 =	vmul.f32 s21, v6  }
0x2aa: {  	v3 =	vld [tilespmem:s31+$0x48A0];
	v6 =	vsub.f32 v10, v7  }
0x2ab: {  	v10 =	vld [tilespmem:s31+$0x4920];
	[tilespmem:s24+$0xFFFFF110] =	vst v0;
	v0 =	vadd.f32 v1, v5  }
0x2ac: {  	v1 =	vld [tilespmem:s30+$0x48A0];
	v5 =	vmul.f32 s10, v6;
	v6 =	vsub.f32 v8, v2  }
0x2ad: {  	v8 =	vld [tilespmem:s30+$0x4920];
	[tilespmem:s16+$0x1080] =	vst v0  }
0x2ae: {  	v0 =	vsub.f32 v11, v9;
	v5 =	vadd.f32 v5, v7;
	v7 =	vld [tilespmem:s19+$0xC900];
	v6 =	vmul.f32 s25, v6  }
0x2af: {  	v11 =	vld [tilespmem:s17+$0xC890]  }
0x2b0: {  	v0 =	vmul.f32 s26, v0;
	v10 =	vsub.f32 v10, v3;
	[tilespmem:s24+$0xFFFFF1A0] =	vst v5;
	v5 =	vld [tilespmem:s17+$0xC910];
	v2 =	vadd.f32 v6, v2  }
0x2b1: {  	v6 =	vld [tilespmem:s6+$0x48B0]  }
0x2b2: {  	v0 =	vadd.f32 v0, v9;
	v9 =	vmul.f32 s28, v10;
	v8 =	vsub.f32 v8, v1;
	v10 =	vld [tilespmem:s6+$0x4930];
	[tilespmem:s16+$0x11E0] =	vst v2  }
0x2b3: {  	v2 =	vsub.f32 v7, v4;
	v7 =	vld [tilespmem:s23+$0xC8F0]  }
0x2b4: {  	[tilespmem:s24+$0xFFFFF020] =	vst v0;
	v0 =	vadd.f32 v9, v3;
	v3 =	vmul.f32 s29, v8;
	v8 =	vld [tilespmem:s23+$0xC970];
	s23 =	smov.u32 s6  }
0x2b5: {  	v9 =	vld [tilespmem:s0+$0x48B0];
	v5 =	vsub.f32 v5, v11;
	v2 =	vmul.f32 s20, v2  }
0x2b6: {  	v12 =	vld [tilespmem:s0+$0x4930];
	[tilespmem:s24+$0xFFFFF0A0] =	vst v0;
	v0 =	vadd.f32 v3, v1  }
0x2b7: {  	v1 =	vld [tilespmem:s31+$0x48B0];
	v3 =	vmul.f32 s22, v5;
	v2 =	vadd.f32 v2, v4  }
0x2b8: {  	v4 =	vld [tilespmem:s31+$0x4930];
	[tilespmem:s24+$0xFFFFF120] =	vst v0;
	v0 =	vsub.f32 v10, v6  }
0x2b9: {  	v5 =	vld [tilespmem:s30+$0x48B0];
	v3 =	vadd.f32 v3, v11;
	[tilespmem:s16+$0x1100] =	vst v2;
	v2 =	vsub.f32 v8, v7  }
0x2ba: {  	v8 =	vld [tilespmem:s30+$0x4930];
	v0 =	vmul.f32 s10, v0  }
0x2bb: {  	v10 =	vsub.f32 v12, v9;
	[tilespmem:s16+$0x1010] =	vst v3;
	v3 =	vld [tilespmem:s18+$0xC890];
	v2 =	vmul.f32 s25, v2;
	s25 =	smov.u32 s10  }
0x2bc: {  	v0 =	vadd.f32 v0, v6;
	v6 =	vld [tilespmem:s18+$0xC910]  }
0x2bd: {  	v10 =	vmul.f32 s26, v10;
	v4 =	vsub.f32 v4, v1;
	v11 =	vld [tilespmem:s19+$0xC890];
	v2 =	vadd.f32 v2, v7  }
0x2be: {  	[tilespmem:s24+$0xFFFFF1B0] =	vst v0;
	v0 =	vld [tilespmem:s19+$0xC910]  }
0x2bf: {  	v7 =	vadd.f32 v10, v9;
	v4 =	vmul.f32 s28, v4;
	v8 =	vsub.f32 v8, v5;
	v9 =	vld [tilespmem:s17+$0xC8A0];
	[tilespmem:s16+$0x11F0] =	vst v2  }
0x2c0: {  	v2 =	vld [tilespmem:s23+$0x48C0]  }
0x2c1: {  	[tilespmem:s24+$0xFFFFF030] =	vst v7;
	v1 =	vadd.f32 v4, v1;
	v4 =	vmul.f32 s29, v8;
	v7 =	vld [tilespmem:s23+$0x4940];
	v6 =	vsub.f32 v6, v3  }
0x2c2: {  	v8 =	vld [tilespmem:s0+$0x48C0]  }
0x2c3: {  	v10 =	vld [tilespmem:s0+$0x4940];
	[tilespmem:s24+$0xFFFFF0B0] =	vst v1;
	v1 =	vadd.f32 v4, v5;
	v4 =	vmul.f32 s21, v6;
	v0 =	vsub.f32 v0, v11  }
0x2c4: {  	v5 =	vld [tilespmem:s31+$0x48C0]  }
0x2c5: {  	v6 =	vld [tilespmem:s31+$0x4940];
	[tilespmem:s24+$0xFFFFF130] =	vst v1;
	v1 =	vadd.f32 v4, v3;
	v0 =	vmul.f32 s20, v0  }
0x2c6: {  	v3 =	vld [tilespmem:s30+$0x48C0];
	v4 =	vsub.f32 v7, v2  }
0x2c7: {  	v7 =	vld [tilespmem:s30+$0x4940];
	[tilespmem:s16+$0x1090] =	vst v1;
	v0 =	vadd.f32 v0, v11  }
0x2c8: {  	v1 =	vsub.f32 v10, v8;
	v4 =	vmul.f32 s25, v4;
	v10 =	vld [tilespmem:s17+$0xC920]  }
0x2c9: {  	v11 =	vld [tilespmem:s18+$0xC8A0];
	[tilespmem:s16+$0x1110] =	vst v0  }
0x2ca: {  	v0 =	vmul.f32 s26, v1;
	v1 =	vsub.f32 v6, v5;
	v2 =	vadd.f32 v4, v2;
	v4 =	vld [tilespmem:s18+$0xC920]  }
0x2cb: {  	v6 =	vld [tilespmem:s19+$0xC8A0]  }
0x2cc: {  	v0 =	vadd.f32 v0, v8;
	v1 =	vmul.f32 s28, v1;
	v7 =	vsub.f32 v7, v3;
	[tilespmem:s24+$0xFFFFF1C0] =	vst v2;
	v2 =	vld [tilespmem:s19+$0xC920]  }
0x2cd: {  	v8 =	vld [tilespmem:s23+$0x48D0];
	v10 =	vsub.f32 v10, v9  }
0x2ce: {  	[tilespmem:s24+$0xFFFFF040] =	vst v0;
	v0 =	vadd.f32 v1, v5;
	v1 =	vmul.f32 s29, v7;
	v5 =	vld [tilespmem:s23+$0x4950]  }
0x2cf: {  	v7 =	vld [tilespmem:s0+$0x48D0];
	v10 =	vmul.f32 s22, v10;
	v4 =	vsub.f32 v4, v11  }
0x2d0: {  	v12 =	vld [tilespmem:s0+$0x4950];
	[tilespmem:s24+$0xFFFFF0C0] =	vst v0;
	v0 =	vadd.f32 v1, v3  }
0x2d1: {  	v1 =	vld [tilespmem:s31+$0x48D0];
	v3 =	vadd.f32 v10, v9;
	v4 =	vmul.f32 s21, v4;
	v2 =	vsub.f32 v2, v6  }
0x2d2: {  	v9 =	vld [tilespmem:s31+$0x4950];
	[tilespmem:s24+$0xFFFFF140] =	vst v0  }
0x2d3: {  	v0 =	vld [tilespmem:s30+$0x48D0];
	v5 =	vsub.f32 v5, v8;
	[tilespmem:s16+$0x1020] =	vst v3;
	v3 =	vadd.f32 v4, v11;
	v2 =	vmul.f32 s20, v2  }
0x2d4: {  	v4 =	vld [tilespmem:s30+$0x4950]  }
0x2d5: {  	v10 =	vsub.f32 v12, v7;
	v5 =	vmul.f32 s25, v5;
	v11 =	vld [tilespmem:s17+$0xC8B0];
	[tilespmem:s16+$0x10A0] =	vst v3;
	v2 =	vadd.f32 v2, v6  }
0x2d6: {  	v3 =	vld [tilespmem:s17+$0xC930]  }
0x2d7: {  	v6 =	vmul.f32 s26, v10;
	v9 =	vsub.f32 v9, v1;
	v5 =	vadd.f32 v5, v8;
	v8 =	vld [tilespmem:s18+$0xC8B0];
	[tilespmem:s16+$0x1120] =	vst v2  }
0x2d8: {  	v2 =	vld [tilespmem:s18+$0xC930]  }
0x2d9: {  	v6 =	vadd.f32 v6, v7;
	v7 =	vmul.f32 s28, v9;
	v4 =	vsub.f32 v4, v0;
	[tilespmem:s24+$0xFFFFF1D0] =	vst v5;
	v5 =	vld [tilespmem:s19+$0xC8B0]  }
0x2da: {  	v9 =	vld [tilespmem:s23+$0x48E0]  }
0x2db: {  	[tilespmem:s24+$0xFFFFF050] =	vst v6;
	v1 =	vadd.f32 v7, v1;
	v4 =	vmul.f32 s29, v4;
	v6 =	vld [tilespmem:s23+$0x4960];
	v3 =	vsub.f32 v3, v11  }
0x2dc: {  	v7 =	vld [tilespmem:s0+$0x48E0]  }
0x2dd: {  	v10 =	vld [tilespmem:s0+$0x4960];
	[tilespmem:s24+$0xFFFFF0D0] =	vst v1;
	v0 =	vadd.f32 v4, v0;
	v1 =	vmul.f32 s22, v3;
	v2 =	vsub.f32 v2, v8  }
0x2de: {  	v3 =	vld [tilespmem:s31+$0x48E0]  }
0x2df: {  	v4 =	vld [tilespmem:s31+$0x4960];
	[tilespmem:s24+$0xFFFFF150] =	vst v0;
	v0 =	vadd.f32 v1, v11;
	v1 =	vmul.f32 s21, v2  }
0x2e0: {  	v2 =	vld [tilespmem:s30+$0x48E0];
	v6 =	vsub.f32 v6, v9  }
0x2e1: {  	v11 =	vld [tilespmem:s30+$0x4960];
	[tilespmem:s16+$0x1030] =	vst v0;
	v0 =	vadd.f32 v1, v8  }
0x2e2: {  	v1 =	vsub.f32 v10, v7;
	v6 =	vmul.f32 s25, v6;
	v8 =	vld [tilespmem:s19+$0xC930]  }
0x2e3: {  	v10 =	vld [tilespmem:s17+$0xC8C0];
	[tilespmem:s16+$0x10B0] =	vst v0  }
0x2e4: {  	v0 =	vmul.f32 s26, v1;
	v1 =	vsub.f32 v4, v3;
	v4 =	vadd.f32 v6, v9;
	v6 =	vld [tilespmem:s17+$0xC940]  }
0x2e5: {  	v9 =	vld [tilespmem:s18+$0xC8C0]  }
0x2e6: {  	v0 =	vadd.f32 v0, v7;
	v1 =	vmul.f32 s28, v1;
	v7 =	vsub.f32 v11, v2;
	[tilespmem:s24+$0xFFFFF1E0] =	vst v4;
	v4 =	vld [tilespmem:s18+$0xC940]  }
0x2e7: {  	v11 =	vld [tilespmem:s23+$0x48F0];
	v8 =	vsub.f32 v8, v5  }
0x2e8: {  	[tilespmem:s24+$0xFFFFF060] =	vst v0;
	v0 =	vadd.f32 v1, v3;
	v1 =	vmul.f32 s29, v7;
	v3 =	vld [tilespmem:s23+$0x4970]  }
0x2e9: {  	v7 =	vld [tilespmem:s0+$0x48F0];
	v6 =	vsub.f32 v6, v10;
	v8 =	vmul.f32 s20, v8  }
0x2ea: {  	v12 =	vld [tilespmem:s0+$0x4970];
	[tilespmem:s24+$0xFFFFF0E0] =	vst v0;
	v0 =	vadd.f32 v1, v2  }
0x2eb: {  	v1 =	vld [tilespmem:s31+$0x48F0];
	v2 =	vmul.f32 s22, v6;
	v4 =	vsub.f32 v4, v9;
	v5 =	vadd.f32 v8, v5  }
0x2ec: {  	v6 =	vld [tilespmem:s31+$0x4970];
	[tilespmem:s24+$0xFFFFF160] =	vst v0  }
0x2ed: {  	v8 =	vld [tilespmem:s30+$0x48F0];
	v0 =	vsub.f32 v3, v11;
	v2 =	vadd.f32 v2, v10;
	v3 =	vmul.f32 s21, v4;
	[tilespmem:s16+$0x1130] =	vst v5  }
0x2ee: {  	v4 =	vld [tilespmem:s30+$0x4970]  }
0x2ef: {  	v5 =	vsub.f32 v12, v7;
	v0 =	vmul.f32 s25, v0;
	[tilespmem:s16+$0x1040] =	vst v2;
	v2 =	vadd.f32 v3, v9;
	v3 =	vld [tilespmem:s19+$0xC8C0]  }
0x2f0: {  	v9 =	vld [tilespmem:s19+$0xC940]  }
0x2f1: {  	v5 =	vmul.f32 s26, v5;
	v6 =	vsub.f32 v6, v1;
	v0 =	vadd.f32 v0, v11;
	v10 =	vld [tilespmem:s17+$0xC8D0];
	[tilespmem:s16+$0x10C0] =	vst v2  }
0x2f2: {  	v2 =	vld [tilespmem:s17+$0xC950]  }
0x2f3: {  	v5 =	vadd.f32 v5, v7;
	v6 =	vmul.f32 s28, v6;
	v4 =	vsub.f32 v4, v8;
	[tilespmem:s24+$0xFFFFF1F0] =	vst v0;
	v0 =	vld [tilespmem:s18+$0xC8D0]  }
0x2f4: {  	v7 =	vld [tilespmem:s23+$0x8880]  }
0x2f5: {  	[tilespmem:s24+$0xFFFFF070] =	vst v5;
	v1 =	vadd.f32 v6, v1;
	v4 =	vmul.f32 s29, v4;
	v5 =	vld [tilespmem:s23+$0x8900];
	v6 =	vsub.f32 v9, v3  }
0x2f6: {  	v9 =	vld [tilespmem:s0+$0x8880]  }
0x2f7: {  	v11 =	vld [tilespmem:s0+$0x8900];
	[tilespmem:s24+$0xFFFFF0F0] =	vst v1;
	v1 =	vadd.f32 v4, v8;
	v2 =	vsub.f32 v2, v10;
	v4 =	vmul.f32 s20, v6  }
0x2f8: {  	v8 =	vld [tilespmem:s31+$0x8880]  }
0x2f9: {  	v6 =	vld [tilespmem:s31+$0x8900];
	[tilespmem:s24+$0xFFFFF170] =	vst v1;
	v1 =	vmul.f32 s22, v2;
	v2 =	vadd.f32 v4, v3  }
0x2fa: {  	v12 =	vld [tilespmem:s30+$0x8880];
	v3 =	vsub.f32 v5, v7  }
0x2fb: {  	v4 =	vld [tilespmem:s30+$0x8900];
	v1 =	vadd.f32 v1, v10;
	[tilespmem:s16+$0x1140] =	vst v2  }
0x2fc: {  	v2 =	vsub.f32 v11, v9;
	v3 =	vmul.f32 s25, v3;
	v5 =	vld [tilespmem:s18+$0xC950]  }
0x2fd: {  	[tilespmem:s16+$0x1050] =	vst v1;
	v1 =	vld [tilespmem:s19+$0xC8D0]  }
0x2fe: {  	v10 =	vmul.f32 s26, v2;
	v6 =	vsub.f32 v6, v8;
	v3 =	vadd.f32 v3, v7;
	v11 =	vld [tilespmem:s19+$0xC950]  }
0x2ff: {  	v2 =	vld [tilespmem:s17+$0xC8E0]  }
.Ltmp0:
0x300: {  	v7 =	vadd.f32 v10, v9;
	v9 =	vmul.f32 s28, v6;
	v4 =	vsub.f32 v4, v12;
	[tilespmem:s24+$0x180] =	vst v3;
	v3 =	vld [tilespmem:s17+$0xC960];
	(pc) =	sbr.rel @p1 .LBB2_3-.Ltmp0, $4  }
0x301: {  	v6 =	vld [tilespmem:s23+$0x8890];
	v5 =	vsub.f32 v5, v0  }
0x302: {  	[tilespmem:s24+$0x0] =	vst v7;
	v10 =	vadd.f32 v9, v8;
	v13 =	vmul.f32 s29, v4;
	v8 =	vld [tilespmem:s23+$0x8910]  }
0x303: {  	v7 =	vld [tilespmem:s0+$0x8890];
	v4 =	vmul.f32 s21, v5;
	v5 =	vsub.f32 v11, v1  }
0x304: {  	s11 =	sadd.s32 $0x4, s11;
	v9 =	vld [tilespmem:s0+$0x8910];
	[tilespmem:s24+$0x80] =	vst v10;
	v10 =	vadd.f32 v13, v12  }
0x305: {  	v11 =	vld [tilespmem:s31+$0x8890]  }
0x306: {  	v34 =	vld [tilespmem:s31+$0x8910];
	[tilespmem:s24+$0x100] =	vst v10  }
0x307: {  	v8 =	vsub.f32 v8, v6;
	v12 =	vld [tilespmem:s30+$0x8890]  }
0x308: {  	v13 =	vld [tilespmem:s30+$0x8910]  }
0x309: {  	v9 =	vsub.f32 v9, v7;
	v8 =	vmul.f32 s25, v8;
	_ =	sdelay $0x1  }
0x30a: {  	v36 =	vsub.f32 v34, v11;
	v9 =	vmul.f32 s26, v9;
	v35 =	vadd.f32 v8, v6;
	_ =	sdelay $0x1  }
0x30b: {  	v38 =	vmul.f32 s28, v36;
	v39 =	vsub.f32 v13, v12;
	v37 =	vadd.f32 v9, v7;
	[tilespmem:s24+$0x190] =	vst v35  }
0x30c: {  	v40 =	vld [tilespmem:s23+$0x88A0]  }
0x30d: {  	v41 =	vld [tilespmem:s23+$0x8920];
	v6 =	vadd.f32 v38, v11;
	v8 =	vmul.f32 s29, v39;
	[tilespmem:s24+$0x10] =	vst v37  }
0x30e: {  	v42 =	vld [tilespmem:s0+$0x88A0]  }
0x30f: {  	v43 =	vld [tilespmem:s0+$0x8920];
	[tilespmem:s24+$0x90] =	vst v6;
	v44 =	vadd.f32 v8, v12  }
0x310: {  	v45 =	vld [tilespmem:s31+$0x88A0]  }
0x311: {  	v46 =	vld [tilespmem:s31+$0x8920];
	[tilespmem:s24+$0x110] =	vst v44  }
0x312: {  	v47 =	vsub.f32 v41, v40;
	v48 =	vld [tilespmem:s30+$0x88A0]  }
0x313: {  	v49 =	vld [tilespmem:s30+$0x8920]  }
0x314: {  	v11 =	vsub.f32 v43, v42;
	v6 =	vmul.f32 s25, v47;
	_ =	sdelay $0x1  }
0x315: {  	v50 =	vsub.f32 v46, v45;
	v11 =	vmul.f32 s26, v11;
	v6 =	vadd.f32 v6, v40;
	_ =	sdelay $0x1  }
0x316: {  	v51 =	vmul.f32 s28, v50;
	v52 =	vsub.f32 v49, v48;
	v10 =	vadd.f32 v11, v42;
	[tilespmem:s24+$0x1A0] =	vst v6  }
0x317: {  	v53 =	vld [tilespmem:s23+$0x88B0]  }
0x318: {  	v54 =	vld [tilespmem:s23+$0x8930];
	v6 =	vadd.f32 v51, v45;
	v55 =	vmul.f32 s29, v52;
	[tilespmem:s24+$0x20] =	vst v10  }
0x319: {  	v56 =	vld [tilespmem:s0+$0x88B0]  }
0x31a: {  	v57 =	vld [tilespmem:s0+$0x8930];
	[tilespmem:s24+$0xA0] =	vst v6;
	v58 =	vadd.f32 v55, v48  }
0x31b: {  	v59 =	vld [tilespmem:s31+$0x88B0]  }
0x31c: {  	v60 =	vld [tilespmem:s31+$0x8930];
	[tilespmem:s24+$0x120] =	vst v58  }
0x31d: {  	v61 =	vsub.f32 v54, v53;
	v62 =	vld [tilespmem:s30+$0x88B0]  }
0x31e: {  	v63 =	vld [tilespmem:s30+$0x8930]  }
0x31f: {  	v12 =	vsub.f32 v57, v56;
	v6 =	vmul.f32 s25, v61;
	_ =	sdelay $0x1  }
0x320: {  	v8 =	vsub.f32 v60, v59;
	v12 =	vmul.f32 s26, v12;
	v6 =	vadd.f32 v6, v53;
	_ =	sdelay $0x1  }
0x321: {  	v15 =	vmul.f32 s28, v8;
	v16 =	vsub.f32 v63, v62;
	v9 =	vadd.f32 v12, v56;
	[tilespmem:s24+$0x1B0] =	vst v6  }
0x322: {  	v17 =	vld [tilespmem:s23+$0x88C0]  }
0x323: {  	v18 =	vld [tilespmem:s23+$0x8940];
	v6 =	vadd.f32 v15, v59;
	v19 =	vmul.f32 s29, v16;
	[tilespmem:s24+$0x30] =	vst v9  }
0x324: {  	v20 =	vld [tilespmem:s0+$0x88C0]  }
0x325: {  	[tilespmem:s24+$0xB0] =	vst v6;
	v21 =	vld [tilespmem:s0+$0x8940];
	v7 =	vadd.f32 v19, v62  }
0x326: {  	v22 =	vld [tilespmem:s31+$0x88C0]  }
0x327: {  	v23 =	vld [tilespmem:s31+$0x8940];
	[tilespmem:s24+$0x130] =	vst v7  }
0x328: {  	v9 =	vsub.f32 v18, v17;
	v24 =	vld [tilespmem:s30+$0x88C0]  }
0x329: {  	v25 =	vld [tilespmem:s30+$0x8940]  }
0x32a: {  	v9 =	vmul.f32 s25, v9;
	v6 =	vsub.f32 v21, v20;
	_ =	sdelay $0x1  }
0x32b: {  	v7 =	vsub.f32 v23, v22;
	v9 =	vadd.f32 v9, v17;
	v6 =	vmul.f32 s26, v6;
	_ =	sdelay $0x1  }
0x32c: {  	v7 =	vmul.f32 s28, v7;
	v26 =	vsub.f32 v25, v24;
	[tilespmem:s24+$0x1C0] =	vst v9;
	v6 =	vadd.f32 v6, v20  }
0x32d: {  	v9 =	vld [tilespmem:s23+$0x88D0]  }
0x32e: {  	v27 =	vld [tilespmem:s23+$0x8950];
	v28 =	vadd.f32 v7, v22;
	v29 =	vmul.f32 s29, v26;
	[tilespmem:s24+$0x40] =	vst v6  }
0x32f: {  	v30 =	vld [tilespmem:s0+$0x88D0]  }
0x330: {  	[tilespmem:s24+$0xC0] =	vst v28;
	v31 =	vld [tilespmem:s0+$0x8950];
	v7 =	vadd.f32 v29, v24  }
0x331: {  	v32 =	vld [tilespmem:s31+$0x88D0]  }
0x332: {  	v33 =	vld [tilespmem:s31+$0x8950];
	[tilespmem:s24+$0x140] =	vst v7  }
0x333: {  	v11 =	vsub.f32 v27, v9;
	v34 =	vld [tilespmem:s30+$0x88D0]  }
0x334: {  	v35 =	vld [tilespmem:s30+$0x8950]  }
0x335: {  	v11 =	vmul.f32 s25, v11;
	v6 =	vsub.f32 v31, v30;
	_ =	sdelay $0x1  }
0x336: {  	v7 =	vsub.f32 v33, v32;
	v9 =	vadd.f32 v11, v9;
	v6 =	vmul.f32 s26, v6;
	_ =	sdelay $0x1  }
0x337: {  	v7 =	vmul.f32 s28, v7;
	v36 =	vsub.f32 v35, v34;
	[tilespmem:s24+$0x1D0] =	vst v9;
	v6 =	vadd.f32 v6, v30  }
0x338: {  	v9 =	vld [tilespmem:s23+$0x88E0]  }
0x339: {  	v37 =	vld [tilespmem:s23+$0x8960];
	v38 =	vadd.f32 v7, v32;
	v39 =	vmul.f32 s29, v36;
	[tilespmem:s24+$0x50] =	vst v6  }
0x33a: {  	v40 =	vld [tilespmem:s0+$0x88E0]  }
0x33b: {  	[tilespmem:s24+$0xD0] =	vst v38;
	v41 =	vld [tilespmem:s0+$0x8960];
	v7 =	vadd.f32 v39, v34  }
0x33c: {  	v42 =	vld [tilespmem:s31+$0x88E0]  }
0x33d: {  	v43 =	vld [tilespmem:s31+$0x8960];
	[tilespmem:s24+$0x150] =	vst v7  }
0x33e: {  	v11 =	vsub.f32 v37, v9;
	v44 =	vld [tilespmem:s30+$0x88E0]  }
0x33f: {  	v45 =	vld [tilespmem:s30+$0x8960]  }
0x340: {  	v11 =	vmul.f32 s25, v11;
	v6 =	vsub.f32 v41, v40;
	_ =	sdelay $0x1  }
0x341: {  	v7 =	vsub.f32 v43, v42;
	v9 =	vadd.f32 v11, v9;
	v6 =	vmul.f32 s26, v6;
	_ =	sdelay $0x1  }
0x342: {  	v7 =	vmul.f32 s28, v7;
	v46 =	vsub.f32 v45, v44;
	[tilespmem:s24+$0x1E0] =	vst v9;
	v6 =	vadd.f32 v6, v40  }
0x343: {  	v9 =	vld [tilespmem:s23+$0x88F0]  }
0x344: {  	v47 =	vld [tilespmem:s23+$0x8970];
	v48 =	vadd.f32 v7, v42;
	v49 =	vmul.f32 s29, v46;
	[tilespmem:s24+$0x60] =	vst v6  }
0x345: {  	v50 =	vld [tilespmem:s0+$0x88F0]  }
0x346: {  	[tilespmem:s24+$0xE0] =	vst v48;
	v51 =	vld [tilespmem:s0+$0x8970];
	v7 =	vadd.f32 v49, v44  }
0x347: {  	v52 =	vld [tilespmem:s31+$0x88F0]  }
0x348: {  	v53 =	vld [tilespmem:s31+$0x8970];
	[tilespmem:s24+$0x160] =	vst v7  }
0x349: {  	v11 =	vsub.f32 v47, v9;
	v54 =	vld [tilespmem:s30+$0x88F0]  }
0x34a: {  	v55 =	vld [tilespmem:s30+$0x8970]  }
0x34b: {  	v11 =	vmul.f32 s25, v11;
	v6 =	vsub.f32 v51, v50;
	_ =	sdelay $0x1  }
0x34c: {  	v7 =	vsub.f32 v53, v52;
	v9 =	vadd.f32 v11, v9;
	v6 =	vmul.f32 s26, v6;
	_ =	sdelay $0x1  }
0x34d: {  	v7 =	vmul.f32 s28, v7;
	v56 =	vsub.f32 v55, v54;
	[tilespmem:s24+$0x1F0] =	vst v9;
	v6 =	vadd.f32 v6, v50  }
0x34e: {  	v9 =	vld [tilespmem:s23+$0xC880]  }
0x34f: {  	v57 =	vld [tilespmem:s23+$0xC900];
	v58 =	vadd.f32 v7, v52;
	v59 =	vmul.f32 s29, v56;
	[tilespmem:s24+$0x70] =	vst v6  }
0x350: {  	v60 =	vld [tilespmem:s0+$0xC880]  }
0x351: {  	[tilespmem:s24+$0xF0] =	vst v58;
	v61 =	vld [tilespmem:s0+$0xC900];
	v7 =	vadd.f32 v59, v54  }
0x352: {  	v62 =	vld [tilespmem:s31+$0xC880]  }
0x353: {  	v63 =	vld [tilespmem:s31+$0xC900];
	[tilespmem:s24+$0x170] =	vst v7  }
0x354: {  	v11 =	vsub.f32 v57, v9;
	v16 =	vld [tilespmem:s30+$0xC880]  }
0x355: {  	v17 =	vld [tilespmem:s30+$0xC900]  }
0x356: {  	v11 =	vmul.f32 s25, v11;
	v6 =	vsub.f32 v61, v60;
	_ =	sdelay $0x1  }
0x357: {  	v7 =	vsub.f32 v63, v62;
	v9 =	vadd.f32 v11, v9;
	v6 =	vmul.f32 s26, v6;
	_ =	sdelay $0x1  }
0x358: {  	v7 =	vmul.f32 s28, v7;
	v18 =	vsub.f32 v17, v16;
	[tilespmem:s24+$0x1180] =	vst v9;
	v6 =	vadd.f32 v6, v60  }
0x359: {  	v9 =	vld [tilespmem:s23+$0xC890]  }
0x35a: {  	v19 =	vld [tilespmem:s23+$0xC910];
	v20 =	vadd.f32 v7, v62;
	v21 =	vmul.f32 s29, v18;
	[tilespmem:s24+$0x1000] =	vst v6  }
0x35b: {  	v22 =	vld [tilespmem:s0+$0xC890]  }
0x35c: {  	[tilespmem:s24+$0x1080] =	vst v20;
	v23 =	vld [tilespmem:s0+$0xC910];
	v7 =	vadd.f32 v21, v16  }
0x35d: {  	v24 =	vld [tilespmem:s31+$0xC890]  }
0x35e: {  	v25 =	vld [tilespmem:s31+$0xC910];
	[tilespmem:s24+$0x1100] =	vst v7  }
0x35f: {  	v11 =	vsub.f32 v19, v9;
	v26 =	vld [tilespmem:s30+$0xC890]  }
0x360: {  	v27 =	vld [tilespmem:s30+$0xC910]  }
0x361: {  	v11 =	vmul.f32 s25, v11;
	v6 =	vsub.f32 v23, v22;
	_ =	sdelay $0x1  }
0x362: {  	v7 =	vsub.f32 v25, v24;
	v9 =	vadd.f32 v11, v9;
	v6 =	vmul.f32 s26, v6;
	_ =	sdelay $0x1  }
0x363: {  	v7 =	vmul.f32 s28, v7;
	v28 =	vsub.f32 v27, v26;
	[tilespmem:s24+$0x1190] =	vst v9;
	v6 =	vadd.f32 v6, v22  }
0x364: {  	v9 =	vld [tilespmem:s23+$0xC8A0]  }
0x365: {  	v29 =	vld [tilespmem:s23+$0xC920];
	v30 =	vadd.f32 v7, v24;
	v31 =	vmul.f32 s29, v28;
	[tilespmem:s24+$0x1010] =	vst v6  }
0x366: {  	v32 =	vld [tilespmem:s0+$0xC8A0]  }
0x367: {  	[tilespmem:s24+$0x1090] =	vst v30;
	v33 =	vadd.f32 v31, v26;
	v34 =	vld [tilespmem:s0+$0xC920]  }
0x368: {  	v35 =	vld [tilespmem:s31+$0xC8A0]  }
0x369: {  	v36 =	vld [tilespmem:s31+$0xC920];
	[tilespmem:s24+$0x1110] =	vst v33  }
0x36a: {  	v11 =	vsub.f32 v29, v9;
	v37 =	vld [tilespmem:s30+$0xC8A0]  }
0x36b: {  	v38 =	vld [tilespmem:s30+$0xC920]  }
0x36c: {  	v11 =	vmul.f32 s25, v11;
	v7 =	vsub.f32 v34, v32;
	_ =	sdelay $0x1  }
0x36d: {  	v6 =	vsub.f32 v36, v35;
	v9 =	vadd.f32 v11, v9;
	v7 =	vmul.f32 s26, v7;
	_ =	sdelay $0x1  }
0x36e: {  	v6 =	vmul.f32 s28, v6;
	v39 =	vsub.f32 v38, v37;
	[tilespmem:s24+$0x11A0] =	vst v9;
	v7 =	vadd.f32 v7, v32  }
0x36f: {  	v9 =	vld [tilespmem:s23+$0xC8B0]  }
0x370: {  	v40 =	vld [tilespmem:s23+$0xC930];
	v6 =	vadd.f32 v6, v35;
	v41 =	vmul.f32 s29, v39;
	[tilespmem:s24+$0x1020] =	vst v7  }
0x371: {  	v42 =	vld [tilespmem:s0+$0xC8B0]  }
0x372: {  	[tilespmem:s24+$0x10A0] =	vst v6;
	v43 =	vadd.f32 v41, v37;
	v44 =	vld [tilespmem:s0+$0xC930]  }
0x373: {  	v45 =	vld [tilespmem:s31+$0xC8B0]  }
0x374: {  	v46 =	vld [tilespmem:s31+$0xC930];
	[tilespmem:s24+$0x1120] =	vst v43  }
0x375: {  	v11 =	vsub.f32 v40, v9;
	v47 =	vld [tilespmem:s30+$0xC8B0]  }
0x376: {  	v48 =	vld [tilespmem:s30+$0xC930]  }
0x377: {  	v11 =	vmul.f32 s25, v11;
	v7 =	vsub.f32 v44, v42;
	_ =	sdelay $0x1  }
0x378: {  	v6 =	vsub.f32 v46, v45;
	v9 =	vadd.f32 v11, v9;
	v7 =	vmul.f32 s26, v7;
	_ =	sdelay $0x1  }
0x379: {  	v6 =	vmul.f32 s28, v6;
	v49 =	vsub.f32 v48, v47;
	[tilespmem:s24+$0x11B0] =	vst v9;
	v7 =	vadd.f32 v7, v42  }
0x37a: {  	v9 =	vld [tilespmem:s23+$0xC8C0]  }
0x37b: {  	v50 =	vld [tilespmem:s23+$0xC940];
	v6 =	vadd.f32 v6, v45;
	v51 =	vmul.f32 s29, v49;
	[tilespmem:s24+$0x1030] =	vst v7  }
0x37c: {  	v52 =	vld [tilespmem:s0+$0xC8C0]  }
0x37d: {  	[tilespmem:s24+$0x10B0] =	vst v6;
	v53 =	vld [tilespmem:s0+$0xC940];
	v7 =	vadd.f32 v51, v47  }
0x37e: {  	v54 =	vld [tilespmem:s31+$0xC8C0]  }
0x37f: {  	v55 =	vld [tilespmem:s31+$0xC940];
	[tilespmem:s24+$0x1130] =	vst v7  }
0x380: {  	v56 =	vsub.f32 v50, v9;
	v57 =	vld [tilespmem:s30+$0xC8C0]  }
0x381: {  	v58 =	vld [tilespmem:s30+$0xC940]  }
0x382: {  	v7 =	vmul.f32 s25, v56;
	v6 =	vsub.f32 v53, v52;
	_ =	sdelay $0x1  }
0x383: {  	v59 =	vsub.f32 v55, v54;
	v7 =	vadd.f32 v7, v9;
	v6 =	vmul.f32 s26, v6;
	_ =	sdelay $0x1  }
0x384: {  	v60 =	vmul.f32 s28, v59;
	v61 =	vsub.f32 v58, v57;
	[tilespmem:s24+$0x11C0] =	vst v7;
	v6 =	vadd.f32 v6, v52  }
0x385: {  	v62 =	vld [tilespmem:s23+$0xC8D0]  }
0x386: {  	v63 =	vld [tilespmem:s23+$0xC950];
	v13 =	vadd.f32 v60, v54;
	v14 =	vmul.f32 s29, v61;
	[tilespmem:s24+$0x1040] =	vst v6  }
0x387: {  	v15 =	vld [tilespmem:s0+$0xC8D0]  }
0x388: {  	[tilespmem:s24+$0x10C0] =	vst v13;
	v16 =	vld [tilespmem:s0+$0xC950];
	v7 =	vadd.f32 v14, v57  }
0x389: {  	v17 =	vld [tilespmem:s31+$0xC8D0]  }
0x38a: {  	v3 =	vsub.f32 v3, v2;
	v0 =	vadd.f32 v4, v0;
	v18 =	vmul.f32 s20, v5;
	v19 =	vld [tilespmem:s31+$0xC950];
	[tilespmem:s24+$0x1140] =	vst v7  }
0x38b: {  	v20 =	vsub.f32 v63, v62;
	v21 =	vld [tilespmem:s30+$0xC8D0]  }
0x38c: {  	v3 =	vmul.f32 s22, v3;
	[tilespmem:s16+$0x10D0] =	vst v0;
	v22 =	vadd.f32 v18, v1;
	v23 =	vld [tilespmem:s30+$0xC950]  }
0x38d: {  	v24 =	vld [tilespmem:s18+$0xC8E0];
	v7 =	vmul.f32 s25, v20;
	v6 =	vsub.f32 v16, v15  }
0x38e: {  	v25 =	vadd.f32 v3, v2;
	[tilespmem:s16+$0x1150] =	vst v22;
	v26 =	vld [tilespmem:s18+$0xC960]  }
0x38f: {  	v27 =	vld [tilespmem:s19+$0xC8E0];
	v5 =	vsub.f32 v19, v17;
	v7 =	vadd.f32 v7, v62;
	v6 =	vmul.f32 s26, v6  }
0x390: {  	[tilespmem:s16+$0x1060] =	vst v25;
	v28 =	vld [tilespmem:s19+$0xC960]  }
0x391: {  	v29 =	vld [tilespmem:s17+$0xC8F0];
	v5 =	vmul.f32 s28, v5;
	v1 =	vsub.f32 v23, v21;
	[tilespmem:s24+$0x11D0] =	vst v7;
	v6 =	vadd.f32 v6, v15  }
0x392: {  	v7 =	vld [tilespmem:s23+$0xC8E0]  }
0x393: {  	v30 =	vld [tilespmem:s23+$0xC960];
	v5 =	vadd.f32 v5, v17;
	v1 =	vmul.f32 s29, v1;
	[tilespmem:s24+$0x1050] =	vst v6  }
0x394: {  	v0 =	vsub.f32 v26, v24;
	v6 =	vld [tilespmem:s0+$0xC8E0]  }
0x395: {  	v31 =	vld [tilespmem:s0+$0xC960];
	[tilespmem:s24+$0x10D0] =	vst v5;
	v1 =	vadd.f32 v1, v21  }
0x396: {  	v2 =	vsub.f32 v28, v27;
	v0 =	vmul.f32 s21, v0;
	v5 =	vld [tilespmem:s31+$0xC8E0]  }
0x397: {  	v32 =	vld [tilespmem:s31+$0xC960];
	[tilespmem:s24+$0x1150] =	vst v1  }
0x398: {  	v2 =	vmul.f32 s20, v2;
	v0 =	vadd.f32 v0, v24;
	v33 =	vsub.f32 v30, v7;
	v34 =	vld [tilespmem:s30+$0xC8E0]  }
0x399: {  	v35 =	vld [tilespmem:s30+$0xC960]  }
0x39a: {  	v36 =	vld [tilespmem:s17+$0xC970];
	[tilespmem:s16+$0x10E0] =	vst v0;
	v37 =	vadd.f32 v2, v27;
	v38 =	vmul.f32 s25, v33;
	v39 =	vsub.f32 v31, v6  }
0x39b: {  	v41 =	vld [tilespmem:s18+$0xC970]  }
0x39c: {  	[tilespmem:s16+$0x1160] =	vst v37;
	v40 =	vld [tilespmem:s18+$0xC8F0];
	v1 =	vsub.f32 v32, v5;
	v2 =	vadd.f32 v38, v7;
	v3 =	vmul.f32 s26, v39  }
0x39d: {  	v43 =	vld [tilespmem:s19+$0xC970]  }
0x39e: {  	v42 =	vld [tilespmem:s19+$0xC8F0];
	v1 =	vmul.f32 s28, v1;
	v45 =	vsub.f32 v35, v34;
	[tilespmem:s24+$0x11E0] =	vst v2;
	v44 =	vadd.f32 v3, v6  }
0x39f: {  	v46 =	vld [tilespmem:s23+$0xC8F0]  }
0x3a0: {  	v47 =	vld [tilespmem:s23+$0xC970];
	v1 =	vadd.f32 v1, v5;
	v48 =	vmul.f32 s29, v45;
	[tilespmem:s24+$0x1060] =	vst v44  }
0x3a1: {  	v49 =	vld [tilespmem:s0+$0xC8F0]  }
0x3a2: {  	v50 =	vld [tilespmem:s0+$0xC970];
	[tilespmem:s24+$0x10E0] =	vst v1;
	v51 =	vadd.f32 v48, v34  }
0x3a3: {  	v52 =	vld [tilespmem:s31+$0xC8F0]  }
0x3a4: {  	v53 =	vld [tilespmem:s31+$0xC970];
	[tilespmem:s24+$0x1160] =	vst v51  }
0x3a5: {  	v0 =	vsub.f32 v41, v40;
	v55 =	vld [tilespmem:s30+$0xC8F0]  }
0x3a6: {  	v54 =	vsub.f32 v36, v29;
	v56 =	vld [tilespmem:s30+$0xC970]  }
0x3a7: {  	v0 =	vmul.f32 s21, v0;
	v10 =	vsub.f32 v43, v42  }
0x3a8: {  	v8 =	vmul.f32 s22, v54;
	v11 =	vsub.f32 v47, v46  }
0x3a9: {  	v0 =	vadd.f32 v0, v40;
	v57 =	vmul.f32 s20, v10;
	v5 =	vsub.f32 v50, v49  }
0x3aa: {  	v8 =	vadd.f32 v8, v29;
	v58 =	vmul.f32 s25, v11;
	v1 =	vsub.f32 v53, v52  }
0x3ab: {  	[tilespmem:s16+$0x10F0] =	vst v0;
	v7 =	vadd.f32 v57, v42;
	v5 =	vmul.f32 s26, v5;
	v59 =	vsub.f32 v56, v55  }
0x3ac: {  	[tilespmem:s16+$0x1070] =	vst v8;
	v60 =	vadd.f32 v58, v46;
	v1 =	vmul.f32 s28, v1  }
0x3ad: {  	[tilespmem:s16+$0x1170] =	vst v7;
	v3 =	vadd.f32 v5, v49;
	v61 =	vmul.f32 s29, v59  }
0x3ae: {  	[tilespmem:s24+$0x11F0] =	vst v60;
	v62 =	vadd.f32 v1, v52  }
0x3af: {  	[tilespmem:s24+$0x1070] =	vst v3;
	v63 =	vadd.f32 v61, v55  }
0x3b0: {  	p1 =	seq.s32 s15, $0x0;
	[tilespmem:s24+$0x10F0] =	vst v62  }
0x3b1: {  	s0 =	simm.s32 @!p1 $0x1;
	[tilespmem:s24+$0x1170] =	vst v63  }
0x3b2: {  	_ =	swait.ge @!p1 [sflag:s0], $0x1000  }
0x3b3: {  	[sflag:s0] =	ssyncset.done @!p1 $0x0  }
0x3b4: {  	[sflag:s0] =	ssyncadd.s32 @!p1 $0xFFFFF000  }
0x3b5: {  	_ =	swait.ge @!p1 [sflag:s0], $0x1000  }
0x3b6: {  	[sflag:s0] =	ssyncset.done @!p1 $0x0  }
0x3b7: {  	[sflag:s0] =	ssyncadd.s32 @!p1 $0xFFFFF000  }
0x3b8: {  	_ =	swait.ge @!p1 [sflag:s0], $0x1000  }
0x3b9: {  	[sflag:s0] =	ssyncset.done @!p1 $0x0  }
0x3ba: {  	[sflag:s0] =	ssyncadd.s32 @!p1 $0xFFFFF000  }
0x3bb: {  	_ =	swait.ge @!p1 [sflag:s0], $0x1000  }
0x3bc: {  	s2 =	sshll.u32 s15, $0x9;
	s1 =	sshll.u32 s1, $0xE;
	[sflag:s0] =	ssyncset.done @!p1 $0x0  }
0x3bd: {  	s4 =	simm.s32 $0x0;
	s3 =	rddreg [dreg:$0x4];
	[sflag:s0] =	ssyncadd.s32 @!p1 $0xFFFFF000  }
0x3be: {  	s15 =	sadd.s32 $0x1, s15;
	s2 =	sadd.s32 s3, s2;
	s0 =	rddreg [dreg:$0x2]  }
0x3bf: {  	s25 =	sor.u32 $0x10880, s1;
	s26 =	rddreg [dreg:$0x6];
	s0 =	sadd.s32 s0, s2  }
0x3c0: {  	[hbm4b:s0+s4] =	stream.linear.scatter [tilespmem:s25], [sflag:$0x1], $0x1000, $0x38;
	[tilespmem:$0x18880] =	vst v63  }
0x3c1: {  	s28 =	sor.u32 $0x11880, s1;
	p1 =	sne.s32 s15, $0x40;
	s0 =	sadd.s32 s2, s26  }
0x3c2: {  	[hbm4b:s0+s4] =	stream.linear.scatter [tilespmem:s28], [sflag:$0x1], $0x1000, $0x38;
	[tilespmem:$0x18880] =	vst v63  }
.Ltmp1:
0x3c3: {  	s14 =	sadd.s32 $0x20, s14;
	s29 =	rddreg [dreg:$0x7];
	(pc) =	sbr.rel @p1 .LBB2_2-.Ltmp1, $4  }
0x3c4: {  	s30 =	sor.u32 $0x12880, s1;
	s31 =	rddreg [dreg:$0x8];
	s0 =	sadd.s32 s2, s29  }
0x3c5: {  	[hbm4b:s0+s4] =	stream.linear.scatter [tilespmem:s30], [sflag:$0x1], $0x1000, $0x38;
	[tilespmem:$0x18880] =	vst v63  }
0x3c6: {  	p0 =	por !p0, !p0;
	s1 =	sor.u32 $0x13880, s1;
	s0 =	sadd.s32 s2, s31  }
0x3c7: {  	[hbm4b:s0+s4] =	stream.linear.scatter [tilespmem:s1], [sflag:$0x1], $0x1000, $0x38;
	[tilespmem:$0x18880] =	vst v63  }
0x3c8: {  	s1 =	simm.s32 $0x1  }
0x3c9: {  	_ =	swait.ge [sflag:s1], $0x1000  }
0x3ca: {  	[sflag:s1] =	ssyncset.done $0x0  }
0x3cb: {  	[sflag:s1] =	ssyncadd.s32 $0xFFFFF000  }
0x3cc: {  	_ =	swait.ge [sflag:s1], $0x1000  }
0x3cd: {  	[sflag:s1] =	ssyncset.done $0x0  }
0x3ce: {  	[sflag:s1] =	ssyncadd.s32 $0xFFFFF000  }
0x3cf: {  	_ =	swait.ge [sflag:s1], $0x1000  }
0x3d0: {  	[sflag:s1] =	ssyncset.done $0x0  }
0x3d1: {  	[sflag:s1] =	ssyncadd.s32 $0xFFFFF000  }
0x3d2: {  	_ =	swait.ge [sflag:s1], $0x1000  }
0x3d3: {  	s2 =	rddreg [dreg:$0xa]  }
0x3d4: {  	s0 =	rddreg [dreg:$0x9];
	s2 =	sadd.s32 $0x1, s2  }
0x3d5: {  	p0 =	sne.s32 s2, s0  }
.Ltmp2:
0x3d6: {  	_ = 	snop;
	(pc) =	sbr.rel @p0 .LBB2_1-.Ltmp2, $3  }
0x3d7: {  	_ =	sdelay $0x1  }
0x3d8: {  	[sflag:s1] =	ssyncset.done $0x0  }
0x3d9: {  	[sflag:s1] =	ssyncadd.s32 $0xFFFFF000  }
0x3da: {  	_ =	sfence.sel $0x180000  }
0x3db: {  	[bflag:$0x0] =	sbarrier.arrive $0xFFFF  }
0x3dc: {  	_ =	strace $0x90000047  }
0x3dd: {  	s0 =	stileid.u32;
	[bflag:$0x2] =	sbarrier.arrive $0xFFFF  }
0x3de: {  	p0 =	sne.s32 s0, $0x0;
	s0 =	rddreg [dreg:$0x3]  }
0x3df: {  	s0 =	sadd.s32 @!p0 $0x100000, s0  }
0x3e0: {  	[sflag:s0] =	ssyncadd.tile.s32 @!p0 $0x1;
	_ =	shalt  }
.Lfunc_end2:
_tile_overlayer_lowered:
.L_overlay_start_2:
0x3e1: {  	(tag) =	ssettag $0x2  }
0x3e2: {  	s0 =	rddreg [dreg:$0x0];
	s2 =	stileid.u32  }
0x3e3: {  	s1 =	rddreg [dreg:$0x1];
	p0 =	sne.s32 s2, $0x0  }
0x3e4: {  	s3 =	rddreg [dreg:$0x2];
	[bflag:$0x3] =	sbarrier.arrive $0xFFFF;
	s2 =	simm.s32 @!p0 $0x1C02  }
0x3e5: {  	[timem:s3], [sflag:s2] =	dma.local @!p0 [hbm:s0], s1  }
0x3e6: {  	s0 =	simm.s32 @!p0 $0x2  }
0x3e7: {  	_ =	swait.ge @!p0 [sflag:s0], s1  }
0x3e8: {  	s1 =	ssub.s32 @!p0 $0x0, s1;
	[sflag:s0] =	ssyncset.done @!p0 $0x0  }
0x3e9: {  	[sflag:s0] =	ssyncadd.s32 @!p0 s1  }
0x3ea: {  	[bflag:$0x3] =	sbarrier.arrive $0xFFFF  }
0x3eb: {  	_ =	shalt  }

</sc_bundles>
